<compile_context>
chip_gen: v7x
topology: tpu7x:2x2x1
jax: 0.10.2.dev20260603
libtpu: 0.0.44.dev20260713+nightly
codegen_flags: <defaults>
</compile_context>

<pallas_src>
import jax
import jax.numpy as jnp
from jax import lax
from jax.experimental import pallas as pl
from jax.experimental.pallas import tpu as pltpu
from jax.experimental.pallas import tpu_sc as plsc

_VOCAB = 1000
_D = 10
_ROWS, _COLS = 16384, 200
_N = _ROWS * _COLS
_NC, _NS = 2, 16
_NW = _NC * _NS
_PER_W = _N // _NW
_CHUNK = 5120
_N_CHUNKS = _PER_W // _CHUNK
_GROUPS = _CHUNK // 16
_UNROLL = 4


def _sc_body(x_hbm, wt_hbm, out_hbm, table_v,
             idx0, idx1, out0, out1, sin0, sin1, sout0, sout1):
    wid = lax.axis_index("s") * _NC + lax.axis_index("c")
    wbase = wid * _PER_W
    pltpu.sync_copy(wt_hbm, table_v)

    idx_bufs = (idx0, idx1)
    out_bufs = (out0, out1)
    sins = (sin0, sin1)
    souts = (sout0, sout1)

    def idx_copy(k, b):
        return pltpu.make_async_copy(
            x_hbm.at[pl.ds(wbase + k * _CHUNK, _CHUNK)], idx_bufs[b], sins[b])

    def out_copies(k, b):
        base = wbase + k * _CHUNK
        return [
            pltpu.make_async_copy(
                out_bufs[b].at[pl.ds(d * _CHUNK, _CHUNK)],
                out_hbm.at[pl.ds(d * _N + base, _CHUNK)],
                souts[b])
            for d in range(_D)
        ]

    def compute(b):
        idx_v = idx_bufs[b]
        out_v = out_bufs[b]

        @plsc.parallel_loop(0, _GROUPS, unroll=_UNROLL)
        def _group(g):
            iv = idx_v[pl.ds(g * 16, 16)]
            for d in range(_D):
                v = plsc.load_gather(table_v, [iv + (d * _VOCAB)])
                out_v[pl.ds(d * _CHUNK + g * 16, 16)] = v

    idx_copy(0, 0).start()
    idx_copy(1, 1).start()
    for b in range(2):
        idx_copy(b, b).wait()
        compute(b)
        for c in out_copies(b, b):
            c.start()
        idx_copy(b + 2, b).start()

    @pl.loop(2, _N_CHUNKS, step=2)
    def _chunks(k0):
        for b in range(2):
            k = k0 + b
            idx_copy(k, b).wait()
            for c in out_copies(k, b):
                c.wait()
            compute(b)
            for c in out_copies(k, b):
                c.start()
            k_next = jnp.minimum(k + 2, _N_CHUNKS - 1)
            idx_copy(k_next, b).start()

    for b in range(2):
        idx_copy(0, b).wait()
        for c in out_copies(0, b):
            c.wait()


@jax.jit
def kernel(x, W):
    xp = x.T.reshape(_COLS // 8, 8, _ROWS // 128, 128)
    x_flat = xp.transpose(0, 2, 1, 3).reshape(-1)
    wt_flat = W.T.reshape(-1)
    mesh = plsc.VectorSubcoreMesh(
        core_axis_name="c", subcore_axis_name="s",
        num_cores=_NC, num_subcores=_NS,
    )
    out = pl.kernel(
        _sc_body,
        out_type=jax.ShapeDtypeStruct((_D * _N,), jnp.float32),
        mesh=mesh,
        compiler_params=pltpu.CompilerParams(needs_layout_passes=False),
        scratch_types=[
            pltpu.VMEM((_VOCAB * _D,), jnp.float32),
            pltpu.VMEM((_CHUNK,), jnp.int32),
            pltpu.VMEM((_CHUNK,), jnp.int32),
            pltpu.VMEM((_CHUNK * _D,), jnp.float32),
            pltpu.VMEM((_CHUNK * _D,), jnp.float32),
            pltpu.SemaphoreType.DMA,
            pltpu.SemaphoreType.DMA,
            pltpu.SemaphoreType.DMA,
            pltpu.SemaphoreType.DMA,
        ],
    )(x_flat, wt_flat)
    t = out.reshape(_D, _COLS // 8, _ROWS // 128, 8, 128)
    return t.transpose(2, 4, 1, 3, 0).reshape(_ROWS, _COLS, _D)

# --- scband reference (transcript-rebuilt; emitter-appended) ---
"""Pipeline reference for scband-embedding-transfer-90580860273117 (READ-ONLY COPY).

The authoritative reference and input builder live on the scoring server;
editing this copy changes nothing except your own understanding.
"""

import jax, jax.numpy as jnp
import numpy as np

VOCAB = 1000
EMBED_DIM = 10

def setup_inputs(seed: int = 0) -> dict:
    key = jax.random.key(seed)
    k1, k2 = jax.random.split(key)
    x = jax.random.randint(k1, (16384, 200), 0, VOCAB, dtype=jnp.int64 if jax.config.jax_enable_x64 else jnp.int32)
    # Learned parameter: the precomputed embedding table (trainable tf.Variable in the original)
    W = jax.random.normal(k2, (VOCAB, EMBED_DIM), dtype=jnp.float32) * 0.05
    return {"x": x, "W": W}

def reference(x, W):
    # Faithful translation of: tf.gather(self.w, x)
    return jnp.take(W, x, axis=0)

if __name__ == "__main__":
    import jax
    _d = setup_inputs()
    print(jax.jit(kernel)(*tuple(_d.values())))

</pallas_src>

<mosaic_0001>
#map = affine_map<(d0, d1) -> (0)>
module attributes {stable_mosaic.version = 14 : i64} {
  func.func @_sc_body(%arg0: i32, %arg1: i32, %arg2: memref<3276800xi32, #tpu.memory_space<hbm>>, %arg3: memref<10000xf32, #tpu.memory_space<hbm>>, %arg4: memref<32768000xf32, #tpu.memory_space<hbm>>, %arg5: memref<10000xf32, #tpu.memory_space<vmem>>, %arg6: memref<5120xi32, #tpu.memory_space<vmem>>, %arg7: memref<5120xi32, #tpu.memory_space<vmem>>, %arg8: memref<51200xf32, #tpu.memory_space<vmem>>, %arg9: memref<51200xf32, #tpu.memory_space<vmem>>, %arg10: memref<!tpu.dma_semaphore, #tpu.memory_space<semaphore_mem>>, %arg11: memref<!tpu.dma_semaphore, #tpu.memory_space<semaphore_mem>>, %arg12: memref<!tpu.dma_semaphore, #tpu.memory_space<semaphore_mem>>, %arg13: memref<!tpu.dma_semaphore, #tpu.memory_space<semaphore_mem>>) attributes {dimension_semantics = [#tpu.dimension_semantics<core_parallel>, #tpu.dimension_semantics<subcore_parallel>], iteration_bounds = array<i64: 2, 16>, scalar_prefetch = 0 : i64, scratch_operands = 9 : i64, tpu.core_type = #tpu.core_type<sc_vector_subcore>, window_params = [{transform_indices = #map}, {transform_indices = #map}, {transform_indices = #map}]} {
    %mul3A = arith.constant 2 : i32
    %mul3A_0 = arith.muli %arg1, %mul3A : i32
    %add3A = arith.addi %mul3A_0, %arg0 : i32
    %mul3A_1 = arith.constant 102400 : i32
    %mul3A_2 = arith.muli %add3A, %mul3A_1 : i32
    "tpu.region"() ({
      %run_scoped3A = tpu.sem_alloc : memref<!tpu.dma_semaphore, #tpu.memory_space<semaphore_mem>>
      tpu.enqueue_dma source(%arg3 : memref<10000xf32, #tpu.memory_space<hbm>>) target(%arg5 : memref<10000xf32, #tpu.memory_space<vmem>>) target_semaphore(%run_scoped3A : memref<!tpu.dma_semaphore, #tpu.memory_space<semaphore_mem>>)
      tpu.wait_dma2 semaphore(%run_scoped3A : memref<!tpu.dma_semaphore, #tpu.memory_space<semaphore_mem>>) src(%arg3 : memref<10000xf32, #tpu.memory_space<hbm>>) dst(%arg5 : memref<10000xf32, #tpu.memory_space<vmem>>)
      tpu.yield
    }) : () -> ()
    %add3A_3 = arith.constant 0 : i32
    %add3A_4 = arith.addi %mul3A_2, %add3A_3 : i32
    %dma_start3A = tpu.memref_slice %arg2[%add3A_4] : memref<3276800xi32, #tpu.memory_space<hbm>> -> memref<5120xi32, #tpu.memory_space<hbm>>
    %dma_start3A_5 = tpu.memref_slice %arg2[%add3A_4] : memref<3276800xi32, #tpu.memory_space<hbm>> -> memref<5120xi32, #tpu.memory_space<hbm>>
    tpu.enqueue_dma source(%dma_start3A_5 : memref<5120xi32, #tpu.memory_space<hbm>>) target(%arg6 : memref<5120xi32, #tpu.memory_space<vmem>>) target_semaphore(%arg10 : memref<!tpu.dma_semaphore, #tpu.memory_space<semaphore_mem>>)
    %add3A_6 = arith.constant 5120 : i32
    %add3A_7 = arith.addi %mul3A_2, %add3A_6 : i32
    %dma_start3A_8 = tpu.memref_slice %arg2[%add3A_7] : memref<3276800xi32, #tpu.memory_space<hbm>> -> memref<5120xi32, #tpu.memory_space<hbm>>
    %dma_start3A_9 = tpu.memref_slice %arg2[%add3A_7] : memref<3276800xi32, #tpu.memory_space<hbm>> -> memref<5120xi32, #tpu.memory_space<hbm>>
    tpu.enqueue_dma source(%dma_start3A_9 : memref<5120xi32, #tpu.memory_space<hbm>>) target(%arg7 : memref<5120xi32, #tpu.memory_space<vmem>>) target_semaphore(%arg11 : memref<!tpu.dma_semaphore, #tpu.memory_space<semaphore_mem>>)
    %add3A_10 = arith.constant 0 : i32
    %add3A_11 = arith.addi %mul3A_2, %add3A_10 : i32
    %dma_wait3A = tpu.memref_slice %arg2[%add3A_11] : memref<3276800xi32, #tpu.memory_space<hbm>> -> memref<5120xi32, #tpu.memory_space<hbm>>
    %dma_wait3A_12 = tpu.memref_slice %arg2[%add3A_11] : memref<3276800xi32, #tpu.memory_space<hbm>> -> memref<5120xi32, #tpu.memory_space<hbm>>
    tpu.wait_dma2 semaphore(%arg10 : memref<!tpu.dma_semaphore, #tpu.memory_space<semaphore_mem>>) src(%dma_wait3A_12 : memref<5120xi32, #tpu.memory_space<hbm>>) dst(%arg6 : memref<5120xi32, #tpu.memory_space<vmem>>)
    %parallel_loop3A = arith.constant 0 : i32
    %parallel_loop3A_13 = arith.constant 320 : i32
    %parallel_loop3A_14 = arith.constant 1 : i32
    scf.for %parallel_loop3A_370 = %parallel_loop3A to %parallel_loop3A_13 step %parallel_loop3A_14  : i32 {
      %parallel_loop3A_371 = arith.constant 16 : i32
      %parallel_loop3A_372 = arith.muli %parallel_loop3A_370, %parallel_loop3A_371 : i32
      %parallel_loop3A_373 = arith.index_cast %parallel_loop3A_372 : i32 to index
      %parallel_loop3A_374 = tpu.vector_load %arg6[%parallel_loop3A_373] {strides = array<i32>} : memref<5120xi32, #tpu.memory_space<vmem>>, vector<16xi32>,
      %parallel_loop3A_375 = arith.constant 0 : i32
      %parallel_loop3A_376 = vector.broadcast %parallel_loop3A_375 : i32 to vector<16xi32>
      %parallel_loop3A_377 = arith.addi %parallel_loop3A_374, %parallel_loop3A_376 : vector<16xi32>
      %parallel_loop3A_378 = tpu.vector_load_idx %arg5[%parallel_loop3A_377] : memref<10000xf32, #tpu.memory_space<vmem>>[vector<16xi32>], vector<16xf32>,
      %parallel_loop3A_379 = arith.constant 16 : i32
      %parallel_loop3A_380 = arith.muli %parallel_loop3A_370, %parallel_loop3A_379 : i32
      %parallel_loop3A_381 = arith.constant 0 : i32
      %parallel_loop3A_382 = arith.addi %parallel_loop3A_381, %parallel_loop3A_380 : i32
      %parallel_loop3A_383 = arith.index_cast %parallel_loop3A_382 : i32 to index
      %parallel_loop3A_384 = tpu.vector_load %arg8[%parallel_loop3A_383] {strides = array<i32>} : memref<51200xf32, #tpu.memory_space<vmem>>, vector<16xf32>,
      tpu.vector_store %arg8[%parallel_loop3A_383], %parallel_loop3A_378 {strides = array<i32>} : memref<51200xf32, #tpu.memory_space<vmem>>, vector<16xf32>,
      %parallel_loop3A_385 = arith.constant 1000 : i32
      %parallel_loop3A_386 = vector.broadcast %parallel_loop3A_385 : i32 to vector<16xi32>
      %parallel_loop3A_387 = arith.addi %parallel_loop3A_374, %parallel_loop3A_386 : vector<16xi32>
      %parallel_loop3A_388 = tpu.vector_load_idx %arg5[%parallel_loop3A_387] : memref<10000xf32, #tpu.memory_space<vmem>>[vector<16xi32>], vector<16xf32>,
      %parallel_loop3A_389 = arith.constant 16 : i32
      %parallel_loop3A_390 = arith.muli %parallel_loop3A_370, %parallel_loop3A_389 : i32
      %parallel_loop3A_391 = arith.constant 5120 : i32
      %parallel_loop3A_392 = arith.addi %parallel_loop3A_391, %parallel_loop3A_390 : i32
      %parallel_loop3A_393 = arith.index_cast %parallel_loop3A_392 : i32 to index
      %parallel_loop3A_394 = tpu.vector_load %arg8[%parallel_loop3A_393] {strides = array<i32>} : memref<51200xf32, #tpu.memory_space<vmem>>, vector<16xf32>,
      tpu.vector_store %arg8[%parallel_loop3A_393], %parallel_loop3A_388 {strides = array<i32>} : memref<51200xf32, #tpu.memory_space<vmem>>, vector<16xf32>,
      %parallel_loop3A_395 = arith.constant 2000 : i32
      %parallel_loop3A_396 = vector.broadcast %parallel_loop3A_395 : i32 to vector<16xi32>
      %parallel_loop3A_397 = arith.addi %parallel_loop3A_374, %parallel_loop3A_396 : vector<16xi32>
      %parallel_loop3A_398 = tpu.vector_load_idx %arg5[%parallel_loop3A_397] : memref<10000xf32, #tpu.memory_space<vmem>>[vector<16xi32>], vector<16xf32>,
      %parallel_loop3A_399 = arith.constant 16 : i32
      %parallel_loop3A_400 = arith.muli %parallel_loop3A_370, %parallel_loop3A_399 : i32
      %parallel_loop3A_401 = arith.constant 10240 : i32
      %parallel_loop3A_402 = arith.addi %parallel_loop3A_401, %parallel_loop3A_400 : i32
      %parallel_loop3A_403 = arith.index_cast %parallel_loop3A_402 : i32 to index
      %parallel_loop3A_404 = tpu.vector_load %arg8[%parallel_loop3A_403] {strides = array<i32>} : memref<51200xf32, #tpu.memory_space<vmem>>, vector<16xf32>,
      tpu.vector_store %arg8[%parallel_loop3A_403], %parallel_loop3A_398 {strides = array<i32>} : memref<51200xf32, #tpu.memory_space<vmem>>, vector<16xf32>,
      %parallel_loop3A_405 = arith.constant 3000 : i32
      %parallel_loop3A_406 = vector.broadcast %parallel_loop3A_405 : i32 to vector<16xi32>
      %parallel_loop3A_407 = arith.addi %parallel_loop3A_374, %parallel_loop3A_406 : vector<16xi32>
      %parallel_loop3A_408 = tpu.vector_load_idx %arg5[%parallel_loop3A_407] : memref<10000xf32, #tpu.memory_space<vmem>>[vector<16xi32>], vector<16xf32>,
      %parallel_loop3A_409 = arith.constant 16 : i32
      %parallel_loop3A_410 = arith.muli %parallel_loop3A_370, %parallel_loop3A_409 : i32
      %parallel_loop3A_411 = arith.constant 15360 : i32
      %parallel_loop3A_412 = arith.addi %parallel_loop3A_411, %parallel_loop3A_410 : i32
      %parallel_loop3A_413 = arith.index_cast %parallel_loop3A_412 : i32 to index
      %parallel_loop3A_414 = tpu.vector_load %arg8[%parallel_loop3A_413] {strides = array<i32>} : memref<51200xf32, #tpu.memory_space<vmem>>, vector<16xf32>,
      tpu.vector_store %arg8[%parallel_loop3A_413], %parallel_loop3A_408 {strides = array<i32>} : memref<51200xf32, #tpu.memory_space<vmem>>, vector<16xf32>,
      %parallel_loop3A_415 = arith.constant 4000 : i32
      %parallel_loop3A_416 = vector.broadcast %parallel_loop3A_415 : i32 to vector<16xi32>
      %parallel_loop3A_417 = arith.addi %parallel_loop3A_374, %parallel_loop3A_416 : vector<16xi32>
      %parallel_loop3A_418 = tpu.vector_load_idx %arg5[%parallel_loop3A_417] : memref<10000xf32, #tpu.memory_space<vmem>>[vector<16xi32>], vector<16xf32>,
      %parallel_loop3A_419 = arith.constant 16 : i32
      %parallel_loop3A_420 = arith.muli %parallel_loop3A_370, %parallel_loop3A_419 : i32
      %parallel_loop3A_421 = arith.constant 20480 : i32
      %parallel_loop3A_422 = arith.addi %parallel_loop3A_421, %parallel_loop3A_420 : i32
      %parallel_loop3A_423 = arith.index_cast %parallel_loop3A_422 : i32 to index
      %parallel_loop3A_424 = tpu.vector_load %arg8[%parallel_loop3A_423] {strides = array<i32>} : memref<51200xf32, #tpu.memory_space<vmem>>, vector<16xf32>,
      tpu.vector_store %arg8[%parallel_loop3A_423], %parallel_loop3A_418 {strides = array<i32>} : memref<51200xf32, #tpu.memory_space<vmem>>, vector<16xf32>,
      %parallel_loop3A_425 = arith.constant 5000 : i32
      %parallel_loop3A_426 = vector.broadcast %parallel_loop3A_425 : i32 to vector<16xi32>
      %parallel_loop3A_427 = arith.addi %parallel_loop3A_374, %parallel_loop3A_426 : vector<16xi32>
      %parallel_loop3A_428 = tpu.vector_load_idx %arg5[%parallel_loop3A_427] : memref<10000xf32, #tpu.memory_space<vmem>>[vector<16xi32>], vector<16xf32>,
      %parallel_loop3A_429 = arith.constant 16 : i32
      %parallel_loop3A_430 = arith.muli %parallel_loop3A_370, %parallel_loop3A_429 : i32
      %parallel_loop3A_431 = arith.constant 25600 : i32
      %parallel_loop3A_432 = arith.addi %parallel_loop3A_431, %parallel_loop3A_430 : i32
      %parallel_loop3A_433 = arith.index_cast %parallel_loop3A_432 : i32 to index
      %parallel_loop3A_434 = tpu.vector_load %arg8[%parallel_loop3A_433] {strides = array<i32>} : memref<51200xf32, #tpu.memory_space<vmem>>, vector<16xf32>,
      tpu.vector_store %arg8[%parallel_loop3A_433], %parallel_loop3A_428 {strides = array<i32>} : memref<51200xf32, #tpu.memory_space<vmem>>, vector<16xf32>,
      %parallel_loop3A_435 = arith.constant 6000 : i32
      %parallel_loop3A_436 = vector.broadcast %parallel_loop3A_435 : i32 to vector<16xi32>
      %parallel_loop3A_437 = arith.addi %parallel_loop3A_374, %parallel_loop3A_436 : vector<16xi32>
      %parallel_loop3A_438 = tpu.vector_load_idx %arg5[%parallel_loop3A_437] : memref<10000xf32, #tpu.memory_space<vmem>>[vector<16xi32>], vector<16xf32>,
      %parallel_loop3A_439 = arith.constant 16 : i32
      %parallel_loop3A_440 = arith.muli %parallel_loop3A_370, %parallel_loop3A_439 : i32
      %parallel_loop3A_441 = arith.constant 30720 : i32
      %parallel_loop3A_442 = arith.addi %parallel_loop3A_441, %parallel_loop3A_440 : i32
      %parallel_loop3A_443 = arith.index_cast %parallel_loop3A_442 : i32 to index
      %parallel_loop3A_444 = tpu.vector_load %arg8[%parallel_loop3A_443] {strides = array<i32>} : memref<51200xf32, #tpu.memory_space<vmem>>, vector<16xf32>,
      tpu.vector_store %arg8[%parallel_loop3A_443], %parallel_loop3A_438 {strides = array<i32>} : memref<51200xf32, #tpu.memory_space<vmem>>, vector<16xf32>,
      %parallel_loop3A_445 = arith.constant 7000 : i32
      %parallel_loop3A_446 = vector.broadcast %parallel_loop3A_445 : i32 to vector<16xi32>
      %parallel_loop3A_447 = arith.addi %parallel_loop3A_374, %parallel_loop3A_446 : vector<16xi32>
      %parallel_loop3A_448 = tpu.vector_load_idx %arg5[%parallel_loop3A_447] : memref<10000xf32, #tpu.memory_space<vmem>>[vector<16xi32>], vector<16xf32>,
      %parallel_loop3A_449 = arith.constant 16 : i32
      %parallel_loop3A_450 = arith.muli %parallel_loop3A_370, %parallel_loop3A_449 : i32
      %parallel_loop3A_451 = arith.constant 35840 : i32
      %parallel_loop3A_452 = arith.addi %parallel_loop3A_451, %parallel_loop3A_450 : i32
      %parallel_loop3A_453 = arith.index_cast %parallel_loop3A_452 : i32 to index
      %parallel_loop3A_454 = tpu.vector_load %arg8[%parallel_loop3A_453] {strides = array<i32>} : memref<51200xf32, #tpu.memory_space<vmem>>, vector<16xf32>,
      tpu.vector_store %arg8[%parallel_loop3A_453], %parallel_loop3A_448 {strides = array<i32>} : memref<51200xf32, #tpu.memory_space<vmem>>, vector<16xf32>,
      %parallel_loop3A_455 = arith.constant 8000 : i32
      %parallel_loop3A_456 = vector.broadcast %parallel_loop3A_455 : i32 to vector<16xi32>
      %parallel_loop3A_457 = arith.addi %parallel_loop3A_374, %parallel_loop3A_456 : vector<16xi32>
      %parallel_loop3A_458 = tpu.vector_load_idx %arg5[%parallel_loop3A_457] : memref<10000xf32, #tpu.memory_space<vmem>>[vector<16xi32>], vector<16xf32>,
      %parallel_loop3A_459 = arith.constant 16 : i32
      %parallel_loop3A_460 = arith.muli %parallel_loop3A_370, %parallel_loop3A_459 : i32
      %parallel_loop3A_461 = arith.constant 40960 : i32
      %parallel_loop3A_462 = arith.addi %parallel_loop3A_461, %parallel_loop3A_460 : i32
      %parallel_loop3A_463 = arith.index_cast %parallel_loop3A_462 : i32 to index
      %parallel_loop3A_464 = tpu.vector_load %arg8[%parallel_loop3A_463] {strides = array<i32>} : memref<51200xf32, #tpu.memory_space<vmem>>, vector<16xf32>,
      tpu.vector_store %arg8[%parallel_loop3A_463], %parallel_loop3A_458 {strides = array<i32>} : memref<51200xf32, #tpu.memory_space<vmem>>, vector<16xf32>,
      %parallel_loop3A_465 = arith.constant 9000 : i32
      %parallel_loop3A_466 = vector.broadcast %parallel_loop3A_465 : i32 to vector<16xi32>
      %parallel_loop3A_467 = arith.addi %parallel_loop3A_374, %parallel_loop3A_466 : vector<16xi32>
      %parallel_loop3A_468 = tpu.vector_load_idx %arg5[%parallel_loop3A_467] : memref<10000xf32, #tpu.memory_space<vmem>>[vector<16xi32>], vector<16xf32>,
      %parallel_loop3A_469 = arith.constant 16 : i32
      %parallel_loop3A_470 = arith.muli %parallel_loop3A_370, %parallel_loop3A_469 : i32
      %parallel_loop3A_471 = arith.constant 46080 : i32
      %parallel_loop3A_472 = arith.addi %parallel_loop3A_471, %parallel_loop3A_470 : i32
      %parallel_loop3A_473 = arith.index_cast %parallel_loop3A_472 : i32 to index
      %parallel_loop3A_474 = tpu.vector_load %arg8[%parallel_loop3A_473] {strides = array<i32>} : memref<51200xf32, #tpu.memory_space<vmem>>, vector<16xf32>,
      tpu.vector_store %arg8[%parallel_loop3A_473], %parallel_loop3A_468 {strides = array<i32>} : memref<51200xf32, #tpu.memory_space<vmem>>, vector<16xf32>,
    } {sc.loop_unroll_factor = 4 : i64, sc.parallel_access}
    %add3A_15 = arith.constant 0 : i32
    %add3A_16 = arith.addi %mul3A_2, %add3A_15 : i32
    %add3A_17 = arith.constant 0 : i32
    %add3A_18 = arith.addi %add3A_17, %add3A_16 : i32
    %add3A_19 = arith.constant 3276800 : i32
    %add3A_20 = arith.addi %add3A_19, %add3A_16 : i32
    %add3A_21 = arith.constant 6553600 : i32
    %add3A_22 = arith.addi %add3A_21, %add3A_16 : i32
    %add3A_23 = arith.constant 9830400 : i32
    %add3A_24 = arith.addi %add3A_23, %add3A_16 : i32
    %add3A_25 = arith.constant 13107200 : i32
    %add3A_26 = arith.addi %add3A_25, %add3A_16 : i32
    %add3A_27 = arith.constant 16384000 : i32
    %add3A_28 = arith.addi %add3A_27, %add3A_16 : i32
    %add3A_29 = arith.constant 19660800 : i32
    %add3A_30 = arith.addi %add3A_29, %add3A_16 : i32
    %add3A_31 = arith.constant 22937600 : i32
    %add3A_32 = arith.addi %add3A_31, %add3A_16 : i32
    %add3A_33 = arith.constant 26214400 : i32
    %add3A_34 = arith.addi %add3A_33, %add3A_16 : i32
    %add3A_35 = arith.constant 29491200 : i32
    %add3A_36 = arith.addi %add3A_35, %add3A_16 : i32
    %dma_start3A_37 = arith.constant 0 : i32
    %dma_start3A_38 = tpu.memref_slice %arg8[%dma_start3A_37] : memref<51200xf32, #tpu.memory_space<vmem>> -> memref<5120xf32, #tpu.memory_space<vmem>>
    %dma_start3A_39 = tpu.memref_slice %arg4[%add3A_18] : memref<32768000xf32, #tpu.memory_space<hbm>> -> memref<5120xf32, #tpu.memory_space<hbm>>
    %dma_start3A_40 = tpu.memref_slice %arg4[%add3A_18] : memref<32768000xf32, #tpu.memory_space<hbm>> -> memref<5120xf32, #tpu.memory_space<hbm>>
    %dma_start3A_41 = arith.constant 0 : i32
    %dma_start3A_42 = tpu.memref_slice %arg8[%dma_start3A_41] : memref<51200xf32, #tpu.memory_space<vmem>> -> memref<5120xf32, #tpu.memory_space<vmem>>
    tpu.enqueue_dma source(%dma_start3A_42 : memref<5120xf32, #tpu.memory_space<vmem>>) target(%dma_start3A_40 : memref<5120xf32, #tpu.memory_space<hbm>>) target_semaphore(%arg12 : memref<!tpu.dma_semaphore, #tpu.memory_space<semaphore_mem>>)
    %dma_start3A_43 = arith.constant 5120 : i32
    %dma_start3A_44 = tpu.memref_slice %arg8[%dma_start3A_43] : memref<51200xf32, #tpu.memory_space<vmem>> -> memref<5120xf32, #tpu.memory_space<vmem>>
    %dma_start3A_45 = tpu.memref_slice %arg4[%add3A_20] : memref<32768000xf32, #tpu.memory_space<hbm>> -> memref<5120xf32, #tpu.memory_space<hbm>>
    %dma_start3A_46 = tpu.memref_slice %arg4[%add3A_20] : memref<32768000xf32, #tpu.memory_space<hbm>> -> memref<5120xf32, #tpu.memory_space<hbm>>
    %dma_start3A_47 = arith.constant 5120 : i32
    %dma_start3A_48 = tpu.memref_slice %arg8[%dma_start3A_47] : memref<51200xf32, #tpu.memory_space<vmem>> -> memref<5120xf32, #tpu.memory_space<vmem>>
    tpu.enqueue_dma source(%dma_start3A_48 : memref<5120xf32, #tpu.memory_space<vmem>>) target(%dma_start3A_46 : memref<5120xf32, #tpu.memory_space<hbm>>) target_semaphore(%arg12 : memref<!tpu.dma_semaphore, #tpu.memory_space<semaphore_mem>>)
    %dma_start3A_49 = arith.constant 10240 : i32
    %dma_start3A_50 = tpu.memref_slice %arg8[%dma_start3A_49] : memref<51200xf32, #tpu.memory_space<vmem>> -> memref<5120xf32, #tpu.memory_space<vmem>>
    %dma_start3A_51 = tpu.memref_slice %arg4[%add3A_22] : memref<32768000xf32, #tpu.memory_space<hbm>> -> memref<5120xf32, #tpu.memory_space<hbm>>
    %dma_start3A_52 = tpu.memref_slice %arg4[%add3A_22] : memref<32768000xf32, #tpu.memory_space<hbm>> -> memref<5120xf32, #tpu.memory_space<hbm>>
    %dma_start3A_53 = arith.constant 10240 : i32
    %dma_start3A_54 = tpu.memref_slice %arg8[%dma_start3A_53] : memref<51200xf32, #tpu.memory_space<vmem>> -> memref<5120xf32, #tpu.memory_space<vmem>>
    tpu.enqueue_dma source(%dma_start3A_54 : memref<5120xf32, #tpu.memory_space<vmem>>) target(%dma_start3A_52 : memref<5120xf32, #tpu.memory_space<hbm>>) target_semaphore(%arg12 : memref<!tpu.dma_semaphore, #tpu.memory_space<semaphore_mem>>)
    %dma_start3A_55 = arith.constant 15360 : i32
    %dma_start3A_56 = tpu.memref_slice %arg8[%dma_start3A_55] : memref<51200xf32, #tpu.memory_space<vmem>> -> memref<5120xf32, #tpu.memory_space<vmem>>
    %dma_start3A_57 = tpu.memref_slice %arg4[%add3A_24] : memref<32768000xf32, #tpu.memory_space<hbm>> -> memref<5120xf32, #tpu.memory_space<hbm>>
    %dma_start3A_58 = tpu.memref_slice %arg4[%add3A_24] : memref<32768000xf32, #tpu.memory_space<hbm>> -> memref<5120xf32, #tpu.memory_space<hbm>>
    %dma_start3A_59 = arith.constant 15360 : i32
    %dma_start3A_60 = tpu.memref_slice %arg8[%dma_start3A_59] : memref<51200xf32, #tpu.memory_space<vmem>> -> memref<5120xf32, #tpu.memory_space<vmem>>
    tpu.enqueue_dma source(%dma_start3A_60 : memref<5120xf32, #tpu.memory_space<vmem>>) target(%dma_start3A_58 : memref<5120xf32, #tpu.memory_space<hbm>>) target_semaphore(%arg12 : memref<!tpu.dma_semaphore, #tpu.memory_space<semaphore_mem>>)
    %dma_start3A_61 = arith.constant 20480 : i32
    %dma_start3A_62 = tpu.memref_slice %arg8[%dma_start3A_61] : memref<51200xf32, #tpu.memory_space<vmem>> -> memref<5120xf32, #tpu.memory_space<vmem>>
    %dma_start3A_63 = tpu.memref_slice %arg4[%add3A_26] : memref<32768000xf32, #tpu.memory_space<hbm>> -> memref<5120xf32, #tpu.memory_space<hbm>>
    %dma_start3A_64 = tpu.memref_slice %arg4[%add3A_26] : memref<32768000xf32, #tpu.memory_space<hbm>> -> memref<5120xf32, #tpu.memory_space<hbm>>
    %dma_start3A_65 = arith.constant 20480 : i32
    %dma_start3A_66 = tpu.memref_slice %arg8[%dma_start3A_65] : memref<51200xf32, #tpu.memory_space<vmem>> -> memref<5120xf32, #tpu.memory_space<vmem>>
    tpu.enqueue_dma source(%dma_start3A_66 : memref<5120xf32, #tpu.memory_space<vmem>>) target(%dma_start3A_64 : memref<5120xf32, #tpu.memory_space<hbm>>) target_semaphore(%arg12 : memref<!tpu.dma_semaphore, #tpu.memory_space<semaphore_mem>>)
    %dma_start3A_67 = arith.constant 25600 : i32
    %dma_start3A_68 = tpu.memref_slice %arg8[%dma_start3A_67] : memref<51200xf32, #tpu.memory_space<vmem>> -> memref<5120xf32, #tpu.memory_space<vmem>>
    %dma_start3A_69 = tpu.memref_slice %arg4[%add3A_28] : memref<32768000xf32, #tpu.memory_space<hbm>> -> memref<5120xf32, #tpu.memory_space<hbm>>
    %dma_start3A_70 = tpu.memref_slice %arg4[%add3A_28] : memref<32768000xf32, #tpu.memory_space<hbm>> -> memref<5120xf32, #tpu.memory_space<hbm>>
    %dma_start3A_71 = arith.constant 25600 : i32
    %dma_start3A_72 = tpu.memref_slice %arg8[%dma_start3A_71] : memref<51200xf32, #tpu.memory_space<vmem>> -> memref<5120xf32, #tpu.memory_space<vmem>>
    tpu.enqueue_dma source(%dma_start3A_72 : memref<5120xf32, #tpu.memory_space<vmem>>) target(%dma_start3A_70 : memref<5120xf32, #tpu.memory_space<hbm>>) target_semaphore(%arg12 : memref<!tpu.dma_semaphore, #tpu.memory_space<semaphore_mem>>)
    %dma_start3A_73 = arith.constant 30720 : i32
    %dma_start3A_74 = tpu.memref_slice %arg8[%dma_start3A_73] : memref<51200xf32, #tpu.memory_space<vmem>> -> memref<5120xf32, #tpu.memory_space<vmem>>
    %dma_start3A_75 = tpu.memref_slice %arg4[%add3A_30] : memref<32768000xf32, #tpu.memory_space<hbm>> -> memref<5120xf32, #tpu.memory_space<hbm>>
    %dma_start3A_76 = tpu.memref_slice %arg4[%add3A_30] : memref<32768000xf32, #tpu.memory_space<hbm>> -> memref<5120xf32, #tpu.memory_space<hbm>>
    %dma_start3A_77 = arith.constant 30720 : i32
    %dma_start3A_78 = tpu.memref_slice %arg8[%dma_start3A_77] : memref<51200xf32, #tpu.memory_space<vmem>> -> memref<5120xf32, #tpu.memory_space<vmem>>
    tpu.enqueue_dma source(%dma_start3A_78 : memref<5120xf32, #tpu.memory_space<vmem>>) target(%dma_start3A_76 : memref<5120xf32, #tpu.memory_space<hbm>>) target_semaphore(%arg12 : memref<!tpu.dma_semaphore, #tpu.memory_space<semaphore_mem>>)
    %dma_start3A_79 = arith.constant 35840 : i32
    %dma_start3A_80 = tpu.memref_slice %arg8[%dma_start3A_79] : memref<51200xf32, #tpu.memory_space<vmem>> -> memref<5120xf32, #tpu.memory_space<vmem>>
    %dma_start3A_81 = tpu.memref_slice %arg4[%add3A_32] : memref<32768000xf32, #tpu.memory_space<hbm>> -> memref<5120xf32, #tpu.memory_space<hbm>>
    %dma_start3A_82 = tpu.memref_slice %arg4[%add3A_32] : memref<32768000xf32, #tpu.memory_space<hbm>> -> memref<5120xf32, #tpu.memory_space<hbm>>
    %dma_start3A_83 = arith.constant 35840 : i32
    %dma_start3A_84 = tpu.memref_slice %arg8[%dma_start3A_83] : memref<51200xf32, #tpu.memory_space<vmem>> -> memref<5120xf32, #tpu.memory_space<vmem>>
    tpu.enqueue_dma source(%dma_start3A_84 : memref<5120xf32, #tpu.memory_space<vmem>>) target(%dma_start3A_82 : memref<5120xf32, #tpu.memory_space<hbm>>) target_semaphore(%arg12 : memref<!tpu.dma_semaphore, #tpu.memory_space<semaphore_mem>>)
    %dma_start3A_85 = arith.constant 40960 : i32
    %dma_start3A_86 = tpu.memref_slice %arg8[%dma_start3A_85] : memref<51200xf32, #tpu.memory_space<vmem>> -> memref<5120xf32, #tpu.memory_space<vmem>>
    %dma_start3A_87 = tpu.memref_slice %arg4[%add3A_34] : memref<32768000xf32, #tpu.memory_space<hbm>> -> memref<5120xf32, #tpu.memory_space<hbm>>
    %dma_start3A_88 = tpu.memref_slice %arg4[%add3A_34] : memref<32768000xf32, #tpu.memory_space<hbm>> -> memref<5120xf32, #tpu.memory_space<hbm>>
    %dma_start3A_89 = arith.constant 40960 : i32
    %dma_start3A_90 = tpu.memref_slice %arg8[%dma_start3A_89] : memref<51200xf32, #tpu.memory_space<vmem>> -> memref<5120xf32, #tpu.memory_space<vmem>>
    tpu.enqueue_dma source(%dma_start3A_90 : memref<5120xf32, #tpu.memory_space<vmem>>) target(%dma_start3A_88 : memref<5120xf32, #tpu.memory_space<hbm>>) target_semaphore(%arg12 : memref<!tpu.dma_semaphore, #tpu.memory_space<semaphore_mem>>)
    %dma_start3A_91 = arith.constant 46080 : i32
    %dma_start3A_92 = tpu.memref_slice %arg8[%dma_start3A_91] : memref<51200xf32, #tpu.memory_space<vmem>> -> memref<5120xf32, #tpu.memory_space<vmem>>
    %dma_start3A_93 = tpu.memref_slice %arg4[%add3A_36] : memref<32768000xf32, #tpu.memory_space<hbm>> -> memref<5120xf32, #tpu.memory_space<hbm>>
    %dma_start3A_94 = tpu.memref_slice %arg4[%add3A_36] : memref<32768000xf32, #tpu.memory_space<hbm>> -> memref<5120xf32, #tpu.memory_space<hbm>>
    %dma_start3A_95 = arith.constant 46080 : i32
    %dma_start3A_96 = tpu.memref_slice %arg8[%dma_start3A_95] : memref<51200xf32, #tpu.memory_space<vmem>> -> memref<5120xf32, #tpu.memory_space<vmem>>
    tpu.enqueue_dma source(%dma_start3A_96 : memref<5120xf32, #tpu.memory_space<vmem>>) target(%dma_start3A_94 : memref<5120xf32, #tpu.memory_space<hbm>>) target_semaphore(%arg12 : memref<!tpu.dma_semaphore, #tpu.memory_space<semaphore_mem>>)
    %add3A_97 = arith.constant 10240 : i32
    %add3A_98 = arith.addi %mul3A_2, %add3A_97 : i32
    %dma_start3A_99 = tpu.memref_slice %arg2[%add3A_98] : memref<3276800xi32, #tpu.memory_space<hbm>> -> memref<5120xi32, #tpu.memory_space<hbm>>
    %dma_start3A_100 = tpu.memref_slice %arg2[%add3A_98] : memref<3276800xi32, #tpu.memory_space<hbm>> -> memref<5120xi32, #tpu.memory_space<hbm>>
    tpu.enqueue_dma source(%dma_start3A_100 : memref<5120xi32, #tpu.memory_space<hbm>>) target(%arg6 : memref<5120xi32, #tpu.memory_space<vmem>>) target_semaphore(%arg10 : memref<!tpu.dma_semaphore, #tpu.memory_space<semaphore_mem>>)
    %add3A_101 = arith.constant 5120 : i32
    %add3A_102 = arith.addi %mul3A_2, %add3A_101 : i32
    %dma_wait3A_103 = tpu.memref_slice %arg2[%add3A_102] : memref<3276800xi32, #tpu.memory_space<hbm>> -> memref<5120xi32, #tpu.memory_space<hbm>>
    %dma_wait3A_104 = tpu.memref_slice %arg2[%add3A_102] : memref<3276800xi32, #tpu.memory_space<hbm>> -> memref<5120xi32, #tpu.memory_space<hbm>>
    tpu.wait_dma2 semaphore(%arg11 : memref<!tpu.dma_semaphore, #tpu.memory_space<semaphore_mem>>) src(%dma_wait3A_104 : memref<5120xi32, #tpu.memory_space<hbm>>) dst(%arg7 : memref<5120xi32, #tpu.memory_space<vmem>>)
    %parallel_loop3A_105 = arith.constant 0 : i32
    %parallel_loop3A_106 = arith.constant 320 : i32
    %parallel_loop3A_107 = arith.constant 1 : i32
    scf.for %parallel_loop3A_370 = %parallel_loop3A_105 to %parallel_loop3A_106 step %parallel_loop3A_107  : i32 {
      %parallel_loop3A_371 = arith.constant 16 : i32
      %parallel_loop3A_372 = arith.muli %parallel_loop3A_370, %parallel_loop3A_371 : i32
      %parallel_loop3A_373 = arith.index_cast %parallel_loop3A_372 : i32 to index
      %parallel_loop3A_374 = tpu.vector_load %arg7[%parallel_loop3A_373] {strides = array<i32>} : memref<5120xi32, #tpu.memory_space<vmem>>, vector<16xi32>,
      %parallel_loop3A_375 = arith.constant 0 : i32
      %parallel_loop3A_376 = vector.broadcast %parallel_loop3A_375 : i32 to vector<16xi32>
      %parallel_loop3A_377 = arith.addi %parallel_loop3A_374, %parallel_loop3A_376 : vector<16xi32>
      %parallel_loop3A_378 = tpu.vector_load_idx %arg5[%parallel_loop3A_377] : memref<10000xf32, #tpu.memory_space<vmem>>[vector<16xi32>], vector<16xf32>,
      %parallel_loop3A_379 = arith.constant 16 : i32
      %parallel_loop3A_380 = arith.muli %parallel_loop3A_370, %parallel_loop3A_379 : i32
      %parallel_loop3A_381 = arith.constant 0 : i32
      %parallel_loop3A_382 = arith.addi %parallel_loop3A_381, %parallel_loop3A_380 : i32
      %parallel_loop3A_383 = arith.index_cast %parallel_loop3A_382 : i32 to index
      %parallel_loop3A_384 = tpu.vector_load %arg9[%parallel_loop3A_383] {strides = array<i32>} : memref<51200xf32, #tpu.memory_space<vmem>>, vector<16xf32>,
      tpu.vector_store %arg9[%parallel_loop3A_383], %parallel_loop3A_378 {strides = array<i32>} : memref<51200xf32, #tpu.memory_space<vmem>>, vector<16xf32>,
      %parallel_loop3A_385 = arith.constant 1000 : i32
      %parallel_loop3A_386 = vector.broadcast %parallel_loop3A_385 : i32 to vector<16xi32>
      %parallel_loop3A_387 = arith.addi %parallel_loop3A_374, %parallel_loop3A_386 : vector<16xi32>
      %parallel_loop3A_388 = tpu.vector_load_idx %arg5[%parallel_loop3A_387] : memref<10000xf32, #tpu.memory_space<vmem>>[vector<16xi32>], vector<16xf32>,
      %parallel_loop3A_389 = arith.constant 16 : i32
      %parallel_loop3A_390 = arith.muli %parallel_loop3A_370, %parallel_loop3A_389 : i32
      %parallel_loop3A_391 = arith.constant 5120 : i32
      %parallel_loop3A_392 = arith.addi %parallel_loop3A_391, %parallel_loop3A_390 : i32
      %parallel_loop3A_393 = arith.index_cast %parallel_loop3A_392 : i32 to index
      %parallel_loop3A_394 = tpu.vector_load %arg9[%parallel_loop3A_393] {strides = array<i32>} : memref<51200xf32, #tpu.memory_space<vmem>>, vector<16xf32>,
      tpu.vector_store %arg9[%parallel_loop3A_393], %parallel_loop3A_388 {strides = array<i32>} : memref<51200xf32, #tpu.memory_space<vmem>>, vector<16xf32>,
      %parallel_loop3A_395 = arith.constant 2000 : i32
      %parallel_loop3A_396 = vector.broadcast %parallel_loop3A_395 : i32 to vector<16xi32>
      %parallel_loop3A_397 = arith.addi %parallel_loop3A_374, %parallel_loop3A_396 : vector<16xi32>
      %parallel_loop3A_398 = tpu.vector_load_idx %arg5[%parallel_loop3A_397] : memref<10000xf32, #tpu.memory_space<vmem>>[vector<16xi32>], vector<16xf32>,
      %parallel_loop3A_399 = arith.constant 16 : i32
      %parallel_loop3A_400 = arith.muli %parallel_loop3A_370, %parallel_loop3A_399 : i32
      %parallel_loop3A_401 = arith.constant 10240 : i32
      %parallel_loop3A_402 = arith.addi %parallel_loop3A_401, %parallel_loop3A_400 : i32
      %parallel_loop3A_403 = arith.index_cast %parallel_loop3A_402 : i32 to index
      %parallel_loop3A_404 = tpu.vector_load %arg9[%parallel_loop3A_403] {strides = array<i32>} : memref<51200xf32, #tpu.memory_space<vmem>>, vector<16xf32>,
      tpu.vector_store %arg9[%parallel_loop3A_403], %parallel_loop3A_398 {strides = array<i32>} : memref<51200xf32, #tpu.memory_space<vmem>>, vector<16xf32>,
      %parallel_loop3A_405 = arith.constant 3000 : i32
      %parallel_loop3A_406 = vector.broadcast %parallel_loop3A_405 : i32 to vector<16xi32>
      %parallel_loop3A_407 = arith.addi %parallel_loop3A_374, %parallel_loop3A_406 : vector<16xi32>
      %parallel_loop3A_408 = tpu.vector_load_idx %arg5[%parallel_loop3A_407] : memref<10000xf32, #tpu.memory_space<vmem>>[vector<16xi32>], vector<16xf32>,
      %parallel_loop3A_409 = arith.constant 16 : i32
      %parallel_loop3A_410 = arith.muli %parallel_loop3A_370, %parallel_loop3A_409 : i32
      %parallel_loop3A_411 = arith.constant 15360 : i32
      %parallel_loop3A_412 = arith.addi %parallel_loop3A_411, %parallel_loop3A_410 : i32
      %parallel_loop3A_413 = arith.index_cast %parallel_loop3A_412 : i32 to index
      %parallel_loop3A_414 = tpu.vector_load %arg9[%parallel_loop3A_413] {strides = array<i32>} : memref<51200xf32, #tpu.memory_space<vmem>>, vector<16xf32>,
      tpu.vector_store %arg9[%parallel_loop3A_413], %parallel_loop3A_408 {strides = array<i32>} : memref<51200xf32, #tpu.memory_space<vmem>>, vector<16xf32>,
      %parallel_loop3A_415 = arith.constant 4000 : i32
      %parallel_loop3A_416 = vector.broadcast %parallel_loop3A_415 : i32 to vector<16xi32>
      %parallel_loop3A_417 = arith.addi %parallel_loop3A_374, %parallel_loop3A_416 : vector<16xi32>
      %parallel_loop3A_418 = tpu.vector_load_idx %arg5[%parallel_loop3A_417] : memref<10000xf32, #tpu.memory_space<vmem>>[vector<16xi32>], vector<16xf32>,
      %parallel_loop3A_419 = arith.constant 16 : i32
      %parallel_loop3A_420 = arith.muli %parallel_loop3A_370, %parallel_loop3A_419 : i32
      %parallel_loop3A_421 = arith.constant 20480 : i32
      %parallel_loop3A_422 = arith.addi %parallel_loop3A_421, %parallel_loop3A_420 : i32
      %parallel_loop3A_423 = arith.index_cast %parallel_loop3A_422 : i32 to index
      %parallel_loop3A_424 = tpu.vector_load %arg9[%parallel_loop3A_423] {strides = array<i32>} : memref<51200xf32, #tpu.memory_space<vmem>>, vector<16xf32>,
      tpu.vector_store %arg9[%parallel_loop3A_423], %parallel_loop3A_418 {strides = array<i32>} : memref<51200xf32, #tpu.memory_space<vmem>>, vector<16xf32>,
      %parallel_loop3A_425 = arith.constant 5000 : i32
      %parallel_loop3A_426 = vector.broadcast %parallel_loop3A_425 : i32 to vector<16xi32>
      %parallel_loop3A_427 = arith.addi %parallel_loop3A_374, %parallel_loop3A_426 : vector<16xi32>
      %parallel_loop3A_428 = tpu.vector_load_idx %arg5[%parallel_loop3A_427] : memref<10000xf32, #tpu.memory_space<vmem>>[vector<16xi32>], vector<16xf32>,
      %parallel_loop3A_429 = arith.constant 16 : i32
      %parallel_loop3A_430 = arith.muli %parallel_loop3A_370, %parallel_loop3A_429 : i32
      %parallel_loop3A_431 = arith.constant 25600 : i32
      %parallel_loop3A_432 = arith.addi %parallel_loop3A_431, %parallel_loop3A_430 : i32
      %parallel_loop3A_433 = arith.index_cast %parallel_loop3A_432 : i32 to index
      %parallel_loop3A_434 = tpu.vector_load %arg9[%parallel_loop3A_433] {strides = array<i32>} : memref<51200xf32, #tpu.memory_space<vmem>>, vector<16xf32>,
      tpu.vector_store %arg9[%parallel_loop3A_433], %parallel_loop3A_428 {strides = array<i32>} : memref<51200xf32, #tpu.memory_space<vmem>>, vector<16xf32>,
      %parallel_loop3A_435 = arith.constant 6000 : i32
      %parallel_loop3A_436 = vector.broadcast %parallel_loop3A_435 : i32 to vector<16xi32>
      %parallel_loop3A_437 = arith.addi %parallel_loop3A_374, %parallel_loop3A_436 : vector<16xi32>
      %parallel_loop3A_438 = tpu.vector_load_idx %arg5[%parallel_loop3A_437] : memref<10000xf32, #tpu.memory_space<vmem>>[vector<16xi32>], vector<16xf32>,
      %parallel_loop3A_439 = arith.constant 16 : i32
      %parallel_loop3A_440 = arith.muli %parallel_loop3A_370, %parallel_loop3A_439 : i32
      %parallel_loop3A_441 = arith.constant 30720 : i32
      %parallel_loop3A_442 = arith.addi %parallel_loop3A_441, %parallel_loop3A_440 : i32
      %parallel_loop3A_443 = arith.index_cast %parallel_loop3A_442 : i32 to index
      %parallel_loop3A_444 = tpu.vector_load %arg9[%parallel_loop3A_443] {strides = array<i32>} : memref<51200xf32, #tpu.memory_space<vmem>>, vector<16xf32>,
      tpu.vector_store %arg9[%parallel_loop3A_443], %parallel_loop3A_438 {strides = array<i32>} : memref<51200xf32, #tpu.memory_space<vmem>>, vector<16xf32>,
      %parallel_loop3A_445 = arith.constant 7000 : i32
      %parallel_loop3A_446 = vector.broadcast %parallel_loop3A_445 : i32 to vector<16xi32>
      %parallel_loop3A_447 = arith.addi %parallel_loop3A_374, %parallel_loop3A_446 : vector<16xi32>
      %parallel_loop3A_448 = tpu.vector_load_idx %arg5[%parallel_loop3A_447] : memref<10000xf32, #tpu.memory_space<vmem>>[vector<16xi32>], vector<16xf32>,
      %parallel_loop3A_449 = arith.constant 16 : i32
      %parallel_loop3A_450 = arith.muli %parallel_loop3A_370, %parallel_loop3A_449 : i32
      %parallel_loop3A_451 = arith.constant 35840 : i32
      %parallel_loop3A_452 = arith.addi %parallel_loop3A_451, %parallel_loop3A_450 : i32
      %parallel_loop3A_453 = arith.index_cast %parallel_loop3A_452 : i32 to index
      %parallel_loop3A_454 = tpu.vector_load %arg9[%parallel_loop3A_453] {strides = array<i32>} : memref<51200xf32, #tpu.memory_space<vmem>>, vector<16xf32>,
      tpu.vector_store %arg9[%parallel_loop3A_453], %parallel_loop3A_448 {strides = array<i32>} : memref<51200xf32, #tpu.memory_space<vmem>>, vector<16xf32>,
      %parallel_loop3A_455 = arith.constant 8000 : i32
      %parallel_loop3A_456 = vector.broadcast %parallel_loop3A_455 : i32 to vector<16xi32>
      %parallel_loop3A_457 = arith.addi %parallel_loop3A_374, %parallel_loop3A_456 : vector<16xi32>
      %parallel_loop3A_458 = tpu.vector_load_idx %arg5[%parallel_loop3A_457] : memref<10000xf32, #tpu.memory_space<vmem>>[vector<16xi32>], vector<16xf32>,
      %parallel_loop3A_459 = arith.constant 16 : i32
      %parallel_loop3A_460 = arith.muli %parallel_loop3A_370, %parallel_loop3A_459 : i32
      %parallel_loop3A_461 = arith.constant 40960 : i32
      %parallel_loop3A_462 = arith.addi %parallel_loop3A_461, %parallel_loop3A_460 : i32
      %parallel_loop3A_463 = arith.index_cast %parallel_loop3A_462 : i32 to index
      %parallel_loop3A_464 = tpu.vector_load %arg9[%parallel_loop3A_463] {strides = array<i32>} : memref<51200xf32, #tpu.memory_space<vmem>>, vector<16xf32>,
      tpu.vector_store %arg9[%parallel_loop3A_463], %parallel_loop3A_458 {strides = array<i32>} : memref<51200xf32, #tpu.memory_space<vmem>>, vector<16xf32>,
      %parallel_loop3A_465 = arith.constant 9000 : i32
      %parallel_loop3A_466 = vector.broadcast %parallel_loop3A_465 : i32 to vector<16xi32>
      %parallel_loop3A_467 = arith.addi %parallel_loop3A_374, %parallel_loop3A_466 : vector<16xi32>
      %parallel_loop3A_468 = tpu.vector_load_idx %arg5[%parallel_loop3A_467] : memref<10000xf32, #tpu.memory_space<vmem>>[vector<16xi32>], vector<16xf32>,
      %parallel_loop3A_469 = arith.constant 16 : i32
      %parallel_loop3A_470 = arith.muli %parallel_loop3A_370, %parallel_loop3A_469 : i32
      %parallel_loop3A_471 = arith.constant 46080 : i32
      %parallel_loop3A_472 = arith.addi %parallel_loop3A_471, %parallel_loop3A_470 : i32
      %parallel_loop3A_473 = arith.index_cast %parallel_loop3A_472 : i32 to index
      %parallel_loop3A_474 = tpu.vector_load %arg9[%parallel_loop3A_473] {strides = array<i32>} : memref<51200xf32, #tpu.memory_space<vmem>>, vector<16xf32>,
      tpu.vector_store %arg9[%parallel_loop3A_473], %parallel_loop3A_468 {strides = array<i32>} : memref<51200xf32, #tpu.memory_space<vmem>>, vector<16xf32>,
    } {sc.loop_unroll_factor = 4 : i64, sc.parallel_access}
    %add3A_108 = arith.constant 5120 : i32
    %add3A_109 = arith.addi %mul3A_2, %add3A_108 : i32
    %add3A_110 = arith.constant 0 : i32
    %add3A_111 = arith.addi %add3A_110, %add3A_109 : i32
    %add3A_112 = arith.constant 3276800 : i32
    %add3A_113 = arith.addi %add3A_112, %add3A_109 : i32
    %add3A_114 = arith.constant 6553600 : i32
    %add3A_115 = arith.addi %add3A_114, %add3A_109 : i32
    %add3A_116 = arith.constant 9830400 : i32
    %add3A_117 = arith.addi %add3A_116, %add3A_109 : i32
    %add3A_118 = arith.constant 13107200 : i32
    %add3A_119 = arith.addi %add3A_118, %add3A_109 : i32
    %add3A_120 = arith.constant 16384000 : i32
    %add3A_121 = arith.addi %add3A_120, %add3A_109 : i32
    %add3A_122 = arith.constant 19660800 : i32
    %add3A_123 = arith.addi %add3A_122, %add3A_109 : i32
    %add3A_124 = arith.constant 22937600 : i32
    %add3A_125 = arith.addi %add3A_124, %add3A_109 : i32
    %add3A_126 = arith.constant 26214400 : i32
    %add3A_127 = arith.addi %add3A_126, %add3A_109 : i32
    %add3A_128 = arith.constant 29491200 : i32
    %add3A_129 = arith.addi %add3A_128, %add3A_109 : i32
    %dma_start3A_130 = arith.constant 0 : i32
    %dma_start3A_131 = tpu.memref_slice %arg9[%dma_start3A_130] : memref<51200xf32, #tpu.memory_space<vmem>> -> memref<5120xf32, #tpu.memory_space<vmem>>
    %dma_start3A_132 = tpu.memref_slice %arg4[%add3A_111] : memref<32768000xf32, #tpu.memory_space<hbm>> -> memref<5120xf32, #tpu.memory_space<hbm>>
    %dma_start3A_133 = tpu.memref_slice %arg4[%add3A_111] : memref<32768000xf32, #tpu.memory_space<hbm>> -> memref<5120xf32, #tpu.memory_space<hbm>>
    %dma_start3A_134 = arith.constant 0 : i32
    %dma_start3A_135 = tpu.memref_slice %arg9[%dma_start3A_134] : memref<51200xf32, #tpu.memory_space<vmem>> -> memref<5120xf32, #tpu.memory_space<vmem>>
    tpu.enqueue_dma source(%dma_start3A_135 : memref<5120xf32, #tpu.memory_space<vmem>>) target(%dma_start3A_133 : memref<5120xf32, #tpu.memory_space<hbm>>) target_semaphore(%arg13 : memref<!tpu.dma_semaphore, #tpu.memory_space<semaphore_mem>>)
    %dma_start3A_136 = arith.constant 5120 : i32
    %dma_start3A_137 = tpu.memref_slice %arg9[%dma_start3A_136] : memref<51200xf32, #tpu.memory_space<vmem>> -> memref<5120xf32, #tpu.memory_space<vmem>>
    %dma_start3A_138 = tpu.memref_slice %arg4[%add3A_113] : memref<32768000xf32, #tpu.memory_space<hbm>> -> memref<5120xf32, #tpu.memory_space<hbm>>
    %dma_start3A_139 = tpu.memref_slice %arg4[%add3A_113] : memref<32768000xf32, #tpu.memory_space<hbm>> -> memref<5120xf32, #tpu.memory_space<hbm>>
    %dma_start3A_140 = arith.constant 5120 : i32
    %dma_start3A_141 = tpu.memref_slice %arg9[%dma_start3A_140] : memref<51200xf32, #tpu.memory_space<vmem>> -> memref<5120xf32, #tpu.memory_space<vmem>>
    tpu.enqueue_dma source(%dma_start3A_141 : memref<5120xf32, #tpu.memory_space<vmem>>) target(%dma_start3A_139 : memref<5120xf32, #tpu.memory_space<hbm>>) target_semaphore(%arg13 : memref<!tpu.dma_semaphore, #tpu.memory_space<semaphore_mem>>)
    %dma_start3A_142 = arith.constant 10240 : i32
    %dma_start3A_143 = tpu.memref_slice %arg9[%dma_start3A_142] : memref<51200xf32, #tpu.memory_space<vmem>> -> memref<5120xf32, #tpu.memory_space<vmem>>
    %dma_start3A_144 = tpu.memref_slice %arg4[%add3A_115] : memref<32768000xf32, #tpu.memory_space<hbm>> -> memref<5120xf32, #tpu.memory_space<hbm>>
    %dma_start3A_145 = tpu.memref_slice %arg4[%add3A_115] : memref<32768000xf32, #tpu.memory_space<hbm>> -> memref<5120xf32, #tpu.memory_space<hbm>>
    %dma_start3A_146 = arith.constant 10240 : i32
    %dma_start3A_147 = tpu.memref_slice %arg9[%dma_start3A_146] : memref<51200xf32, #tpu.memory_space<vmem>> -> memref<5120xf32, #tpu.memory_space<vmem>>
    tpu.enqueue_dma source(%dma_start3A_147 : memref<5120xf32, #tpu.memory_space<vmem>>) target(%dma_start3A_145 : memref<5120xf32, #tpu.memory_space<hbm>>) target_semaphore(%arg13 : memref<!tpu.dma_semaphore, #tpu.memory_space<semaphore_mem>>)
    %dma_start3A_148 = arith.constant 15360 : i32
    %dma_start3A_149 = tpu.memref_slice %arg9[%dma_start3A_148] : memref<51200xf32, #tpu.memory_space<vmem>> -> memref<5120xf32, #tpu.memory_space<vmem>>
    %dma_start3A_150 = tpu.memref_slice %arg4[%add3A_117] : memref<32768000xf32, #tpu.memory_space<hbm>> -> memref<5120xf32, #tpu.memory_space<hbm>>
    %dma_start3A_151 = tpu.memref_slice %arg4[%add3A_117] : memref<32768000xf32, #tpu.memory_space<hbm>> -> memref<5120xf32, #tpu.memory_space<hbm>>
    %dma_start3A_152 = arith.constant 15360 : i32
    %dma_start3A_153 = tpu.memref_slice %arg9[%dma_start3A_152] : memref<51200xf32, #tpu.memory_space<vmem>> -> memref<5120xf32, #tpu.memory_space<vmem>>
    tpu.enqueue_dma source(%dma_start3A_153 : memref<5120xf32, #tpu.memory_space<vmem>>) target(%dma_start3A_151 : memref<5120xf32, #tpu.memory_space<hbm>>) target_semaphore(%arg13 : memref<!tpu.dma_semaphore, #tpu.memory_space<semaphore_mem>>)
    %dma_start3A_154 = arith.constant 20480 : i32
    %dma_start3A_155 = tpu.memref_slice %arg9[%dma_start3A_154] : memref<51200xf32, #tpu.memory_space<vmem>> -> memref<5120xf32, #tpu.memory_space<vmem>>
    %dma_start3A_156 = tpu.memref_slice %arg4[%add3A_119] : memref<32768000xf32, #tpu.memory_space<hbm>> -> memref<5120xf32, #tpu.memory_space<hbm>>
    %dma_start3A_157 = tpu.memref_slice %arg4[%add3A_119] : memref<32768000xf32, #tpu.memory_space<hbm>> -> memref<5120xf32, #tpu.memory_space<hbm>>
    %dma_start3A_158 = arith.constant 20480 : i32
    %dma_start3A_159 = tpu.memref_slice %arg9[%dma_start3A_158] : memref<51200xf32, #tpu.memory_space<vmem>> -> memref<5120xf32, #tpu.memory_space<vmem>>
    tpu.enqueue_dma source(%dma_start3A_159 : memref<5120xf32, #tpu.memory_space<vmem>>) target(%dma_start3A_157 : memref<5120xf32, #tpu.memory_space<hbm>>) target_semaphore(%arg13 : memref<!tpu.dma_semaphore, #tpu.memory_space<semaphore_mem>>)
    %dma_start3A_160 = arith.constant 25600 : i32
    %dma_start3A_161 = tpu.memref_slice %arg9[%dma_start3A_160] : memref<51200xf32, #tpu.memory_space<vmem>> -> memref<5120xf32, #tpu.memory_space<vmem>>
    %dma_start3A_162 = tpu.memref_slice %arg4[%add3A_121] : memref<32768000xf32, #tpu.memory_space<hbm>> -> memref<5120xf32, #tpu.memory_space<hbm>>
    %dma_start3A_163 = tpu.memref_slice %arg4[%add3A_121] : memref<32768000xf32, #tpu.memory_space<hbm>> -> memref<5120xf32, #tpu.memory_space<hbm>>
    %dma_start3A_164 = arith.constant 25600 : i32
    %dma_start3A_165 = tpu.memref_slice %arg9[%dma_start3A_164] : memref<51200xf32, #tpu.memory_space<vmem>> -> memref<5120xf32, #tpu.memory_space<vmem>>
    tpu.enqueue_dma source(%dma_start3A_165 : memref<5120xf32, #tpu.memory_space<vmem>>) target(%dma_start3A_163 : memref<5120xf32, #tpu.memory_space<hbm>>) target_semaphore(%arg13 : memref<!tpu.dma_semaphore, #tpu.memory_space<semaphore_mem>>)
    %dma_start3A_166 = arith.constant 30720 : i32
    %dma_start3A_167 = tpu.memref_slice %arg9[%dma_start3A_166] : memref<51200xf32, #tpu.memory_space<vmem>> -> memref<5120xf32, #tpu.memory_space<vmem>>
    %dma_start3A_168 = tpu.memref_slice %arg4[%add3A_123] : memref<32768000xf32, #tpu.memory_space<hbm>> -> memref<5120xf32, #tpu.memory_space<hbm>>
    %dma_start3A_169 = tpu.memref_slice %arg4[%add3A_123] : memref<32768000xf32, #tpu.memory_space<hbm>> -> memref<5120xf32, #tpu.memory_space<hbm>>
    %dma_start3A_170 = arith.constant 30720 : i32
    %dma_start3A_171 = tpu.memref_slice %arg9[%dma_start3A_170] : memref<51200xf32, #tpu.memory_space<vmem>> -> memref<5120xf32, #tpu.memory_space<vmem>>
    tpu.enqueue_dma source(%dma_start3A_171 : memref<5120xf32, #tpu.memory_space<vmem>>) target(%dma_start3A_169 : memref<5120xf32, #tpu.memory_space<hbm>>) target_semaphore(%arg13 : memref<!tpu.dma_semaphore, #tpu.memory_space<semaphore_mem>>)
    %dma_start3A_172 = arith.constant 35840 : i32
    %dma_start3A_173 = tpu.memref_slice %arg9[%dma_start3A_172] : memref<51200xf32, #tpu.memory_space<vmem>> -> memref<5120xf32, #tpu.memory_space<vmem>>
    %dma_start3A_174 = tpu.memref_slice %arg4[%add3A_125] : memref<32768000xf32, #tpu.memory_space<hbm>> -> memref<5120xf32, #tpu.memory_space<hbm>>
    %dma_start3A_175 = tpu.memref_slice %arg4[%add3A_125] : memref<32768000xf32, #tpu.memory_space<hbm>> -> memref<5120xf32, #tpu.memory_space<hbm>>
    %dma_start3A_176 = arith.constant 35840 : i32
    %dma_start3A_177 = tpu.memref_slice %arg9[%dma_start3A_176] : memref<51200xf32, #tpu.memory_space<vmem>> -> memref<5120xf32, #tpu.memory_space<vmem>>
    tpu.enqueue_dma source(%dma_start3A_177 : memref<5120xf32, #tpu.memory_space<vmem>>) target(%dma_start3A_175 : memref<5120xf32, #tpu.memory_space<hbm>>) target_semaphore(%arg13 : memref<!tpu.dma_semaphore, #tpu.memory_space<semaphore_mem>>)
    %dma_start3A_178 = arith.constant 40960 : i32
    %dma_start3A_179 = tpu.memref_slice %arg9[%dma_start3A_178] : memref<51200xf32, #tpu.memory_space<vmem>> -> memref<5120xf32, #tpu.memory_space<vmem>>
    %dma_start3A_180 = tpu.memref_slice %arg4[%add3A_127] : memref<32768000xf32, #tpu.memory_space<hbm>> -> memref<5120xf32, #tpu.memory_space<hbm>>
    %dma_start3A_181 = tpu.memref_slice %arg4[%add3A_127] : memref<32768000xf32, #tpu.memory_space<hbm>> -> memref<5120xf32, #tpu.memory_space<hbm>>
    %dma_start3A_182 = arith.constant 40960 : i32
    %dma_start3A_183 = tpu.memref_slice %arg9[%dma_start3A_182] : memref<51200xf32, #tpu.memory_space<vmem>> -> memref<5120xf32, #tpu.memory_space<vmem>>
    tpu.enqueue_dma source(%dma_start3A_183 : memref<5120xf32, #tpu.memory_space<vmem>>) target(%dma_start3A_181 : memref<5120xf32, #tpu.memory_space<hbm>>) target_semaphore(%arg13 : memref<!tpu.dma_semaphore, #tpu.memory_space<semaphore_mem>>)
    %dma_start3A_184 = arith.constant 46080 : i32
    %dma_start3A_185 = tpu.memref_slice %arg9[%dma_start3A_184] : memref<51200xf32, #tpu.memory_space<vmem>> -> memref<5120xf32, #tpu.memory_space<vmem>>
    %dma_start3A_186 = tpu.memref_slice %arg4[%add3A_129] : memref<32768000xf32, #tpu.memory_space<hbm>> -> memref<5120xf32, #tpu.memory_space<hbm>>
    %dma_start3A_187 = tpu.memref_slice %arg4[%add3A_129] : memref<32768000xf32, #tpu.memory_space<hbm>> -> memref<5120xf32, #tpu.memory_space<hbm>>
    %dma_start3A_188 = arith.constant 46080 : i32
    %dma_start3A_189 = tpu.memref_slice %arg9[%dma_start3A_188] : memref<51200xf32, #tpu.memory_space<vmem>> -> memref<5120xf32, #tpu.memory_space<vmem>>
    tpu.enqueue_dma source(%dma_start3A_189 : memref<5120xf32, #tpu.memory_space<vmem>>) target(%dma_start3A_187 : memref<5120xf32, #tpu.memory_space<hbm>>) target_semaphore(%arg13 : memref<!tpu.dma_semaphore, #tpu.memory_space<semaphore_mem>>)
    %add3A_190 = arith.constant 15360 : i32
    %add3A_191 = arith.addi %mul3A_2, %add3A_190 : i32
    %dma_start3A_192 = tpu.memref_slice %arg2[%add3A_191] : memref<3276800xi32, #tpu.memory_space<hbm>> -> memref<5120xi32, #tpu.memory_space<hbm>>
    %dma_start3A_193 = tpu.memref_slice %arg2[%add3A_191] : memref<3276800xi32, #tpu.memory_space<hbm>> -> memref<5120xi32, #tpu.memory_space<hbm>>
    tpu.enqueue_dma source(%dma_start3A_193 : memref<5120xi32, #tpu.memory_space<hbm>>) target(%arg7 : memref<5120xi32, #tpu.memory_space<vmem>>) target_semaphore(%arg11 : memref<!tpu.dma_semaphore, #tpu.memory_space<semaphore_mem>>)
    %scan3A = arith.constant 0 : i32
    %scan3A_194 = arith.constant 9 : i32
    %scan3A_195 = arith.addi %scan3A, %scan3A_194 : i32
    %scan3A_196 = arith.constant 1 : i32
    scf.for %scan3A_370 = %scan3A to %scan3A_195 step %scan3A_196  : i32 {
      %mul3A_371 = arith.constant 2 : i32
      %mul3A_372 = arith.muli %scan3A_370, %mul3A_371 : i32
      %add3A_373 = arith.constant 2 : i32
      %add3A_374 = arith.addi %add3A_373, %mul3A_372 : i32
      %add3A_375 = arith.constant 0 : i32
      %add3A_376 = arith.addi %add3A_374, %add3A_375 : i32
      %mul3A_377 = arith.constant 5120 : i32
      %mul3A_378 = arith.muli %add3A_376, %mul3A_377 : i32
      %add3A_379 = arith.addi %mul3A_2, %mul3A_378 : i32
      %dma_wait3A_380 = tpu.memref_slice %arg2[%add3A_379] : memref<3276800xi32, #tpu.memory_space<hbm>> -> memref<5120xi32, #tpu.memory_space<hbm>>
      %dma_wait3A_381 = tpu.memref_slice %arg2[%add3A_379] : memref<3276800xi32, #tpu.memory_space<hbm>> -> memref<5120xi32, #tpu.memory_space<hbm>>
      tpu.wait_dma2 semaphore(%arg10 : memref<!tpu.dma_semaphore, #tpu.memory_space<semaphore_mem>>) src(%dma_wait3A_381 : memref<5120xi32, #tpu.memory_space<hbm>>) dst(%arg6 : memref<5120xi32, #tpu.memory_space<vmem>>)
      %mul3A_382 = arith.constant 5120 : i32
      %mul3A_383 = arith.muli %add3A_376, %mul3A_382 : i32
      %add3A_384 = arith.addi %mul3A_2, %mul3A_383 : i32
      %add3A_385 = arith.constant 0 : i32
      %add3A_386 = arith.addi %add3A_385, %add3A_384 : i32
      %add3A_387 = arith.constant 3276800 : i32
      %add3A_388 = arith.addi %add3A_387, %add3A_384 : i32
      %add3A_389 = arith.constant 6553600 : i32
      %add3A_390 = arith.addi %add3A_389, %add3A_384 : i32
      %add3A_391 = arith.constant 9830400 : i32
      %add3A_392 = arith.addi %add3A_391, %add3A_384 : i32
      %add3A_393 = arith.constant 13107200 : i32
      %add3A_394 = arith.addi %add3A_393, %add3A_384 : i32
      %add3A_395 = arith.constant 16384000 : i32
      %add3A_396 = arith.addi %add3A_395, %add3A_384 : i32
      %add3A_397 = arith.constant 19660800 : i32
      %add3A_398 = arith.addi %add3A_397, %add3A_384 : i32
      %add3A_399 = arith.constant 22937600 : i32
      %add3A_400 = arith.addi %add3A_399, %add3A_384 : i32
      %add3A_401 = arith.constant 26214400 : i32
      %add3A_402 = arith.addi %add3A_401, %add3A_384 : i32
      %add3A_403 = arith.constant 29491200 : i32
      %add3A_404 = arith.addi %add3A_403, %add3A_384 : i32
      %dma_wait3A_405 = arith.constant 0 : i32
      %dma_wait3A_406 = tpu.memref_slice %arg8[%dma_wait3A_405] : memref<51200xf32, #tpu.memory_space<vmem>> -> memref<5120xf32, #tpu.memory_space<vmem>>
      %dma_wait3A_407 = tpu.memref_slice %arg4[%add3A_386] : memref<32768000xf32, #tpu.memory_space<hbm>> -> memref<5120xf32, #tpu.memory_space<hbm>>
      %dma_wait3A_408 = tpu.memref_slice %arg4[%add3A_386] : memref<32768000xf32, #tpu.memory_space<hbm>> -> memref<5120xf32, #tpu.memory_space<hbm>>
      %dma_wait3A_409 = arith.constant 0 : i32
      %dma_wait3A_410 = tpu.memref_slice %arg8[%dma_wait3A_409] : memref<51200xf32, #tpu.memory_space<vmem>> -> memref<5120xf32, #tpu.memory_space<vmem>>
      tpu.wait_dma2 semaphore(%arg12 : memref<!tpu.dma_semaphore, #tpu.memory_space<semaphore_mem>>) src(%dma_wait3A_410 : memref<5120xf32, #tpu.memory_space<vmem>>) dst(%dma_wait3A_408 : memref<5120xf32, #tpu.memory_space<hbm>>)
      %dma_wait3A_411 = arith.constant 5120 : i32
      %dma_wait3A_412 = tpu.memref_slice %arg8[%dma_wait3A_411] : memref<51200xf32, #tpu.memory_space<vmem>> -> memref<5120xf32, #tpu.memory_space<vmem>>
      %dma_wait3A_413 = tpu.memref_slice %arg4[%add3A_388] : memref<32768000xf32, #tpu.memory_space<hbm>> -> memref<5120xf32, #tpu.memory_space<hbm>>
      %dma_wait3A_414 = tpu.memref_slice %arg4[%add3A_388] : memref<32768000xf32, #tpu.memory_space<hbm>> -> memref<5120xf32, #tpu.memory_space<hbm>>
      %dma_wait3A_415 = arith.constant 5120 : i32
      %dma_wait3A_416 = tpu.memref_slice %arg8[%dma_wait3A_415] : memref<51200xf32, #tpu.memory_space<vmem>> -> memref<5120xf32, #tpu.memory_space<vmem>>
      tpu.wait_dma2 semaphore(%arg12 : memref<!tpu.dma_semaphore, #tpu.memory_space<semaphore_mem>>) src(%dma_wait3A_416 : memref<5120xf32, #tpu.memory_space<vmem>>) dst(%dma_wait3A_414 : memref<5120xf32, #tpu.memory_space<hbm>>)
      %dma_wait3A_417 = arith.constant 10240 : i32
      %dma_wait3A_418 = tpu.memref_slice %arg8[%dma_wait3A_417] : memref<51200xf32, #tpu.memory_space<vmem>> -> memref<5120xf32, #tpu.memory_space<vmem>>
      %dma_wait3A_419 = tpu.memref_slice %arg4[%add3A_390] : memref<32768000xf32, #tpu.memory_space<hbm>> -> memref<5120xf32, #tpu.memory_space<hbm>>
      %dma_wait3A_420 = tpu.memref_slice %arg4[%add3A_390] : memref<32768000xf32, #tpu.memory_space<hbm>> -> memref<5120xf32, #tpu.memory_space<hbm>>
      %dma_wait3A_421 = arith.constant 10240 : i32
      %dma_wait3A_422 = tpu.memref_slice %arg8[%dma_wait3A_421] : memref<51200xf32, #tpu.memory_space<vmem>> -> memref<5120xf32, #tpu.memory_space<vmem>>
      tpu.wait_dma2 semaphore(%arg12 : memref<!tpu.dma_semaphore, #tpu.memory_space<semaphore_mem>>) src(%dma_wait3A_422 : memref<5120xf32, #tpu.memory_space<vmem>>) dst(%dma_wait3A_420 : memref<5120xf32, #tpu.memory_space<hbm>>)
      %dma_wait3A_423 = arith.constant 15360 : i32
      %dma_wait3A_424 = tpu.memref_slice %arg8[%dma_wait3A_423] : memref<51200xf32, #tpu.memory_space<vmem>> -> memref<5120xf32, #tpu.memory_space<vmem>>
      %dma_wait3A_425 = tpu.memref_slice %arg4[%add3A_392] : memref<32768000xf32, #tpu.memory_space<hbm>> -> memref<5120xf32, #tpu.memory_space<hbm>>
      %dma_wait3A_426 = tpu.memref_slice %arg4[%add3A_392] : memref<32768000xf32, #tpu.memory_space<hbm>> -> memref<5120xf32, #tpu.memory_space<hbm>>
      %dma_wait3A_427 = arith.constant 15360 : i32
      %dma_wait3A_428 = tpu.memref_slice %arg8[%dma_wait3A_427] : memref<51200xf32, #tpu.memory_space<vmem>> -> memref<5120xf32, #tpu.memory_space<vmem>>
      tpu.wait_dma2 semaphore(%arg12 : memref<!tpu.dma_semaphore, #tpu.memory_space<semaphore_mem>>) src(%dma_wait3A_428 : memref<5120xf32, #tpu.memory_space<vmem>>) dst(%dma_wait3A_426 : memref<5120xf32, #tpu.memory_space<hbm>>)
      %dma_wait3A_429 = arith.constant 20480 : i32
      %dma_wait3A_430 = tpu.memref_slice %arg8[%dma_wait3A_429] : memref<51200xf32, #tpu.memory_space<vmem>> -> memref<5120xf32, #tpu.memory_space<vmem>>
      %dma_wait3A_431 = tpu.memref_slice %arg4[%add3A_394] : memref<32768000xf32, #tpu.memory_space<hbm>> -> memref<5120xf32, #tpu.memory_space<hbm>>
      %dma_wait3A_432 = tpu.memref_slice %arg4[%add3A_394] : memref<32768000xf32, #tpu.memory_space<hbm>> -> memref<5120xf32, #tpu.memory_space<hbm>>
      %dma_wait3A_433 = arith.constant 20480 : i32
      %dma_wait3A_434 = tpu.memref_slice %arg8[%dma_wait3A_433] : memref<51200xf32, #tpu.memory_space<vmem>> -> memref<5120xf32, #tpu.memory_space<vmem>>
      tpu.wait_dma2 semaphore(%arg12 : memref<!tpu.dma_semaphore, #tpu.memory_space<semaphore_mem>>) src(%dma_wait3A_434 : memref<5120xf32, #tpu.memory_space<vmem>>) dst(%dma_wait3A_432 : memref<5120xf32, #tpu.memory_space<hbm>>)
      %dma_wait3A_435 = arith.constant 25600 : i32
      %dma_wait3A_436 = tpu.memref_slice %arg8[%dma_wait3A_435] : memref<51200xf32, #tpu.memory_space<vmem>> -> memref<5120xf32, #tpu.memory_space<vmem>>
      %dma_wait3A_437 = tpu.memref_slice %arg4[%add3A_396] : memref<32768000xf32, #tpu.memory_space<hbm>> -> memref<5120xf32, #tpu.memory_space<hbm>>
      %dma_wait3A_438 = tpu.memref_slice %arg4[%add3A_396] : memref<32768000xf32, #tpu.memory_space<hbm>> -> memref<5120xf32, #tpu.memory_space<hbm>>
      %dma_wait3A_439 = arith.constant 25600 : i32
      %dma_wait3A_440 = tpu.memref_slice %arg8[%dma_wait3A_439] : memref<51200xf32, #tpu.memory_space<vmem>> -> memref<5120xf32, #tpu.memory_space<vmem>>
      tpu.wait_dma2 semaphore(%arg12 : memref<!tpu.dma_semaphore, #tpu.memory_space<semaphore_mem>>) src(%dma_wait3A_440 : memref<5120xf32, #tpu.memory_space<vmem>>) dst(%dma_wait3A_438 : memref<5120xf32, #tpu.memory_space<hbm>>)
      %dma_wait3A_441 = arith.constant 30720 : i32
      %dma_wait3A_442 = tpu.memref_slice %arg8[%dma_wait3A_441] : memref<51200xf32, #tpu.memory_space<vmem>> -> memref<5120xf32, #tpu.memory_space<vmem>>
      %dma_wait3A_443 = tpu.memref_slice %arg4[%add3A_398] : memref<32768000xf32, #tpu.memory_space<hbm>> -> memref<5120xf32, #tpu.memory_space<hbm>>
      %dma_wait3A_444 = tpu.memref_slice %arg4[%add3A_398] : memref<32768000xf32, #tpu.memory_space<hbm>> -> memref<5120xf32, #tpu.memory_space<hbm>>
      %dma_wait3A_445 = arith.constant 30720 : i32
      %dma_wait3A_446 = tpu.memref_slice %arg8[%dma_wait3A_445] : memref<51200xf32, #tpu.memory_space<vmem>> -> memref<5120xf32, #tpu.memory_space<vmem>>
      tpu.wait_dma2 semaphore(%arg12 : memref<!tpu.dma_semaphore, #tpu.memory_space<semaphore_mem>>) src(%dma_wait3A_446 : memref<5120xf32, #tpu.memory_space<vmem>>) dst(%dma_wait3A_444 : memref<5120xf32, #tpu.memory_space<hbm>>)
      %dma_wait3A_447 = arith.constant 35840 : i32
      %dma_wait3A_448 = tpu.memref_slice %arg8[%dma_wait3A_447] : memref<51200xf32, #tpu.memory_space<vmem>> -> memref<5120xf32, #tpu.memory_space<vmem>>
      %dma_wait3A_449 = tpu.memref_slice %arg4[%add3A_400] : memref<32768000xf32, #tpu.memory_space<hbm>> -> memref<5120xf32, #tpu.memory_space<hbm>>
      %dma_wait3A_450 = tpu.memref_slice %arg4[%add3A_400] : memref<32768000xf32, #tpu.memory_space<hbm>> -> memref<5120xf32, #tpu.memory_space<hbm>>
      %dma_wait3A_451 = arith.constant 35840 : i32
      %dma_wait3A_452 = tpu.memref_slice %arg8[%dma_wait3A_451] : memref<51200xf32, #tpu.memory_space<vmem>> -> memref<5120xf32, #tpu.memory_space<vmem>>
      tpu.wait_dma2 semaphore(%arg12 : memref<!tpu.dma_semaphore, #tpu.memory_space<semaphore_mem>>) src(%dma_wait3A_452 : memref<5120xf32, #tpu.memory_space<vmem>>) dst(%dma_wait3A_450 : memref<5120xf32, #tpu.memory_space<hbm>>)
      %dma_wait3A_453 = arith.constant 40960 : i32
      %dma_wait3A_454 = tpu.memref_slice %arg8[%dma_wait3A_453] : memref<51200xf32, #tpu.memory_space<vmem>> -> memref<5120xf32, #tpu.memory_space<vmem>>
      %dma_wait3A_455 = tpu.memref_slice %arg4[%add3A_402] : memref<32768000xf32, #tpu.memory_space<hbm>> -> memref<5120xf32, #tpu.memory_space<hbm>>
      %dma_wait3A_456 = tpu.memref_slice %arg4[%add3A_402] : memref<32768000xf32, #tpu.memory_space<hbm>> -> memref<5120xf32, #tpu.memory_space<hbm>>
      %dma_wait3A_457 = arith.constant 40960 : i32
      %dma_wait3A_458 = tpu.memref_slice %arg8[%dma_wait3A_457] : memref<51200xf32, #tpu.memory_space<vmem>> -> memref<5120xf32, #tpu.memory_space<vmem>>
      tpu.wait_dma2 semaphore(%arg12 : memref<!tpu.dma_semaphore, #tpu.memory_space<semaphore_mem>>) src(%dma_wait3A_458 : memref<5120xf32, #tpu.memory_space<vmem>>) dst(%dma_wait3A_456 : memref<5120xf32, #tpu.memory_space<hbm>>)
      %dma_wait3A_459 = arith.constant 46080 : i32
      %dma_wait3A_460 = tpu.memref_slice %arg8[%dma_wait3A_459] : memref<51200xf32, #tpu.memory_space<vmem>> -> memref<5120xf32, #tpu.memory_space<vmem>>
      %dma_wait3A_461 = tpu.memref_slice %arg4[%add3A_404] : memref<32768000xf32, #tpu.memory_space<hbm>> -> memref<5120xf32, #tpu.memory_space<hbm>>
      %dma_wait3A_462 = tpu.memref_slice %arg4[%add3A_404] : memref<32768000xf32, #tpu.memory_space<hbm>> -> memref<5120xf32, #tpu.memory_space<hbm>>
      %dma_wait3A_463 = arith.constant 46080 : i32
      %dma_wait3A_464 = tpu.memref_slice %arg8[%dma_wait3A_463] : memref<51200xf32, #tpu.memory_space<vmem>> -> memref<5120xf32, #tpu.memory_space<vmem>>
      tpu.wait_dma2 semaphore(%arg12 : memref<!tpu.dma_semaphore, #tpu.memory_space<semaphore_mem>>) src(%dma_wait3A_464 : memref<5120xf32, #tpu.memory_space<vmem>>) dst(%dma_wait3A_462 : memref<5120xf32, #tpu.memory_space<hbm>>)
      %parallel_loop3A_465 = arith.constant 0 : i32
      %parallel_loop3A_466 = arith.constant 320 : i32
      %parallel_loop3A_467 = arith.constant 1 : i32
      scf.for %parallel_loop3A_744 = %parallel_loop3A_465 to %parallel_loop3A_466 step %parallel_loop3A_467  : i32 {
        %parallel_loop3A_745 = arith.constant 16 : i32
        %parallel_loop3A_746 = arith.muli %parallel_loop3A_744, %parallel_loop3A_745 : i32
        %parallel_loop3A_747 = arith.index_cast %parallel_loop3A_746 : i32 to index
        %parallel_loop3A_748 = tpu.vector_load %arg6[%parallel_loop3A_747] {strides = array<i32>} : memref<5120xi32, #tpu.memory_space<vmem>>, vector<16xi32>,
        %parallel_loop3A_749 = arith.constant 0 : i32
        %parallel_loop3A_750 = vector.broadcast %parallel_loop3A_749 : i32 to vector<16xi32>
        %parallel_loop3A_751 = arith.addi %parallel_loop3A_748, %parallel_loop3A_750 : vector<16xi32>
        %parallel_loop3A_752 = tpu.vector_load_idx %arg5[%parallel_loop3A_751] : memref<10000xf32, #tpu.memory_space<vmem>>[vector<16xi32>], vector<16xf32>,
        %parallel_loop3A_753 = arith.constant 16 : i32
        %parallel_loop3A_754 = arith.muli %parallel_loop3A_744, %parallel_loop3A_753 : i32
        %parallel_loop3A_755 = arith.constant 0 : i32
        %parallel_loop3A_756 = arith.addi %parallel_loop3A_755, %parallel_loop3A_754 : i32
        %parallel_loop3A_757 = arith.index_cast %parallel_loop3A_756 : i32 to index
        %parallel_loop3A_758 = tpu.vector_load %arg8[%parallel_loop3A_757] {strides = array<i32>} : memref<51200xf32, #tpu.memory_space<vmem>>, vector<16xf32>,
        tpu.vector_store %arg8[%parallel_loop3A_757], %parallel_loop3A_752 {strides = array<i32>} : memref<51200xf32, #tpu.memory_space<vmem>>, vector<16xf32>,
        %parallel_loop3A_759 = arith.constant 1000 : i32
        %parallel_loop3A_760 = vector.broadcast %parallel_loop3A_759 : i32 to vector<16xi32>
        %parallel_loop3A_761 = arith.addi %parallel_loop3A_748, %parallel_loop3A_760 : vector<16xi32>
        %parallel_loop3A_762 = tpu.vector_load_idx %arg5[%parallel_loop3A_761] : memref<10000xf32, #tpu.memory_space<vmem>>[vector<16xi32>], vector<16xf32>,
        %parallel_loop3A_763 = arith.constant 16 : i32
        %parallel_loop3A_764 = arith.muli %parallel_loop3A_744, %parallel_loop3A_763 : i32
        %parallel_loop3A_765 = arith.constant 5120 : i32
        %parallel_loop3A_766 = arith.addi %parallel_loop3A_765, %parallel_loop3A_764 : i32
        %parallel_loop3A_767 = arith.index_cast %parallel_loop3A_766 : i32 to index
        %parallel_loop3A_768 = tpu.vector_load %arg8[%parallel_loop3A_767] {strides = array<i32>} : memref<51200xf32, #tpu.memory_space<vmem>>, vector<16xf32>,
        tpu.vector_store %arg8[%parallel_loop3A_767], %parallel_loop3A_762 {strides = array<i32>} : memref<51200xf32, #tpu.memory_space<vmem>>, vector<16xf32>,
        %parallel_loop3A_769 = arith.constant 2000 : i32
        %parallel_loop3A_770 = vector.broadcast %parallel_loop3A_769 : i32 to vector<16xi32>
        %parallel_loop3A_771 = arith.addi %parallel_loop3A_748, %parallel_loop3A_770 : vector<16xi32>
        %parallel_loop3A_772 = tpu.vector_load_idx %arg5[%parallel_loop3A_771] : memref<10000xf32, #tpu.memory_space<vmem>>[vector<16xi32>], vector<16xf32>,
        %parallel_loop3A_773 = arith.constant 16 : i32
        %parallel_loop3A_774 = arith.muli %parallel_loop3A_744, %parallel_loop3A_773 : i32
        %parallel_loop3A_775 = arith.constant 10240 : i32
        %parallel_loop3A_776 = arith.addi %parallel_loop3A_775, %parallel_loop3A_774 : i32
        %parallel_loop3A_777 = arith.index_cast %parallel_loop3A_776 : i32 to index
        %parallel_loop3A_778 = tpu.vector_load %arg8[%parallel_loop3A_777] {strides = array<i32>} : memref<51200xf32, #tpu.memory_space<vmem>>, vector<16xf32>,
        tpu.vector_store %arg8[%parallel_loop3A_777], %parallel_loop3A_772 {strides = array<i32>} : memref<51200xf32, #tpu.memory_space<vmem>>, vector<16xf32>,
        %parallel_loop3A_779 = arith.constant 3000 : i32
        %parallel_loop3A_780 = vector.broadcast %parallel_loop3A_779 : i32 to vector<16xi32>
        %parallel_loop3A_781 = arith.addi %parallel_loop3A_748, %parallel_loop3A_780 : vector<16xi32>
        %parallel_loop3A_782 = tpu.vector_load_idx %arg5[%parallel_loop3A_781] : memref<10000xf32, #tpu.memory_space<vmem>>[vector<16xi32>], vector<16xf32>,
        %parallel_loop3A_783 = arith.constant 16 : i32
        %parallel_loop3A_784 = arith.muli %parallel_loop3A_744, %parallel_loop3A_783 : i32
        %parallel_loop3A_785 = arith.constant 15360 : i32
        %parallel_loop3A_786 = arith.addi %parallel_loop3A_785, %parallel_loop3A_784 : i32
        %parallel_loop3A_787 = arith.index_cast %parallel_loop3A_786 : i32 to index
        %parallel_loop3A_788 = tpu.vector_load %arg8[%parallel_loop3A_787] {strides = array<i32>} : memref<51200xf32, #tpu.memory_space<vmem>>, vector<16xf32>,
        tpu.vector_store %arg8[%parallel_loop3A_787], %parallel_loop3A_782 {strides = array<i32>} : memref<51200xf32, #tpu.memory_space<vmem>>, vector<16xf32>,
        %parallel_loop3A_789 = arith.constant 4000 : i32
        %parallel_loop3A_790 = vector.broadcast %parallel_loop3A_789 : i32 to vector<16xi32>
        %parallel_loop3A_791 = arith.addi %parallel_loop3A_748, %parallel_loop3A_790 : vector<16xi32>
        %parallel_loop3A_792 = tpu.vector_load_idx %arg5[%parallel_loop3A_791] : memref<10000xf32, #tpu.memory_space<vmem>>[vector<16xi32>], vector<16xf32>,
        %parallel_loop3A_793 = arith.constant 16 : i32
        %parallel_loop3A_794 = arith.muli %parallel_loop3A_744, %parallel_loop3A_793 : i32
        %parallel_loop3A_795 = arith.constant 20480 : i32
        %parallel_loop3A_796 = arith.addi %parallel_loop3A_795, %parallel_loop3A_794 : i32
        %parallel_loop3A_797 = arith.index_cast %parallel_loop3A_796 : i32 to index
        %parallel_loop3A_798 = tpu.vector_load %arg8[%parallel_loop3A_797] {strides = array<i32>} : memref<51200xf32, #tpu.memory_space<vmem>>, vector<16xf32>,
        tpu.vector_store %arg8[%parallel_loop3A_797], %parallel_loop3A_792 {strides = array<i32>} : memref<51200xf32, #tpu.memory_space<vmem>>, vector<16xf32>,
        %parallel_loop3A_799 = arith.constant 5000 : i32
        %parallel_loop3A_800 = vector.broadcast %parallel_loop3A_799 : i32 to vector<16xi32>
        %parallel_loop3A_801 = arith.addi %parallel_loop3A_748, %parallel_loop3A_800 : vector<16xi32>
        %parallel_loop3A_802 = tpu.vector_load_idx %arg5[%parallel_loop3A_801] : memref<10000xf32, #tpu.memory_space<vmem>>[vector<16xi32>], vector<16xf32>,
        %parallel_loop3A_803 = arith.constant 16 : i32
        %parallel_loop3A_804 = arith.muli %parallel_loop3A_744, %parallel_loop3A_803 : i32
        %parallel_loop3A_805 = arith.constant 25600 : i32
        %parallel_loop3A_806 = arith.addi %parallel_loop3A_805, %parallel_loop3A_804 : i32
        %parallel_loop3A_807 = arith.index_cast %parallel_loop3A_806 : i32 to index
        %parallel_loop3A_808 = tpu.vector_load %arg8[%parallel_loop3A_807] {strides = array<i32>} : memref<51200xf32, #tpu.memory_space<vmem>>, vector<16xf32>,
        tpu.vector_store %arg8[%parallel_loop3A_807], %parallel_loop3A_802 {strides = array<i32>} : memref<51200xf32, #tpu.memory_space<vmem>>, vector<16xf32>,
        %parallel_loop3A_809 = arith.constant 6000 : i32
        %parallel_loop3A_810 = vector.broadcast %parallel_loop3A_809 : i32 to vector<16xi32>
        %parallel_loop3A_811 = arith.addi %parallel_loop3A_748, %parallel_loop3A_810 : vector<16xi32>
        %parallel_loop3A_812 = tpu.vector_load_idx %arg5[%parallel_loop3A_811] : memref<10000xf32, #tpu.memory_space<vmem>>[vector<16xi32>], vector<16xf32>,
        %parallel_loop3A_813 = arith.constant 16 : i32
        %parallel_loop3A_814 = arith.muli %parallel_loop3A_744, %parallel_loop3A_813 : i32
        %parallel_loop3A_815 = arith.constant 30720 : i32
        %parallel_loop3A_816 = arith.addi %parallel_loop3A_815, %parallel_loop3A_814 : i32
        %parallel_loop3A_817 = arith.index_cast %parallel_loop3A_816 : i32 to index
        %parallel_loop3A_818 = tpu.vector_load %arg8[%parallel_loop3A_817] {strides = array<i32>} : memref<51200xf32, #tpu.memory_space<vmem>>, vector<16xf32>,
        tpu.vector_store %arg8[%parallel_loop3A_817], %parallel_loop3A_812 {strides = array<i32>} : memref<51200xf32, #tpu.memory_space<vmem>>, vector<16xf32>,
        %parallel_loop3A_819 = arith.constant 7000 : i32
        %parallel_loop3A_820 = vector.broadcast %parallel_loop3A_819 : i32 to vector<16xi32>
        %parallel_loop3A_821 = arith.addi %parallel_loop3A_748, %parallel_loop3A_820 : vector<16xi32>
        %parallel_loop3A_822 = tpu.vector_load_idx %arg5[%parallel_loop3A_821] : memref<10000xf32, #tpu.memory_space<vmem>>[vector<16xi32>], vector<16xf32>,
        %parallel_loop3A_823 = arith.constant 16 : i32
        %parallel_loop3A_824 = arith.muli %parallel_loop3A_744, %parallel_loop3A_823 : i32
        %parallel_loop3A_825 = arith.constant 35840 : i32
        %parallel_loop3A_826 = arith.addi %parallel_loop3A_825, %parallel_loop3A_824 : i32
        %parallel_loop3A_827 = arith.index_cast %parallel_loop3A_826 : i32 to index
        %parallel_loop3A_828 = tpu.vector_load %arg8[%parallel_loop3A_827] {strides = array<i32>} : memref<51200xf32, #tpu.memory_space<vmem>>, vector<16xf32>,
        tpu.vector_store %arg8[%parallel_loop3A_827], %parallel_loop3A_822 {strides = array<i32>} : memref<51200xf32, #tpu.memory_space<vmem>>, vector<16xf32>,
        %parallel_loop3A_829 = arith.constant 8000 : i32
        %parallel_loop3A_830 = vector.broadcast %parallel_loop3A_829 : i32 to vector<16xi32>
        %parallel_loop3A_831 = arith.addi %parallel_loop3A_748, %parallel_loop3A_830 : vector<16xi32>
        %parallel_loop3A_832 = tpu.vector_load_idx %arg5[%parallel_loop3A_831] : memref<10000xf32, #tpu.memory_space<vmem>>[vector<16xi32>], vector<16xf32>,
        %parallel_loop3A_833 = arith.constant 16 : i32
        %parallel_loop3A_834 = arith.muli %parallel_loop3A_744, %parallel_loop3A_833 : i32
        %parallel_loop3A_835 = arith.constant 40960 : i32
        %parallel_loop3A_836 = arith.addi %parallel_loop3A_835, %parallel_loop3A_834 : i32
        %parallel_loop3A_837 = arith.index_cast %parallel_loop3A_836 : i32 to index
        %parallel_loop3A_838 = tpu.vector_load %arg8[%parallel_loop3A_837] {strides = array<i32>} : memref<51200xf32, #tpu.memory_space<vmem>>, vector<16xf32>,
        tpu.vector_store %arg8[%parallel_loop3A_837], %parallel_loop3A_832 {strides = array<i32>} : memref<51200xf32, #tpu.memory_space<vmem>>, vector<16xf32>,
        %parallel_loop3A_839 = arith.constant 9000 : i32
        %parallel_loop3A_840 = vector.broadcast %parallel_loop3A_839 : i32 to vector<16xi32>
        %parallel_loop3A_841 = arith.addi %parallel_loop3A_748, %parallel_loop3A_840 : vector<16xi32>
        %parallel_loop3A_842 = tpu.vector_load_idx %arg5[%parallel_loop3A_841] : memref<10000xf32, #tpu.memory_space<vmem>>[vector<16xi32>], vector<16xf32>,
        %parallel_loop3A_843 = arith.constant 16 : i32
        %parallel_loop3A_844 = arith.muli %parallel_loop3A_744, %parallel_loop3A_843 : i32
        %parallel_loop3A_845 = arith.constant 46080 : i32
        %parallel_loop3A_846 = arith.addi %parallel_loop3A_845, %parallel_loop3A_844 : i32
        %parallel_loop3A_847 = arith.index_cast %parallel_loop3A_846 : i32 to index
        %parallel_loop3A_848 = tpu.vector_load %arg8[%parallel_loop3A_847] {strides = array<i32>} : memref<51200xf32, #tpu.memory_space<vmem>>, vector<16xf32>,
        tpu.vector_store %arg8[%parallel_loop3A_847], %parallel_loop3A_842 {strides = array<i32>} : memref<51200xf32, #tpu.memory_space<vmem>>, vector<16xf32>,
      } {sc.loop_unroll_factor = 4 : i64, sc.parallel_access}
      %mul3A_468 = arith.constant 5120 : i32
      %mul3A_469 = arith.muli %add3A_376, %mul3A_468 : i32
      %add3A_470 = arith.addi %mul3A_2, %mul3A_469 : i32
      %add3A_471 = arith.constant 0 : i32
      %add3A_472 = arith.addi %add3A_471, %add3A_470 : i32
      %add3A_473 = arith.constant 3276800 : i32
      %add3A_474 = arith.addi %add3A_473, %add3A_470 : i32
      %add3A_475 = arith.constant 6553600 : i32
      %add3A_476 = arith.addi %add3A_475, %add3A_470 : i32
      %add3A_477 = arith.constant 9830400 : i32
      %add3A_478 = arith.addi %add3A_477, %add3A_470 : i32
      %add3A_479 = arith.constant 13107200 : i32
      %add3A_480 = arith.addi %add3A_479, %add3A_470 : i32
      %add3A_481 = arith.constant 16384000 : i32
      %add3A_482 = arith.addi %add3A_481, %add3A_470 : i32
      %add3A_483 = arith.constant 19660800 : i32
      %add3A_484 = arith.addi %add3A_483, %add3A_470 : i32
      %add3A_485 = arith.constant 22937600 : i32
      %add3A_486 = arith.addi %add3A_485, %add3A_470 : i32
      %add3A_487 = arith.constant 26214400 : i32
      %add3A_488 = arith.addi %add3A_487, %add3A_470 : i32
      %add3A_489 = arith.constant 29491200 : i32
      %add3A_490 = arith.addi %add3A_489, %add3A_470 : i32
      %dma_start3A_491 = arith.constant 0 : i32
      %dma_start3A_492 = tpu.memref_slice %arg8[%dma_start3A_491] : memref<51200xf32, #tpu.memory_space<vmem>> -> memref<5120xf32, #tpu.memory_space<vmem>>
      %dma_start3A_493 = tpu.memref_slice %arg4[%add3A_472] : memref<32768000xf32, #tpu.memory_space<hbm>> -> memref<5120xf32, #tpu.memory_space<hbm>>
      %dma_start3A_494 = tpu.memref_slice %arg4[%add3A_472] : memref<32768000xf32, #tpu.memory_space<hbm>> -> memref<5120xf32, #tpu.memory_space<hbm>>
      %dma_start3A_495 = arith.constant 0 : i32
      %dma_start3A_496 = tpu.memref_slice %arg8[%dma_start3A_495] : memref<51200xf32, #tpu.memory_space<vmem>> -> memref<5120xf32, #tpu.memory_space<vmem>>
      tpu.enqueue_dma source(%dma_start3A_496 : memref<5120xf32, #tpu.memory_space<vmem>>) target(%dma_start3A_494 : memref<5120xf32, #tpu.memory_space<hbm>>) target_semaphore(%arg12 : memref<!tpu.dma_semaphore, #tpu.memory_space<semaphore_mem>>)
      %dma_start3A_497 = arith.constant 5120 : i32
      %dma_start3A_498 = tpu.memref_slice %arg8[%dma_start3A_497] : memref<51200xf32, #tpu.memory_space<vmem>> -> memref<5120xf32, #tpu.memory_space<vmem>>
      %dma_start3A_499 = tpu.memref_slice %arg4[%add3A_474] : memref<32768000xf32, #tpu.memory_space<hbm>> -> memref<5120xf32, #tpu.memory_space<hbm>>
      %dma_start3A_500 = tpu.memref_slice %arg4[%add3A_474] : memref<32768000xf32, #tpu.memory_space<hbm>> -> memref<5120xf32, #tpu.memory_space<hbm>>
      %dma_start3A_501 = arith.constant 5120 : i32
      %dma_start3A_502 = tpu.memref_slice %arg8[%dma_start3A_501] : memref<51200xf32, #tpu.memory_space<vmem>> -> memref<5120xf32, #tpu.memory_space<vmem>>
      tpu.enqueue_dma source(%dma_start3A_502 : memref<5120xf32, #tpu.memory_space<vmem>>) target(%dma_start3A_500 : memref<5120xf32, #tpu.memory_space<hbm>>) target_semaphore(%arg12 : memref<!tpu.dma_semaphore, #tpu.memory_space<semaphore_mem>>)
      %dma_start3A_503 = arith.constant 10240 : i32
      %dma_start3A_504 = tpu.memref_slice %arg8[%dma_start3A_503] : memref<51200xf32, #tpu.memory_space<vmem>> -> memref<5120xf32, #tpu.memory_space<vmem>>
      %dma_start3A_505 = tpu.memref_slice %arg4[%add3A_476] : memref<32768000xf32, #tpu.memory_space<hbm>> -> memref<5120xf32, #tpu.memory_space<hbm>>
      %dma_start3A_506 = tpu.memref_slice %arg4[%add3A_476] : memref<32768000xf32, #tpu.memory_space<hbm>> -> memref<5120xf32, #tpu.memory_space<hbm>>
      %dma_start3A_507 = arith.constant 10240 : i32
      %dma_start3A_508 = tpu.memref_slice %arg8[%dma_start3A_507] : memref<51200xf32, #tpu.memory_space<vmem>> -> memref<5120xf32, #tpu.memory_space<vmem>>
      tpu.enqueue_dma source(%dma_start3A_508 : memref<5120xf32, #tpu.memory_space<vmem>>) target(%dma_start3A_506 : memref<5120xf32, #tpu.memory_space<hbm>>) target_semaphore(%arg12 : memref<!tpu.dma_semaphore, #tpu.memory_space<semaphore_mem>>)
      %dma_start3A_509 = arith.constant 15360 : i32
      %dma_start3A_510 = tpu.memref_slice %arg8[%dma_start3A_509] : memref<51200xf32, #tpu.memory_space<vmem>> -> memref<5120xf32, #tpu.memory_space<vmem>>
      %dma_start3A_511 = tpu.memref_slice %arg4[%add3A_478] : memref<32768000xf32, #tpu.memory_space<hbm>> -> memref<5120xf32, #tpu.memory_space<hbm>>
      %dma_start3A_512 = tpu.memref_slice %arg4[%add3A_478] : memref<32768000xf32, #tpu.memory_space<hbm>> -> memref<5120xf32, #tpu.memory_space<hbm>>
      %dma_start3A_513 = arith.constant 15360 : i32
      %dma_start3A_514 = tpu.memref_slice %arg8[%dma_start3A_513] : memref<51200xf32, #tpu.memory_space<vmem>> -> memref<5120xf32, #tpu.memory_space<vmem>>
      tpu.enqueue_dma source(%dma_start3A_514 : memref<5120xf32, #tpu.memory_space<vmem>>) target(%dma_start3A_512 : memref<5120xf32, #tpu.memory_space<hbm>>) target_semaphore(%arg12 : memref<!tpu.dma_semaphore, #tpu.memory_space<semaphore_mem>>)
      %dma_start3A_515 = arith.constant 20480 : i32
      %dma_start3A_516 = tpu.memref_slice %arg8[%dma_start3A_515] : memref<51200xf32, #tpu.memory_space<vmem>> -> memref<5120xf32, #tpu.memory_space<vmem>>
      %dma_start3A_517 = tpu.memref_slice %arg4[%add3A_480] : memref<32768000xf32, #tpu.memory_space<hbm>> -> memref<5120xf32, #tpu.memory_space<hbm>>
      %dma_start3A_518 = tpu.memref_slice %arg4[%add3A_480] : memref<32768000xf32, #tpu.memory_space<hbm>> -> memref<5120xf32, #tpu.memory_space<hbm>>
      %dma_start3A_519 = arith.constant 20480 : i32
      %dma_start3A_520 = tpu.memref_slice %arg8[%dma_start3A_519] : memref<51200xf32, #tpu.memory_space<vmem>> -> memref<5120xf32, #tpu.memory_space<vmem>>
      tpu.enqueue_dma source(%dma_start3A_520 : memref<5120xf32, #tpu.memory_space<vmem>>) target(%dma_start3A_518 : memref<5120xf32, #tpu.memory_space<hbm>>) target_semaphore(%arg12 : memref<!tpu.dma_semaphore, #tpu.memory_space<semaphore_mem>>)
      %dma_start3A_521 = arith.constant 25600 : i32
      %dma_start3A_522 = tpu.memref_slice %arg8[%dma_start3A_521] : memref<51200xf32, #tpu.memory_space<vmem>> -> memref<5120xf32, #tpu.memory_space<vmem>>
      %dma_start3A_523 = tpu.memref_slice %arg4[%add3A_482] : memref<32768000xf32, #tpu.memory_space<hbm>> -> memref<5120xf32, #tpu.memory_space<hbm>>
      %dma_start3A_524 = tpu.memref_slice %arg4[%add3A_482] : memref<32768000xf32, #tpu.memory_space<hbm>> -> memref<5120xf32, #tpu.memory_space<hbm>>
      %dma_start3A_525 = arith.constant 25600 : i32
      %dma_start3A_526 = tpu.memref_slice %arg8[%dma_start3A_525] : memref<51200xf32, #tpu.memory_space<vmem>> -> memref<5120xf32, #tpu.memory_space<vmem>>
      tpu.enqueue_dma source(%dma_start3A_526 : memref<5120xf32, #tpu.memory_space<vmem>>) target(%dma_start3A_524 : memref<5120xf32, #tpu.memory_space<hbm>>) target_semaphore(%arg12 : memref<!tpu.dma_semaphore, #tpu.memory_space<semaphore_mem>>)
      %dma_start3A_527 = arith.constant 30720 : i32
      %dma_start3A_528 = tpu.memref_slice %arg8[%dma_start3A_527] : memref<51200xf32, #tpu.memory_space<vmem>> -> memref<5120xf32, #tpu.memory_space<vmem>>
      %dma_start3A_529 = tpu.memref_slice %arg4[%add3A_484] : memref<32768000xf32, #tpu.memory_space<hbm>> -> memref<5120xf32, #tpu.memory_space<hbm>>
      %dma_start3A_530 = tpu.memref_slice %arg4[%add3A_484] : memref<32768000xf32, #tpu.memory_space<hbm>> -> memref<5120xf32, #tpu.memory_space<hbm>>
      %dma_start3A_531 = arith.constant 30720 : i32
      %dma_start3A_532 = tpu.memref_slice %arg8[%dma_start3A_531] : memref<51200xf32, #tpu.memory_space<vmem>> -> memref<5120xf32, #tpu.memory_space<vmem>>
      tpu.enqueue_dma source(%dma_start3A_532 : memref<5120xf32, #tpu.memory_space<vmem>>) target(%dma_start3A_530 : memref<5120xf32, #tpu.memory_space<hbm>>) target_semaphore(%arg12 : memref<!tpu.dma_semaphore, #tpu.memory_space<semaphore_mem>>)
      %dma_start3A_533 = arith.constant 35840 : i32
      %dma_start3A_534 = tpu.memref_slice %arg8[%dma_start3A_533] : memref<51200xf32, #tpu.memory_space<vmem>> -> memref<5120xf32, #tpu.memory_space<vmem>>
      %dma_start3A_535 = tpu.memref_slice %arg4[%add3A_486] : memref<32768000xf32, #tpu.memory_space<hbm>> -> memref<5120xf32, #tpu.memory_space<hbm>>
      %dma_start3A_536 = tpu.memref_slice %arg4[%add3A_486] : memref<32768000xf32, #tpu.memory_space<hbm>> -> memref<5120xf32, #tpu.memory_space<hbm>>
      %dma_start3A_537 = arith.constant 35840 : i32
      %dma_start3A_538 = tpu.memref_slice %arg8[%dma_start3A_537] : memref<51200xf32, #tpu.memory_space<vmem>> -> memref<5120xf32, #tpu.memory_space<vmem>>
      tpu.enqueue_dma source(%dma_start3A_538 : memref<5120xf32, #tpu.memory_space<vmem>>) target(%dma_start3A_536 : memref<5120xf32, #tpu.memory_space<hbm>>) target_semaphore(%arg12 : memref<!tpu.dma_semaphore, #tpu.memory_space<semaphore_mem>>)
      %dma_start3A_539 = arith.constant 40960 : i32
      %dma_start3A_540 = tpu.memref_slice %arg8[%dma_start3A_539] : memref<51200xf32, #tpu.memory_space<vmem>> -> memref<5120xf32, #tpu.memory_space<vmem>>
      %dma_start3A_541 = tpu.memref_slice %arg4[%add3A_488] : memref<32768000xf32, #tpu.memory_space<hbm>> -> memref<5120xf32, #tpu.memory_space<hbm>>
      %dma_start3A_542 = tpu.memref_slice %arg4[%add3A_488] : memref<32768000xf32, #tpu.memory_space<hbm>> -> memref<5120xf32, #tpu.memory_space<hbm>>
      %dma_start3A_543 = arith.constant 40960 : i32
      %dma_start3A_544 = tpu.memref_slice %arg8[%dma_start3A_543] : memref<51200xf32, #tpu.memory_space<vmem>> -> memref<5120xf32, #tpu.memory_space<vmem>>
      tpu.enqueue_dma source(%dma_start3A_544 : memref<5120xf32, #tpu.memory_space<vmem>>) target(%dma_start3A_542 : memref<5120xf32, #tpu.memory_space<hbm>>) target_semaphore(%arg12 : memref<!tpu.dma_semaphore, #tpu.memory_space<semaphore_mem>>)
      %dma_start3A_545 = arith.constant 46080 : i32
      %dma_start3A_546 = tpu.memref_slice %arg8[%dma_start3A_545] : memref<51200xf32, #tpu.memory_space<vmem>> -> memref<5120xf32, #tpu.memory_space<vmem>>
      %dma_start3A_547 = tpu.memref_slice %arg4[%add3A_490] : memref<32768000xf32, #tpu.memory_space<hbm>> -> memref<5120xf32, #tpu.memory_space<hbm>>
      %dma_start3A_548 = tpu.memref_slice %arg4[%add3A_490] : memref<32768000xf32, #tpu.memory_space<hbm>> -> memref<5120xf32, #tpu.memory_space<hbm>>
      %dma_start3A_549 = arith.constant 46080 : i32
      %dma_start3A_550 = tpu.memref_slice %arg8[%dma_start3A_549] : memref<51200xf32, #tpu.memory_space<vmem>> -> memref<5120xf32, #tpu.memory_space<vmem>>
      tpu.enqueue_dma source(%dma_start3A_550 : memref<5120xf32, #tpu.memory_space<vmem>>) target(%dma_start3A_548 : memref<5120xf32, #tpu.memory_space<hbm>>) target_semaphore(%arg12 : memref<!tpu.dma_semaphore, #tpu.memory_space<semaphore_mem>>)
      %add3A_551 = arith.constant 2 : i32
      %add3A_552 = arith.addi %add3A_376, %add3A_551 : i32
      %min3A = arith.constant 19 : i32
      %min3A_553 = arith.minsi %add3A_552, %min3A : i32
      %mul3A_554 = arith.constant 5120 : i32
      %mul3A_555 = arith.muli %min3A_553, %mul3A_554 : i32
      %add3A_556 = arith.addi %mul3A_2, %mul3A_555 : i32
      %dma_start3A_557 = tpu.memref_slice %arg2[%add3A_556] : memref<3276800xi32, #tpu.memory_space<hbm>> -> memref<5120xi32, #tpu.memory_space<hbm>>
      %dma_start3A_558 = tpu.memref_slice %arg2[%add3A_556] : memref<3276800xi32, #tpu.memory_space<hbm>> -> memref<5120xi32, #tpu.memory_space<hbm>>
      tpu.enqueue_dma source(%dma_start3A_558 : memref<5120xi32, #tpu.memory_space<hbm>>) target(%arg6 : memref<5120xi32, #tpu.memory_space<vmem>>) target_semaphore(%arg10 : memref<!tpu.dma_semaphore, #tpu.memory_space<semaphore_mem>>)
      %add3A_559 = arith.constant 1 : i32
      %add3A_560 = arith.addi %add3A_374, %add3A_559 : i32
      %mul3A_561 = arith.constant 5120 : i32
      %mul3A_562 = arith.muli %add3A_560, %mul3A_561 : i32
      %add3A_563 = arith.addi %mul3A_2, %mul3A_562 : i32
      %dma_wait3A_564 = tpu.memref_slice %arg2[%add3A_563] : memref<3276800xi32, #tpu.memory_space<hbm>> -> memref<5120xi32, #tpu.memory_space<hbm>>
      %dma_wait3A_565 = tpu.memref_slice %arg2[%add3A_563] : memref<3276800xi32, #tpu.memory_space<hbm>> -> memref<5120xi32, #tpu.memory_space<hbm>>
      tpu.wait_dma2 semaphore(%arg11 : memref<!tpu.dma_semaphore, #tpu.memory_space<semaphore_mem>>) src(%dma_wait3A_565 : memref<5120xi32, #tpu.memory_space<hbm>>) dst(%arg7 : memref<5120xi32, #tpu.memory_space<vmem>>)
      %mul3A_566 = arith.constant 5120 : i32
      %mul3A_567 = arith.muli %add3A_560, %mul3A_566 : i32
      %add3A_568 = arith.addi %mul3A_2, %mul3A_567 : i32
      %add3A_569 = arith.constant 0 : i32
      %add3A_570 = arith.addi %add3A_569, %add3A_568 : i32
      %add3A_571 = arith.constant 3276800 : i32
      %add3A_572 = arith.addi %add3A_571, %add3A_568 : i32
      %add3A_573 = arith.constant 6553600 : i32
      %add3A_574 = arith.addi %add3A_573, %add3A_568 : i32
      %add3A_575 = arith.constant 9830400 : i32
      %add3A_576 = arith.addi %add3A_575, %add3A_568 : i32
      %add3A_577 = arith.constant 13107200 : i32
      %add3A_578 = arith.addi %add3A_577, %add3A_568 : i32
      %add3A_579 = arith.constant 16384000 : i32
      %add3A_580 = arith.addi %add3A_579, %add3A_568 : i32
      %add3A_581 = arith.constant 19660800 : i32
      %add3A_582 = arith.addi %add3A_581, %add3A_568 : i32
      %add3A_583 = arith.constant 22937600 : i32
      %add3A_584 = arith.addi %add3A_583, %add3A_568 : i32
      %add3A_585 = arith.constant 26214400 : i32
      %add3A_586 = arith.addi %add3A_585, %add3A_568 : i32
      %add3A_587 = arith.constant 29491200 : i32
      %add3A_588 = arith.addi %add3A_587, %add3A_568 : i32
      %dma_wait3A_589 = arith.constant 0 : i32
      %dma_wait3A_590 = tpu.memref_slice %arg9[%dma_wait3A_589] : memref<51200xf32, #tpu.memory_space<vmem>> -> memref<5120xf32, #tpu.memory_space<vmem>>
      %dma_wait3A_591 = tpu.memref_slice %arg4[%add3A_570] : memref<32768000xf32, #tpu.memory_space<hbm>> -> memref<5120xf32, #tpu.memory_space<hbm>>
      %dma_wait3A_592 = tpu.memref_slice %arg4[%add3A_570] : memref<32768000xf32, #tpu.memory_space<hbm>> -> memref<5120xf32, #tpu.memory_space<hbm>>
      %dma_wait3A_593 = arith.constant 0 : i32
      %dma_wait3A_594 = tpu.memref_slice %arg9[%dma_wait3A_593] : memref<51200xf32, #tpu.memory_space<vmem>> -> memref<5120xf32, #tpu.memory_space<vmem>>
      tpu.wait_dma2 semaphore(%arg13 : memref<!tpu.dma_semaphore, #tpu.memory_space<semaphore_mem>>) src(%dma_wait3A_594 : memref<5120xf32, #tpu.memory_space<vmem>>) dst(%dma_wait3A_592 : memref<5120xf32, #tpu.memory_space<hbm>>)
      %dma_wait3A_595 = arith.constant 5120 : i32
      %dma_wait3A_596 = tpu.memref_slice %arg9[%dma_wait3A_595] : memref<51200xf32, #tpu.memory_space<vmem>> -> memref<5120xf32, #tpu.memory_space<vmem>>
      %dma_wait3A_597 = tpu.memref_slice %arg4[%add3A_572] : memref<32768000xf32, #tpu.memory_space<hbm>> -> memref<5120xf32, #tpu.memory_space<hbm>>
      %dma_wait3A_598 = tpu.memref_slice %arg4[%add3A_572] : memref<32768000xf32, #tpu.memory_space<hbm>> -> memref<5120xf32, #tpu.memory_space<hbm>>
      %dma_wait3A_599 = arith.constant 5120 : i32
      %dma_wait3A_600 = tpu.memref_slice %arg9[%dma_wait3A_599] : memref<51200xf32, #tpu.memory_space<vmem>> -> memref<5120xf32, #tpu.memory_space<vmem>>
      tpu.wait_dma2 semaphore(%arg13 : memref<!tpu.dma_semaphore, #tpu.memory_space<semaphore_mem>>) src(%dma_wait3A_600 : memref<5120xf32, #tpu.memory_space<vmem>>) dst(%dma_wait3A_598 : memref<5120xf32, #tpu.memory_space<hbm>>)
      %dma_wait3A_601 = arith.constant 10240 : i32
      %dma_wait3A_602 = tpu.memref_slice %arg9[%dma_wait3A_601] : memref<51200xf32, #tpu.memory_space<vmem>> -> memref<5120xf32, #tpu.memory_space<vmem>>
      %dma_wait3A_603 = tpu.memref_slice %arg4[%add3A_574] : memref<32768000xf32, #tpu.memory_space<hbm>> -> memref<5120xf32, #tpu.memory_space<hbm>>
      %dma_wait3A_604 = tpu.memref_slice %arg4[%add3A_574] : memref<32768000xf32, #tpu.memory_space<hbm>> -> memref<5120xf32, #tpu.memory_space<hbm>>
      %dma_wait3A_605 = arith.constant 10240 : i32
      %dma_wait3A_606 = tpu.memref_slice %arg9[%dma_wait3A_605] : memref<51200xf32, #tpu.memory_space<vmem>> -> memref<5120xf32, #tpu.memory_space<vmem>>
      tpu.wait_dma2 semaphore(%arg13 : memref<!tpu.dma_semaphore, #tpu.memory_space<semaphore_mem>>) src(%dma_wait3A_606 : memref<5120xf32, #tpu.memory_space<vmem>>) dst(%dma_wait3A_604 : memref<5120xf32, #tpu.memory_space<hbm>>)
      %dma_wait3A_607 = arith.constant 15360 : i32
      %dma_wait3A_608 = tpu.memref_slice %arg9[%dma_wait3A_607] : memref<51200xf32, #tpu.memory_space<vmem>> -> memref<5120xf32, #tpu.memory_space<vmem>>
      %dma_wait3A_609 = tpu.memref_slice %arg4[%add3A_576] : memref<32768000xf32, #tpu.memory_space<hbm>> -> memref<5120xf32, #tpu.memory_space<hbm>>
      %dma_wait3A_610 = tpu.memref_slice %arg4[%add3A_576] : memref<32768000xf32, #tpu.memory_space<hbm>> -> memref<5120xf32, #tpu.memory_space<hbm>>
      %dma_wait3A_611 = arith.constant 15360 : i32
      %dma_wait3A_612 = tpu.memref_slice %arg9[%dma_wait3A_611] : memref<51200xf32, #tpu.memory_space<vmem>> -> memref<5120xf32, #tpu.memory_space<vmem>>
      tpu.wait_dma2 semaphore(%arg13 : memref<!tpu.dma_semaphore, #tpu.memory_space<semaphore_mem>>) src(%dma_wait3A_612 : memref<5120xf32, #tpu.memory_space<vmem>>) dst(%dma_wait3A_610 : memref<5120xf32, #tpu.memory_space<hbm>>)
      %dma_wait3A_613 = arith.constant 20480 : i32
      %dma_wait3A_614 = tpu.memref_slice %arg9[%dma_wait3A_613] : memref<51200xf32, #tpu.memory_space<vmem>> -> memref<5120xf32, #tpu.memory_space<vmem>>
      %dma_wait3A_615 = tpu.memref_slice %arg4[%add3A_578] : memref<32768000xf32, #tpu.memory_space<hbm>> -> memref<5120xf32, #tpu.memory_space<hbm>>
      %dma_wait3A_616 = tpu.memref_slice %arg4[%add3A_578] : memref<32768000xf32, #tpu.memory_space<hbm>> -> memref<5120xf32, #tpu.memory_space<hbm>>
      %dma_wait3A_617 = arith.constant 20480 : i32
      %dma_wait3A_618 = tpu.memref_slice %arg9[%dma_wait3A_617] : memref<51200xf32, #tpu.memory_space<vmem>> -> memref<5120xf32, #tpu.memory_space<vmem>>
      tpu.wait_dma2 semaphore(%arg13 : memref<!tpu.dma_semaphore, #tpu.memory_space<semaphore_mem>>) src(%dma_wait3A_618 : memref<5120xf32, #tpu.memory_space<vmem>>) dst(%dma_wait3A_616 : memref<5120xf32, #tpu.memory_space<hbm>>)
      %dma_wait3A_619 = arith.constant 25600 : i32
      %dma_wait3A_620 = tpu.memref_slice %arg9[%dma_wait3A_619] : memref<51200xf32, #tpu.memory_space<vmem>> -> memref<5120xf32, #tpu.memory_space<vmem>>
      %dma_wait3A_621 = tpu.memref_slice %arg4[%add3A_580] : memref<32768000xf32, #tpu.memory_space<hbm>> -> memref<5120xf32, #tpu.memory_space<hbm>>
      %dma_wait3A_622 = tpu.memref_slice %arg4[%add3A_580] : memref<32768000xf32, #tpu.memory_space<hbm>> -> memref<5120xf32, #tpu.memory_space<hbm>>
      %dma_wait3A_623 = arith.constant 25600 : i32
      %dma_wait3A_624 = tpu.memref_slice %arg9[%dma_wait3A_623] : memref<51200xf32, #tpu.memory_space<vmem>> -> memref<5120xf32, #tpu.memory_space<vmem>>
      tpu.wait_dma2 semaphore(%arg13 : memref<!tpu.dma_semaphore, #tpu.memory_space<semaphore_mem>>) src(%dma_wait3A_624 : memref<5120xf32, #tpu.memory_space<vmem>>) dst(%dma_wait3A_622 : memref<5120xf32, #tpu.memory_space<hbm>>)
      %dma_wait3A_625 = arith.constant 30720 : i32
      %dma_wait3A_626 = tpu.memref_slice %arg9[%dma_wait3A_625] : memref<51200xf32, #tpu.memory_space<vmem>> -> memref<5120xf32, #tpu.memory_space<vmem>>
      %dma_wait3A_627 = tpu.memref_slice %arg4[%add3A_582] : memref<32768000xf32, #tpu.memory_space<hbm>> -> memref<5120xf32, #tpu.memory_space<hbm>>
      %dma_wait3A_628 = tpu.memref_slice %arg4[%add3A_582] : memref<32768000xf32, #tpu.memory_space<hbm>> -> memref<5120xf32, #tpu.memory_space<hbm>>
      %dma_wait3A_629 = arith.constant 30720 : i32
      %dma_wait3A_630 = tpu.memref_slice %arg9[%dma_wait3A_629] : memref<51200xf32, #tpu.memory_space<vmem>> -> memref<5120xf32, #tpu.memory_space<vmem>>
      tpu.wait_dma2 semaphore(%arg13 : memref<!tpu.dma_semaphore, #tpu.memory_space<semaphore_mem>>) src(%dma_wait3A_630 : memref<5120xf32, #tpu.memory_space<vmem>>) dst(%dma_wait3A_628 : memref<5120xf32, #tpu.memory_space<hbm>>)
      %dma_wait3A_631 = arith.constant 35840 : i32
      %dma_wait3A_632 = tpu.memref_slice %arg9[%dma_wait3A_631] : memref<51200xf32, #tpu.memory_space<vmem>> -> memref<5120xf32, #tpu.memory_space<vmem>>
      %dma_wait3A_633 = tpu.memref_slice %arg4[%add3A_584] : memref<32768000xf32, #tpu.memory_space<hbm>> -> memref<5120xf32, #tpu.memory_space<hbm>>
      %dma_wait3A_634 = tpu.memref_slice %arg4[%add3A_584] : memref<32768000xf32, #tpu.memory_space<hbm>> -> memref<5120xf32, #tpu.memory_space<hbm>>
      %dma_wait3A_635 = arith.constant 35840 : i32
      %dma_wait3A_636 = tpu.memref_slice %arg9[%dma_wait3A_635] : memref<51200xf32, #tpu.memory_space<vmem>> -> memref<5120xf32, #tpu.memory_space<vmem>>
      tpu.wait_dma2 semaphore(%arg13 : memref<!tpu.dma_semaphore, #tpu.memory_space<semaphore_mem>>) src(%dma_wait3A_636 : memref<5120xf32, #tpu.memory_space<vmem>>) dst(%dma_wait3A_634 : memref<5120xf32, #tpu.memory_space<hbm>>)
      %dma_wait3A_637 = arith.constant 40960 : i32
      %dma_wait3A_638 = tpu.memref_slice %arg9[%dma_wait3A_637] : memref<51200xf32, #tpu.memory_space<vmem>> -> memref<5120xf32, #tpu.memory_space<vmem>>
      %dma_wait3A_639 = tpu.memref_slice %arg4[%add3A_586] : memref<32768000xf32, #tpu.memory_space<hbm>> -> memref<5120xf32, #tpu.memory_space<hbm>>
      %dma_wait3A_640 = tpu.memref_slice %arg4[%add3A_586] : memref<32768000xf32, #tpu.memory_space<hbm>> -> memref<5120xf32, #tpu.memory_space<hbm>>
      %dma_wait3A_641 = arith.constant 40960 : i32
      %dma_wait3A_642 = tpu.memref_slice %arg9[%dma_wait3A_641] : memref<51200xf32, #tpu.memory_space<vmem>> -> memref<5120xf32, #tpu.memory_space<vmem>>
      tpu.wait_dma2 semaphore(%arg13 : memref<!tpu.dma_semaphore, #tpu.memory_space<semaphore_mem>>) src(%dma_wait3A_642 : memref<5120xf32, #tpu.memory_space<vmem>>) dst(%dma_wait3A_640 : memref<5120xf32, #tpu.memory_space<hbm>>)
      %dma_wait3A_643 = arith.constant 46080 : i32
      %dma_wait3A_644 = tpu.memref_slice %arg9[%dma_wait3A_643] : memref<51200xf32, #tpu.memory_space<vmem>> -> memref<5120xf32, #tpu.memory_space<vmem>>
      %dma_wait3A_645 = tpu.memref_slice %arg4[%add3A_588] : memref<32768000xf32, #tpu.memory_space<hbm>> -> memref<5120xf32, #tpu.memory_space<hbm>>
      %dma_wait3A_646 = tpu.memref_slice %arg4[%add3A_588] : memref<32768000xf32, #tpu.memory_space<hbm>> -> memref<5120xf32, #tpu.memory_space<hbm>>
      %dma_wait3A_647 = arith.constant 46080 : i32
      %dma_wait3A_648 = tpu.memref_slice %arg9[%dma_wait3A_647] : memref<51200xf32, #tpu.memory_space<vmem>> -> memref<5120xf32, #tpu.memory_space<vmem>>
      tpu.wait_dma2 semaphore(%arg13 : memref<!tpu.dma_semaphore, #tpu.memory_space<semaphore_mem>>) src(%dma_wait3A_648 : memref<5120xf32, #tpu.memory_space<vmem>>) dst(%dma_wait3A_646 : memref<5120xf32, #tpu.memory_space<hbm>>)
      %parallel_loop3A_649 = arith.constant 0 : i32
      %parallel_loop3A_650 = arith.constant 320 : i32
      %parallel_loop3A_651 = arith.constant 1 : i32
      scf.for %parallel_loop3A_744 = %parallel_loop3A_649 to %parallel_loop3A_650 step %parallel_loop3A_651  : i32 {
        %parallel_loop3A_745 = arith.constant 16 : i32
        %parallel_loop3A_746 = arith.muli %parallel_loop3A_744, %parallel_loop3A_745 : i32
        %parallel_loop3A_747 = arith.index_cast %parallel_loop3A_746 : i32 to index
        %parallel_loop3A_748 = tpu.vector_load %arg7[%parallel_loop3A_747] {strides = array<i32>} : memref<5120xi32, #tpu.memory_space<vmem>>, vector<16xi32>,
        %parallel_loop3A_749 = arith.constant 0 : i32
        %parallel_loop3A_750 = vector.broadcast %parallel_loop3A_749 : i32 to vector<16xi32>
        %parallel_loop3A_751 = arith.addi %parallel_loop3A_748, %parallel_loop3A_750 : vector<16xi32>
        %parallel_loop3A_752 = tpu.vector_load_idx %arg5[%parallel_loop3A_751] : memref<10000xf32, #tpu.memory_space<vmem>>[vector<16xi32>], vector<16xf32>,
        %parallel_loop3A_753 = arith.constant 16 : i32
        %parallel_loop3A_754 = arith.muli %parallel_loop3A_744, %parallel_loop3A_753 : i32
        %parallel_loop3A_755 = arith.constant 0 : i32
        %parallel_loop3A_756 = arith.addi %parallel_loop3A_755, %parallel_loop3A_754 : i32
        %parallel_loop3A_757 = arith.index_cast %parallel_loop3A_756 : i32 to index
        %parallel_loop3A_758 = tpu.vector_load %arg9[%parallel_loop3A_757] {strides = array<i32>} : memref<51200xf32, #tpu.memory_space<vmem>>, vector<16xf32>,
        tpu.vector_store %arg9[%parallel_loop3A_757], %parallel_loop3A_752 {strides = array<i32>} : memref<51200xf32, #tpu.memory_space<vmem>>, vector<16xf32>,
        %parallel_loop3A_759 = arith.constant 1000 : i32
        %parallel_loop3A_760 = vector.broadcast %parallel_loop3A_759 : i32 to vector<16xi32>
        %parallel_loop3A_761 = arith.addi %parallel_loop3A_748, %parallel_loop3A_760 : vector<16xi32>
        %parallel_loop3A_762 = tpu.vector_load_idx %arg5[%parallel_loop3A_761] : memref<10000xf32, #tpu.memory_space<vmem>>[vector<16xi32>], vector<16xf32>,
        %parallel_loop3A_763 = arith.constant 16 : i32
        %parallel_loop3A_764 = arith.muli %parallel_loop3A_744, %parallel_loop3A_763 : i32
        %parallel_loop3A_765 = arith.constant 5120 : i32
        %parallel_loop3A_766 = arith.addi %parallel_loop3A_765, %parallel_loop3A_764 : i32
        %parallel_loop3A_767 = arith.index_cast %parallel_loop3A_766 : i32 to index
        %parallel_loop3A_768 = tpu.vector_load %arg9[%parallel_loop3A_767] {strides = array<i32>} : memref<51200xf32, #tpu.memory_space<vmem>>, vector<16xf32>,
        tpu.vector_store %arg9[%parallel_loop3A_767], %parallel_loop3A_762 {strides = array<i32>} : memref<51200xf32, #tpu.memory_space<vmem>>, vector<16xf32>,
        %parallel_loop3A_769 = arith.constant 2000 : i32
        %parallel_loop3A_770 = vector.broadcast %parallel_loop3A_769 : i32 to vector<16xi32>
        %parallel_loop3A_771 = arith.addi %parallel_loop3A_748, %parallel_loop3A_770 : vector<16xi32>
        %parallel_loop3A_772 = tpu.vector_load_idx %arg5[%parallel_loop3A_771] : memref<10000xf32, #tpu.memory_space<vmem>>[vector<16xi32>], vector<16xf32>,
        %parallel_loop3A_773 = arith.constant 16 : i32
        %parallel_loop3A_774 = arith.muli %parallel_loop3A_744, %parallel_loop3A_773 : i32
        %parallel_loop3A_775 = arith.constant 10240 : i32
        %parallel_loop3A_776 = arith.addi %parallel_loop3A_775, %parallel_loop3A_774 : i32
        %parallel_loop3A_777 = arith.index_cast %parallel_loop3A_776 : i32 to index
        %parallel_loop3A_778 = tpu.vector_load %arg9[%parallel_loop3A_777] {strides = array<i32>} : memref<51200xf32, #tpu.memory_space<vmem>>, vector<16xf32>,
        tpu.vector_store %arg9[%parallel_loop3A_777], %parallel_loop3A_772 {strides = array<i32>} : memref<51200xf32, #tpu.memory_space<vmem>>, vector<16xf32>,
        %parallel_loop3A_779 = arith.constant 3000 : i32
        %parallel_loop3A_780 = vector.broadcast %parallel_loop3A_779 : i32 to vector<16xi32>
        %parallel_loop3A_781 = arith.addi %parallel_loop3A_748, %parallel_loop3A_780 : vector<16xi32>
        %parallel_loop3A_782 = tpu.vector_load_idx %arg5[%parallel_loop3A_781] : memref<10000xf32, #tpu.memory_space<vmem>>[vector<16xi32>], vector<16xf32>,
        %parallel_loop3A_783 = arith.constant 16 : i32
        %parallel_loop3A_784 = arith.muli %parallel_loop3A_744, %parallel_loop3A_783 : i32
        %parallel_loop3A_785 = arith.constant 15360 : i32
        %parallel_loop3A_786 = arith.addi %parallel_loop3A_785, %parallel_loop3A_784 : i32
        %parallel_loop3A_787 = arith.index_cast %parallel_loop3A_786 : i32 to index
        %parallel_loop3A_788 = tpu.vector_load %arg9[%parallel_loop3A_787] {strides = array<i32>} : memref<51200xf32, #tpu.memory_space<vmem>>, vector<16xf32>,
        tpu.vector_store %arg9[%parallel_loop3A_787], %parallel_loop3A_782 {strides = array<i32>} : memref<51200xf32, #tpu.memory_space<vmem>>, vector<16xf32>,
        %parallel_loop3A_789 = arith.constant 4000 : i32
        %parallel_loop3A_790 = vector.broadcast %parallel_loop3A_789 : i32 to vector<16xi32>
        %parallel_loop3A_791 = arith.addi %parallel_loop3A_748, %parallel_loop3A_790 : vector<16xi32>
        %parallel_loop3A_792 = tpu.vector_load_idx %arg5[%parallel_loop3A_791] : memref<10000xf32, #tpu.memory_space<vmem>>[vector<16xi32>], vector<16xf32>,
        %parallel_loop3A_793 = arith.constant 16 : i32
        %parallel_loop3A_794 = arith.muli %parallel_loop3A_744, %parallel_loop3A_793 : i32
        %parallel_loop3A_795 = arith.constant 20480 : i32
        %parallel_loop3A_796 = arith.addi %parallel_loop3A_795, %parallel_loop3A_794 : i32
        %parallel_loop3A_797 = arith.index_cast %parallel_loop3A_796 : i32 to index
        %parallel_loop3A_798 = tpu.vector_load %arg9[%parallel_loop3A_797] {strides = array<i32>} : memref<51200xf32, #tpu.memory_space<vmem>>, vector<16xf32>,
        tpu.vector_store %arg9[%parallel_loop3A_797], %parallel_loop3A_792 {strides = array<i32>} : memref<51200xf32, #tpu.memory_space<vmem>>, vector<16xf32>,
        %parallel_loop3A_799 = arith.constant 5000 : i32
        %parallel_loop3A_800 = vector.broadcast %parallel_loop3A_799 : i32 to vector<16xi32>
        %parallel_loop3A_801 = arith.addi %parallel_loop3A_748, %parallel_loop3A_800 : vector<16xi32>
        %parallel_loop3A_802 = tpu.vector_load_idx %arg5[%parallel_loop3A_801] : memref<10000xf32, #tpu.memory_space<vmem>>[vector<16xi32>], vector<16xf32>,
        %parallel_loop3A_803 = arith.constant 16 : i32
        %parallel_loop3A_804 = arith.muli %parallel_loop3A_744, %parallel_loop3A_803 : i32
        %parallel_loop3A_805 = arith.constant 25600 : i32
        %parallel_loop3A_806 = arith.addi %parallel_loop3A_805, %parallel_loop3A_804 : i32
        %parallel_loop3A_807 = arith.index_cast %parallel_loop3A_806 : i32 to index
        %parallel_loop3A_808 = tpu.vector_load %arg9[%parallel_loop3A_807] {strides = array<i32>} : memref<51200xf32, #tpu.memory_space<vmem>>, vector<16xf32>,
        tpu.vector_store %arg9[%parallel_loop3A_807], %parallel_loop3A_802 {strides = array<i32>} : memref<51200xf32, #tpu.memory_space<vmem>>, vector<16xf32>,
        %parallel_loop3A_809 = arith.constant 6000 : i32
        %parallel_loop3A_810 = vector.broadcast %parallel_loop3A_809 : i32 to vector<16xi32>
        %parallel_loop3A_811 = arith.addi %parallel_loop3A_748, %parallel_loop3A_810 : vector<16xi32>
        %parallel_loop3A_812 = tpu.vector_load_idx %arg5[%parallel_loop3A_811] : memref<10000xf32, #tpu.memory_space<vmem>>[vector<16xi32>], vector<16xf32>,
        %parallel_loop3A_813 = arith.constant 16 : i32
        %parallel_loop3A_814 = arith.muli %parallel_loop3A_744, %parallel_loop3A_813 : i32
        %parallel_loop3A_815 = arith.constant 30720 : i32
        %parallel_loop3A_816 = arith.addi %parallel_loop3A_815, %parallel_loop3A_814 : i32
        %parallel_loop3A_817 = arith.index_cast %parallel_loop3A_816 : i32 to index
        %parallel_loop3A_818 = tpu.vector_load %arg9[%parallel_loop3A_817] {strides = array<i32>} : memref<51200xf32, #tpu.memory_space<vmem>>, vector<16xf32>,
        tpu.vector_store %arg9[%parallel_loop3A_817], %parallel_loop3A_812 {strides = array<i32>} : memref<51200xf32, #tpu.memory_space<vmem>>, vector<16xf32>,
        %parallel_loop3A_819 = arith.constant 7000 : i32
        %parallel_loop3A_820 = vector.broadcast %parallel_loop3A_819 : i32 to vector<16xi32>
        %parallel_loop3A_821 = arith.addi %parallel_loop3A_748, %parallel_loop3A_820 : vector<16xi32>
        %parallel_loop3A_822 = tpu.vector_load_idx %arg5[%parallel_loop3A_821] : memref<10000xf32, #tpu.memory_space<vmem>>[vector<16xi32>], vector<16xf32>,
        %parallel_loop3A_823 = arith.constant 16 : i32
        %parallel_loop3A_824 = arith.muli %parallel_loop3A_744, %parallel_loop3A_823 : i32
        %parallel_loop3A_825 = arith.constant 35840 : i32
        %parallel_loop3A_826 = arith.addi %parallel_loop3A_825, %parallel_loop3A_824 : i32
        %parallel_loop3A_827 = arith.index_cast %parallel_loop3A_826 : i32 to index
        %parallel_loop3A_828 = tpu.vector_load %arg9[%parallel_loop3A_827] {strides = array<i32>} : memref<51200xf32, #tpu.memory_space<vmem>>, vector<16xf32>,
        tpu.vector_store %arg9[%parallel_loop3A_827], %parallel_loop3A_822 {strides = array<i32>} : memref<51200xf32, #tpu.memory_space<vmem>>, vector<16xf32>,
        %parallel_loop3A_829 = arith.constant 8000 : i32
        %parallel_loop3A_830 = vector.broadcast %parallel_loop3A_829 : i32 to vector<16xi32>
        %parallel_loop3A_831 = arith.addi %parallel_loop3A_748, %parallel_loop3A_830 : vector<16xi32>
        %parallel_loop3A_832 = tpu.vector_load_idx %arg5[%parallel_loop3A_831] : memref<10000xf32, #tpu.memory_space<vmem>>[vector<16xi32>], vector<16xf32>,
        %parallel_loop3A_833 = arith.constant 16 : i32
        %parallel_loop3A_834 = arith.muli %parallel_loop3A_744, %parallel_loop3A_833 : i32
        %parallel_loop3A_835 = arith.constant 40960 : i32
        %parallel_loop3A_836 = arith.addi %parallel_loop3A_835, %parallel_loop3A_834 : i32
        %parallel_loop3A_837 = arith.index_cast %parallel_loop3A_836 : i32 to index
        %parallel_loop3A_838 = tpu.vector_load %arg9[%parallel_loop3A_837] {strides = array<i32>} : memref<51200xf32, #tpu.memory_space<vmem>>, vector<16xf32>,
        tpu.vector_store %arg9[%parallel_loop3A_837], %parallel_loop3A_832 {strides = array<i32>} : memref<51200xf32, #tpu.memory_space<vmem>>, vector<16xf32>,
        %parallel_loop3A_839 = arith.constant 9000 : i32
        %parallel_loop3A_840 = vector.broadcast %parallel_loop3A_839 : i32 to vector<16xi32>
        %parallel_loop3A_841 = arith.addi %parallel_loop3A_748, %parallel_loop3A_840 : vector<16xi32>
        %parallel_loop3A_842 = tpu.vector_load_idx %arg5[%parallel_loop3A_841] : memref<10000xf32, #tpu.memory_space<vmem>>[vector<16xi32>], vector<16xf32>,
        %parallel_loop3A_843 = arith.constant 16 : i32
        %parallel_loop3A_844 = arith.muli %parallel_loop3A_744, %parallel_loop3A_843 : i32
        %parallel_loop3A_845 = arith.constant 46080 : i32
        %parallel_loop3A_846 = arith.addi %parallel_loop3A_845, %parallel_loop3A_844 : i32
        %parallel_loop3A_847 = arith.index_cast %parallel_loop3A_846 : i32 to index
        %parallel_loop3A_848 = tpu.vector_load %arg9[%parallel_loop3A_847] {strides = array<i32>} : memref<51200xf32, #tpu.memory_space<vmem>>, vector<16xf32>,
        tpu.vector_store %arg9[%parallel_loop3A_847], %parallel_loop3A_842 {strides = array<i32>} : memref<51200xf32, #tpu.memory_space<vmem>>, vector<16xf32>,
      } {sc.loop_unroll_factor = 4 : i64, sc.parallel_access}
      %mul3A_652 = arith.constant 5120 : i32
      %mul3A_653 = arith.muli %add3A_560, %mul3A_652 : i32
      %add3A_654 = arith.addi %mul3A_2, %mul3A_653 : i32
      %add3A_655 = arith.constant 0 : i32
      %add3A_656 = arith.addi %add3A_655, %add3A_654 : i32
      %add3A_657 = arith.constant 3276800 : i32
      %add3A_658 = arith.addi %add3A_657, %add3A_654 : i32
      %add3A_659 = arith.constant 6553600 : i32
      %add3A_660 = arith.addi %add3A_659, %add3A_654 : i32
      %add3A_661 = arith.constant 9830400 : i32
      %add3A_662 = arith.addi %add3A_661, %add3A_654 : i32
      %add3A_663 = arith.constant 13107200 : i32
      %add3A_664 = arith.addi %add3A_663, %add3A_654 : i32
      %add3A_665 = arith.constant 16384000 : i32
      %add3A_666 = arith.addi %add3A_665, %add3A_654 : i32
      %add3A_667 = arith.constant 19660800 : i32
      %add3A_668 = arith.addi %add3A_667, %add3A_654 : i32
      %add3A_669 = arith.constant 22937600 : i32
      %add3A_670 = arith.addi %add3A_669, %add3A_654 : i32
      %add3A_671 = arith.constant 26214400 : i32
      %add3A_672 = arith.addi %add3A_671, %add3A_654 : i32
      %add3A_673 = arith.constant 29491200 : i32
      %add3A_674 = arith.addi %add3A_673, %add3A_654 : i32
      %dma_start3A_675 = arith.constant 0 : i32
      %dma_start3A_676 = tpu.memref_slice %arg9[%dma_start3A_675] : memref<51200xf32, #tpu.memory_space<vmem>> -> memref<5120xf32, #tpu.memory_space<vmem>>
      %dma_start3A_677 = tpu.memref_slice %arg4[%add3A_656] : memref<32768000xf32, #tpu.memory_space<hbm>> -> memref<5120xf32, #tpu.memory_space<hbm>>
      %dma_start3A_678 = tpu.memref_slice %arg4[%add3A_656] : memref<32768000xf32, #tpu.memory_space<hbm>> -> memref<5120xf32, #tpu.memory_space<hbm>>
      %dma_start3A_679 = arith.constant 0 : i32
      %dma_start3A_680 = tpu.memref_slice %arg9[%dma_start3A_679] : memref<51200xf32, #tpu.memory_space<vmem>> -> memref<5120xf32, #tpu.memory_space<vmem>>
      tpu.enqueue_dma source(%dma_start3A_680 : memref<5120xf32, #tpu.memory_space<vmem>>) target(%dma_start3A_678 : memref<5120xf32, #tpu.memory_space<hbm>>) target_semaphore(%arg13 : memref<!tpu.dma_semaphore, #tpu.memory_space<semaphore_mem>>)
      %dma_start3A_681 = arith.constant 5120 : i32
      %dma_start3A_682 = tpu.memref_slice %arg9[%dma_start3A_681] : memref<51200xf32, #tpu.memory_space<vmem>> -> memref<5120xf32, #tpu.memory_space<vmem>>
      %dma_start3A_683 = tpu.memref_slice %arg4[%add3A_658] : memref<32768000xf32, #tpu.memory_space<hbm>> -> memref<5120xf32, #tpu.memory_space<hbm>>
      %dma_start3A_684 = tpu.memref_slice %arg4[%add3A_658] : memref<32768000xf32, #tpu.memory_space<hbm>> -> memref<5120xf32, #tpu.memory_space<hbm>>
      %dma_start3A_685 = arith.constant 5120 : i32
      %dma_start3A_686 = tpu.memref_slice %arg9[%dma_start3A_685] : memref<51200xf32, #tpu.memory_space<vmem>> -> memref<5120xf32, #tpu.memory_space<vmem>>
      tpu.enqueue_dma source(%dma_start3A_686 : memref<5120xf32, #tpu.memory_space<vmem>>) target(%dma_start3A_684 : memref<5120xf32, #tpu.memory_space<hbm>>) target_semaphore(%arg13 : memref<!tpu.dma_semaphore, #tpu.memory_space<semaphore_mem>>)
      %dma_start3A_687 = arith.constant 10240 : i32
      %dma_start3A_688 = tpu.memref_slice %arg9[%dma_start3A_687] : memref<51200xf32, #tpu.memory_space<vmem>> -> memref<5120xf32, #tpu.memory_space<vmem>>
      %dma_start3A_689 = tpu.memref_slice %arg4[%add3A_660] : memref<32768000xf32, #tpu.memory_space<hbm>> -> memref<5120xf32, #tpu.memory_space<hbm>>
      %dma_start3A_690 = tpu.memref_slice %arg4[%add3A_660] : memref<32768000xf32, #tpu.memory_space<hbm>> -> memref<5120xf32, #tpu.memory_space<hbm>>
      %dma_start3A_691 = arith.constant 10240 : i32
      %dma_start3A_692 = tpu.memref_slice %arg9[%dma_start3A_691] : memref<51200xf32, #tpu.memory_space<vmem>> -> memref<5120xf32, #tpu.memory_space<vmem>>
      tpu.enqueue_dma source(%dma_start3A_692 : memref<5120xf32, #tpu.memory_space<vmem>>) target(%dma_start3A_690 : memref<5120xf32, #tpu.memory_space<hbm>>) target_semaphore(%arg13 : memref<!tpu.dma_semaphore, #tpu.memory_space<semaphore_mem>>)
      %dma_start3A_693 = arith.constant 15360 : i32
      %dma_start3A_694 = tpu.memref_slice %arg9[%dma_start3A_693] : memref<51200xf32, #tpu.memory_space<vmem>> -> memref<5120xf32, #tpu.memory_space<vmem>>
      %dma_start3A_695 = tpu.memref_slice %arg4[%add3A_662] : memref<32768000xf32, #tpu.memory_space<hbm>> -> memref<5120xf32, #tpu.memory_space<hbm>>
      %dma_start3A_696 = tpu.memref_slice %arg4[%add3A_662] : memref<32768000xf32, #tpu.memory_space<hbm>> -> memref<5120xf32, #tpu.memory_space<hbm>>
      %dma_start3A_697 = arith.constant 15360 : i32
      %dma_start3A_698 = tpu.memref_slice %arg9[%dma_start3A_697] : memref<51200xf32, #tpu.memory_space<vmem>> -> memref<5120xf32, #tpu.memory_space<vmem>>
      tpu.enqueue_dma source(%dma_start3A_698 : memref<5120xf32, #tpu.memory_space<vmem>>) target(%dma_start3A_696 : memref<5120xf32, #tpu.memory_space<hbm>>) target_semaphore(%arg13 : memref<!tpu.dma_semaphore, #tpu.memory_space<semaphore_mem>>)
      %dma_start3A_699 = arith.constant 20480 : i32
      %dma_start3A_700 = tpu.memref_slice %arg9[%dma_start3A_699] : memref<51200xf32, #tpu.memory_space<vmem>> -> memref<5120xf32, #tpu.memory_space<vmem>>
      %dma_start3A_701 = tpu.memref_slice %arg4[%add3A_664] : memref<32768000xf32, #tpu.memory_space<hbm>> -> memref<5120xf32, #tpu.memory_space<hbm>>
      %dma_start3A_702 = tpu.memref_slice %arg4[%add3A_664] : memref<32768000xf32, #tpu.memory_space<hbm>> -> memref<5120xf32, #tpu.memory_space<hbm>>
      %dma_start3A_703 = arith.constant 20480 : i32
      %dma_start3A_704 = tpu.memref_slice %arg9[%dma_start3A_703] : memref<51200xf32, #tpu.memory_space<vmem>> -> memref<5120xf32, #tpu.memory_space<vmem>>
      tpu.enqueue_dma source(%dma_start3A_704 : memref<5120xf32, #tpu.memory_space<vmem>>) target(%dma_start3A_702 : memref<5120xf32, #tpu.memory_space<hbm>>) target_semaphore(%arg13 : memref<!tpu.dma_semaphore, #tpu.memory_space<semaphore_mem>>)
      %dma_start3A_705 = arith.constant 25600 : i32
      %dma_start3A_706 = tpu.memref_slice %arg9[%dma_start3A_705] : memref<51200xf32, #tpu.memory_space<vmem>> -> memref<5120xf32, #tpu.memory_space<vmem>>
      %dma_start3A_707 = tpu.memref_slice %arg4[%add3A_666] : memref<32768000xf32, #tpu.memory_space<hbm>> -> memref<5120xf32, #tpu.memory_space<hbm>>
      %dma_start3A_708 = tpu.memref_slice %arg4[%add3A_666] : memref<32768000xf32, #tpu.memory_space<hbm>> -> memref<5120xf32, #tpu.memory_space<hbm>>
      %dma_start3A_709 = arith.constant 25600 : i32
      %dma_start3A_710 = tpu.memref_slice %arg9[%dma_start3A_709] : memref<51200xf32, #tpu.memory_space<vmem>> -> memref<5120xf32, #tpu.memory_space<vmem>>
      tpu.enqueue_dma source(%dma_start3A_710 : memref<5120xf32, #tpu.memory_space<vmem>>) target(%dma_start3A_708 : memref<5120xf32, #tpu.memory_space<hbm>>) target_semaphore(%arg13 : memref<!tpu.dma_semaphore, #tpu.memory_space<semaphore_mem>>)
      %dma_start3A_711 = arith.constant 30720 : i32
      %dma_start3A_712 = tpu.memref_slice %arg9[%dma_start3A_711] : memref<51200xf32, #tpu.memory_space<vmem>> -> memref<5120xf32, #tpu.memory_space<vmem>>
      %dma_start3A_713 = tpu.memref_slice %arg4[%add3A_668] : memref<32768000xf32, #tpu.memory_space<hbm>> -> memref<5120xf32, #tpu.memory_space<hbm>>
      %dma_start3A_714 = tpu.memref_slice %arg4[%add3A_668] : memref<32768000xf32, #tpu.memory_space<hbm>> -> memref<5120xf32, #tpu.memory_space<hbm>>
      %dma_start3A_715 = arith.constant 30720 : i32
      %dma_start3A_716 = tpu.memref_slice %arg9[%dma_start3A_715] : memref<51200xf32, #tpu.memory_space<vmem>> -> memref<5120xf32, #tpu.memory_space<vmem>>
      tpu.enqueue_dma source(%dma_start3A_716 : memref<5120xf32, #tpu.memory_space<vmem>>) target(%dma_start3A_714 : memref<5120xf32, #tpu.memory_space<hbm>>) target_semaphore(%arg13 : memref<!tpu.dma_semaphore, #tpu.memory_space<semaphore_mem>>)
      %dma_start3A_717 = arith.constant 35840 : i32
      %dma_start3A_718 = tpu.memref_slice %arg9[%dma_start3A_717] : memref<51200xf32, #tpu.memory_space<vmem>> -> memref<5120xf32, #tpu.memory_space<vmem>>
      %dma_start3A_719 = tpu.memref_slice %arg4[%add3A_670] : memref<32768000xf32, #tpu.memory_space<hbm>> -> memref<5120xf32, #tpu.memory_space<hbm>>
      %dma_start3A_720 = tpu.memref_slice %arg4[%add3A_670] : memref<32768000xf32, #tpu.memory_space<hbm>> -> memref<5120xf32, #tpu.memory_space<hbm>>
      %dma_start3A_721 = arith.constant 35840 : i32
      %dma_start3A_722 = tpu.memref_slice %arg9[%dma_start3A_721] : memref<51200xf32, #tpu.memory_space<vmem>> -> memref<5120xf32, #tpu.memory_space<vmem>>
      tpu.enqueue_dma source(%dma_start3A_722 : memref<5120xf32, #tpu.memory_space<vmem>>) target(%dma_start3A_720 : memref<5120xf32, #tpu.memory_space<hbm>>) target_semaphore(%arg13 : memref<!tpu.dma_semaphore, #tpu.memory_space<semaphore_mem>>)
      %dma_start3A_723 = arith.constant 40960 : i32
      %dma_start3A_724 = tpu.memref_slice %arg9[%dma_start3A_723] : memref<51200xf32, #tpu.memory_space<vmem>> -> memref<5120xf32, #tpu.memory_space<vmem>>
      %dma_start3A_725 = tpu.memref_slice %arg4[%add3A_672] : memref<32768000xf32, #tpu.memory_space<hbm>> -> memref<5120xf32, #tpu.memory_space<hbm>>
      %dma_start3A_726 = tpu.memref_slice %arg4[%add3A_672] : memref<32768000xf32, #tpu.memory_space<hbm>> -> memref<5120xf32, #tpu.memory_space<hbm>>
      %dma_start3A_727 = arith.constant 40960 : i32
      %dma_start3A_728 = tpu.memref_slice %arg9[%dma_start3A_727] : memref<51200xf32, #tpu.memory_space<vmem>> -> memref<5120xf32, #tpu.memory_space<vmem>>
      tpu.enqueue_dma source(%dma_start3A_728 : memref<5120xf32, #tpu.memory_space<vmem>>) target(%dma_start3A_726 : memref<5120xf32, #tpu.memory_space<hbm>>) target_semaphore(%arg13 : memref<!tpu.dma_semaphore, #tpu.memory_space<semaphore_mem>>)
      %dma_start3A_729 = arith.constant 46080 : i32
      %dma_start3A_730 = tpu.memref_slice %arg9[%dma_start3A_729] : memref<51200xf32, #tpu.memory_space<vmem>> -> memref<5120xf32, #tpu.memory_space<vmem>>
      %dma_start3A_731 = tpu.memref_slice %arg4[%add3A_674] : memref<32768000xf32, #tpu.memory_space<hbm>> -> memref<5120xf32, #tpu.memory_space<hbm>>
      %dma_start3A_732 = tpu.memref_slice %arg4[%add3A_674] : memref<32768000xf32, #tpu.memory_space<hbm>> -> memref<5120xf32, #tpu.memory_space<hbm>>
      %dma_start3A_733 = arith.constant 46080 : i32
      %dma_start3A_734 = tpu.memref_slice %arg9[%dma_start3A_733] : memref<51200xf32, #tpu.memory_space<vmem>> -> memref<5120xf32, #tpu.memory_space<vmem>>
      tpu.enqueue_dma source(%dma_start3A_734 : memref<5120xf32, #tpu.memory_space<vmem>>) target(%dma_start3A_732 : memref<5120xf32, #tpu.memory_space<hbm>>) target_semaphore(%arg13 : memref<!tpu.dma_semaphore, #tpu.memory_space<semaphore_mem>>)
      %add3A_735 = arith.constant 2 : i32
      %add3A_736 = arith.addi %add3A_560, %add3A_735 : i32
      %min3A_737 = arith.constant 19 : i32
      %min3A_738 = arith.minsi %add3A_736, %min3A_737 : i32
      %mul3A_739 = arith.constant 5120 : i32
      %mul3A_740 = arith.muli %min3A_738, %mul3A_739 : i32
      %add3A_741 = arith.addi %mul3A_2, %mul3A_740 : i32
      %dma_start3A_742 = tpu.memref_slice %arg2[%add3A_741] : memref<3276800xi32, #tpu.memory_space<hbm>> -> memref<5120xi32, #tpu.memory_space<hbm>>
      %dma_start3A_743 = tpu.memref_slice %arg2[%add3A_741] : memref<3276800xi32, #tpu.memory_space<hbm>> -> memref<5120xi32, #tpu.memory_space<hbm>>
      tpu.enqueue_dma source(%dma_start3A_743 : memref<5120xi32, #tpu.memory_space<hbm>>) target(%arg7 : memref<5120xi32, #tpu.memory_space<vmem>>) target_semaphore(%arg11 : memref<!tpu.dma_semaphore, #tpu.memory_space<semaphore_mem>>)
    }
    %scan3A_197 = arith.constant 9 : i32
    %add3A_198 = arith.constant 0 : i32
    %add3A_199 = arith.addi %mul3A_2, %add3A_198 : i32
    %dma_wait3A_200 = tpu.memref_slice %arg2[%add3A_199] : memref<3276800xi32, #tpu.memory_space<hbm>> -> memref<5120xi32, #tpu.memory_space<hbm>>
    %dma_wait3A_201 = tpu.memref_slice %arg2[%add3A_199] : memref<3276800xi32, #tpu.memory_space<hbm>> -> memref<5120xi32, #tpu.memory_space<hbm>>
    tpu.wait_dma2 semaphore(%arg10 : memref<!tpu.dma_semaphore, #tpu.memory_space<semaphore_mem>>) src(%dma_wait3A_201 : memref<5120xi32, #tpu.memory_space<hbm>>) dst(%arg6 : memref<5120xi32, #tpu.memory_space<vmem>>)
    %add3A_202 = arith.constant 0 : i32
    %add3A_203 = arith.addi %mul3A_2, %add3A_202 : i32
    %add3A_204 = arith.constant 0 : i32
    %add3A_205 = arith.addi %add3A_204, %add3A_203 : i32
    %add3A_206 = arith.constant 3276800 : i32
    %add3A_207 = arith.addi %add3A_206, %add3A_203 : i32
    %add3A_208 = arith.constant 6553600 : i32
    %add3A_209 = arith.addi %add3A_208, %add3A_203 : i32
    %add3A_210 = arith.constant 9830400 : i32
    %add3A_211 = arith.addi %add3A_210, %add3A_203 : i32
    %add3A_212 = arith.constant 13107200 : i32
    %add3A_213 = arith.addi %add3A_212, %add3A_203 : i32
    %add3A_214 = arith.constant 16384000 : i32
    %add3A_215 = arith.addi %add3A_214, %add3A_203 : i32
    %add3A_216 = arith.constant 19660800 : i32
    %add3A_217 = arith.addi %add3A_216, %add3A_203 : i32
    %add3A_218 = arith.constant 22937600 : i32
    %add3A_219 = arith.addi %add3A_218, %add3A_203 : i32
    %add3A_220 = arith.constant 26214400 : i32
    %add3A_221 = arith.addi %add3A_220, %add3A_203 : i32
    %add3A_222 = arith.constant 29491200 : i32
    %add3A_223 = arith.addi %add3A_222, %add3A_203 : i32
    %dma_wait3A_224 = arith.constant 0 : i32
    %dma_wait3A_225 = tpu.memref_slice %arg8[%dma_wait3A_224] : memref<51200xf32, #tpu.memory_space<vmem>> -> memref<5120xf32, #tpu.memory_space<vmem>>
    %dma_wait3A_226 = tpu.memref_slice %arg4[%add3A_205] : memref<32768000xf32, #tpu.memory_space<hbm>> -> memref<5120xf32, #tpu.memory_space<hbm>>
    %dma_wait3A_227 = tpu.memref_slice %arg4[%add3A_205] : memref<32768000xf32, #tpu.memory_space<hbm>> -> memref<5120xf32, #tpu.memory_space<hbm>>
    %dma_wait3A_228 = arith.constant 0 : i32
    %dma_wait3A_229 = tpu.memref_slice %arg8[%dma_wait3A_228] : memref<51200xf32, #tpu.memory_space<vmem>> -> memref<5120xf32, #tpu.memory_space<vmem>>
    tpu.wait_dma2 semaphore(%arg12 : memref<!tpu.dma_semaphore, #tpu.memory_space<semaphore_mem>>) src(%dma_wait3A_229 : memref<5120xf32, #tpu.memory_space<vmem>>) dst(%dma_wait3A_227 : memref<5120xf32, #tpu.memory_space<hbm>>)
    %dma_wait3A_230 = arith.constant 5120 : i32
    %dma_wait3A_231 = tpu.memref_slice %arg8[%dma_wait3A_230] : memref<51200xf32, #tpu.memory_space<vmem>> -> memref<5120xf32, #tpu.memory_space<vmem>>
    %dma_wait3A_232 = tpu.memref_slice %arg4[%add3A_207] : memref<32768000xf32, #tpu.memory_space<hbm>> -> memref<5120xf32, #tpu.memory_space<hbm>>
    %dma_wait3A_233 = tpu.memref_slice %arg4[%add3A_207] : memref<32768000xf32, #tpu.memory_space<hbm>> -> memref<5120xf32, #tpu.memory_space<hbm>>
    %dma_wait3A_234 = arith.constant 5120 : i32
    %dma_wait3A_235 = tpu.memref_slice %arg8[%dma_wait3A_234] : memref<51200xf32, #tpu.memory_space<vmem>> -> memref<5120xf32, #tpu.memory_space<vmem>>
    tpu.wait_dma2 semaphore(%arg12 : memref<!tpu.dma_semaphore, #tpu.memory_space<semaphore_mem>>) src(%dma_wait3A_235 : memref<5120xf32, #tpu.memory_space<vmem>>) dst(%dma_wait3A_233 : memref<5120xf32, #tpu.memory_space<hbm>>)
    %dma_wait3A_236 = arith.constant 10240 : i32
    %dma_wait3A_237 = tpu.memref_slice %arg8[%dma_wait3A_236] : memref<51200xf32, #tpu.memory_space<vmem>> -> memref<5120xf32, #tpu.memory_space<vmem>>
    %dma_wait3A_238 = tpu.memref_slice %arg4[%add3A_209] : memref<32768000xf32, #tpu.memory_space<hbm>> -> memref<5120xf32, #tpu.memory_space<hbm>>
    %dma_wait3A_239 = tpu.memref_slice %arg4[%add3A_209] : memref<32768000xf32, #tpu.memory_space<hbm>> -> memref<5120xf32, #tpu.memory_space<hbm>>
    %dma_wait3A_240 = arith.constant 10240 : i32
    %dma_wait3A_241 = tpu.memref_slice %arg8[%dma_wait3A_240] : memref<51200xf32, #tpu.memory_space<vmem>> -> memref<5120xf32, #tpu.memory_space<vmem>>
    tpu.wait_dma2 semaphore(%arg12 : memref<!tpu.dma_semaphore, #tpu.memory_space<semaphore_mem>>) src(%dma_wait3A_241 : memref<5120xf32, #tpu.memory_space<vmem>>) dst(%dma_wait3A_239 : memref<5120xf32, #tpu.memory_space<hbm>>)
    %dma_wait3A_242 = arith.constant 15360 : i32
    %dma_wait3A_243 = tpu.memref_slice %arg8[%dma_wait3A_242] : memref<51200xf32, #tpu.memory_space<vmem>> -> memref<5120xf32, #tpu.memory_space<vmem>>
    %dma_wait3A_244 = tpu.memref_slice %arg4[%add3A_211] : memref<32768000xf32, #tpu.memory_space<hbm>> -> memref<5120xf32, #tpu.memory_space<hbm>>
    %dma_wait3A_245 = tpu.memref_slice %arg4[%add3A_211] : memref<32768000xf32, #tpu.memory_space<hbm>> -> memref<5120xf32, #tpu.memory_space<hbm>>
    %dma_wait3A_246 = arith.constant 15360 : i32
    %dma_wait3A_247 = tpu.memref_slice %arg8[%dma_wait3A_246] : memref<51200xf32, #tpu.memory_space<vmem>> -> memref<5120xf32, #tpu.memory_space<vmem>>
    tpu.wait_dma2 semaphore(%arg12 : memref<!tpu.dma_semaphore, #tpu.memory_space<semaphore_mem>>) src(%dma_wait3A_247 : memref<5120xf32, #tpu.memory_space<vmem>>) dst(%dma_wait3A_245 : memref<5120xf32, #tpu.memory_space<hbm>>)
    %dma_wait3A_248 = arith.constant 20480 : i32
    %dma_wait3A_249 = tpu.memref_slice %arg8[%dma_wait3A_248] : memref<51200xf32, #tpu.memory_space<vmem>> -> memref<5120xf32, #tpu.memory_space<vmem>>
    %dma_wait3A_250 = tpu.memref_slice %arg4[%add3A_213] : memref<32768000xf32, #tpu.memory_space<hbm>> -> memref<5120xf32, #tpu.memory_space<hbm>>
    %dma_wait3A_251 = tpu.memref_slice %arg4[%add3A_213] : memref<32768000xf32, #tpu.memory_space<hbm>> -> memref<5120xf32, #tpu.memory_space<hbm>>
    %dma_wait3A_252 = arith.constant 20480 : i32
    %dma_wait3A_253 = tpu.memref_slice %arg8[%dma_wait3A_252] : memref<51200xf32, #tpu.memory_space<vmem>> -> memref<5120xf32, #tpu.memory_space<vmem>>
    tpu.wait_dma2 semaphore(%arg12 : memref<!tpu.dma_semaphore, #tpu.memory_space<semaphore_mem>>) src(%dma_wait3A_253 : memref<5120xf32, #tpu.memory_space<vmem>>) dst(%dma_wait3A_251 : memref<5120xf32, #tpu.memory_space<hbm>>)
    %dma_wait3A_254 = arith.constant 25600 : i32
    %dma_wait3A_255 = tpu.memref_slice %arg8[%dma_wait3A_254] : memref<51200xf32, #tpu.memory_space<vmem>> -> memref<5120xf32, #tpu.memory_space<vmem>>
    %dma_wait3A_256 = tpu.memref_slice %arg4[%add3A_215] : memref<32768000xf32, #tpu.memory_space<hbm>> -> memref<5120xf32, #tpu.memory_space<hbm>>
    %dma_wait3A_257 = tpu.memref_slice %arg4[%add3A_215] : memref<32768000xf32, #tpu.memory_space<hbm>> -> memref<5120xf32, #tpu.memory_space<hbm>>
    %dma_wait3A_258 = arith.constant 25600 : i32
    %dma_wait3A_259 = tpu.memref_slice %arg8[%dma_wait3A_258] : memref<51200xf32, #tpu.memory_space<vmem>> -> memref<5120xf32, #tpu.memory_space<vmem>>
    tpu.wait_dma2 semaphore(%arg12 : memref<!tpu.dma_semaphore, #tpu.memory_space<semaphore_mem>>) src(%dma_wait3A_259 : memref<5120xf32, #tpu.memory_space<vmem>>) dst(%dma_wait3A_257 : memref<5120xf32, #tpu.memory_space<hbm>>)
    %dma_wait3A_260 = arith.constant 30720 : i32
    %dma_wait3A_261 = tpu.memref_slice %arg8[%dma_wait3A_260] : memref<51200xf32, #tpu.memory_space<vmem>> -> memref<5120xf32, #tpu.memory_space<vmem>>
    %dma_wait3A_262 = tpu.memref_slice %arg4[%add3A_217] : memref<32768000xf32, #tpu.memory_space<hbm>> -> memref<5120xf32, #tpu.memory_space<hbm>>
    %dma_wait3A_263 = tpu.memref_slice %arg4[%add3A_217] : memref<32768000xf32, #tpu.memory_space<hbm>> -> memref<5120xf32, #tpu.memory_space<hbm>>
    %dma_wait3A_264 = arith.constant 30720 : i32
    %dma_wait3A_265 = tpu.memref_slice %arg8[%dma_wait3A_264] : memref<51200xf32, #tpu.memory_space<vmem>> -> memref<5120xf32, #tpu.memory_space<vmem>>
    tpu.wait_dma2 semaphore(%arg12 : memref<!tpu.dma_semaphore, #tpu.memory_space<semaphore_mem>>) src(%dma_wait3A_265 : memref<5120xf32, #tpu.memory_space<vmem>>) dst(%dma_wait3A_263 : memref<5120xf32, #tpu.memory_space<hbm>>)
    %dma_wait3A_266 = arith.constant 35840 : i32
    %dma_wait3A_267 = tpu.memref_slice %arg8[%dma_wait3A_266] : memref<51200xf32, #tpu.memory_space<vmem>> -> memref<5120xf32, #tpu.memory_space<vmem>>
    %dma_wait3A_268 = tpu.memref_slice %arg4[%add3A_219] : memref<32768000xf32, #tpu.memory_space<hbm>> -> memref<5120xf32, #tpu.memory_space<hbm>>
    %dma_wait3A_269 = tpu.memref_slice %arg4[%add3A_219] : memref<32768000xf32, #tpu.memory_space<hbm>> -> memref<5120xf32, #tpu.memory_space<hbm>>
    %dma_wait3A_270 = arith.constant 35840 : i32
    %dma_wait3A_271 = tpu.memref_slice %arg8[%dma_wait3A_270] : memref<51200xf32, #tpu.memory_space<vmem>> -> memref<5120xf32, #tpu.memory_space<vmem>>
    tpu.wait_dma2 semaphore(%arg12 : memref<!tpu.dma_semaphore, #tpu.memory_space<semaphore_mem>>) src(%dma_wait3A_271 : memref<5120xf32, #tpu.memory_space<vmem>>) dst(%dma_wait3A_269 : memref<5120xf32, #tpu.memory_space<hbm>>)
    %dma_wait3A_272 = arith.constant 40960 : i32
    %dma_wait3A_273 = tpu.memref_slice %arg8[%dma_wait3A_272] : memref<51200xf32, #tpu.memory_space<vmem>> -> memref<5120xf32, #tpu.memory_space<vmem>>
    %dma_wait3A_274 = tpu.memref_slice %arg4[%add3A_221] : memref<32768000xf32, #tpu.memory_space<hbm>> -> memref<5120xf32, #tpu.memory_space<hbm>>
    %dma_wait3A_275 = tpu.memref_slice %arg4[%add3A_221] : memref<32768000xf32, #tpu.memory_space<hbm>> -> memref<5120xf32, #tpu.memory_space<hbm>>
    %dma_wait3A_276 = arith.constant 40960 : i32
    %dma_wait3A_277 = tpu.memref_slice %arg8[%dma_wait3A_276] : memref<51200xf32, #tpu.memory_space<vmem>> -> memref<5120xf32, #tpu.memory_space<vmem>>
    tpu.wait_dma2 semaphore(%arg12 : memref<!tpu.dma_semaphore, #tpu.memory_space<semaphore_mem>>) src(%dma_wait3A_277 : memref<5120xf32, #tpu.memory_space<vmem>>) dst(%dma_wait3A_275 : memref<5120xf32, #tpu.memory_space<hbm>>)
    %dma_wait3A_278 = arith.constant 46080 : i32
    %dma_wait3A_279 = tpu.memref_slice %arg8[%dma_wait3A_278] : memref<51200xf32, #tpu.memory_space<vmem>> -> memref<5120xf32, #tpu.memory_space<vmem>>
    %dma_wait3A_280 = tpu.memref_slice %arg4[%add3A_223] : memref<32768000xf32, #tpu.memory_space<hbm>> -> memref<5120xf32, #tpu.memory_space<hbm>>
    %dma_wait3A_281 = tpu.memref_slice %arg4[%add3A_223] : memref<32768000xf32, #tpu.memory_space<hbm>> -> memref<5120xf32, #tpu.memory_space<hbm>>
    %dma_wait3A_282 = arith.constant 46080 : i32
    %dma_wait3A_283 = tpu.memref_slice %arg8[%dma_wait3A_282] : memref<51200xf32, #tpu.memory_space<vmem>> -> memref<5120xf32, #tpu.memory_space<vmem>>
    tpu.wait_dma2 semaphore(%arg12 : memref<!tpu.dma_semaphore, #tpu.memory_space<semaphore_mem>>) src(%dma_wait3A_283 : memref<5120xf32, #tpu.memory_space<vmem>>) dst(%dma_wait3A_281 : memref<5120xf32, #tpu.memory_space<hbm>>)
    %add3A_284 = arith.constant 0 : i32
    %add3A_285 = arith.addi %mul3A_2, %add3A_284 : i32
    %dma_wait3A_286 = tpu.memref_slice %arg2[%add3A_285] : memref<3276800xi32, #tpu.memory_space<hbm>> -> memref<5120xi32, #tpu.memory_space<hbm>>
    %dma_wait3A_287 = tpu.memref_slice %arg2[%add3A_285] : memref<3276800xi32, #tpu.memory_space<hbm>> -> memref<5120xi32, #tpu.memory_space<hbm>>
    tpu.wait_dma2 semaphore(%arg11 : memref<!tpu.dma_semaphore, #tpu.memory_space<semaphore_mem>>) src(%dma_wait3A_287 : memref<5120xi32, #tpu.memory_space<hbm>>) dst(%arg7 : memref<5120xi32, #tpu.memory_space<vmem>>)
    %add3A_288 = arith.constant 0 : i32
    %add3A_289 = arith.addi %mul3A_2, %add3A_288 : i32
    %add3A_290 = arith.constant 0 : i32
    %add3A_291 = arith.addi %add3A_290, %add3A_289 : i32
    %add3A_292 = arith.constant 3276800 : i32
    %add3A_293 = arith.addi %add3A_292, %add3A_289 : i32
    %add3A_294 = arith.constant 6553600 : i32
    %add3A_295 = arith.addi %add3A_294, %add3A_289 : i32
    %add3A_296 = arith.constant 9830400 : i32
    %add3A_297 = arith.addi %add3A_296, %add3A_289 : i32
    %add3A_298 = arith.constant 13107200 : i32
    %add3A_299 = arith.addi %add3A_298, %add3A_289 : i32
    %add3A_300 = arith.constant 16384000 : i32
    %add3A_301 = arith.addi %add3A_300, %add3A_289 : i32
    %add3A_302 = arith.constant 19660800 : i32
    %add3A_303 = arith.addi %add3A_302, %add3A_289 : i32
    %add3A_304 = arith.constant 22937600 : i32
    %add3A_305 = arith.addi %add3A_304, %add3A_289 : i32
    %add3A_306 = arith.constant 26214400 : i32
    %add3A_307 = arith.addi %add3A_306, %add3A_289 : i32
    %add3A_308 = arith.constant 29491200 : i32
    %add3A_309 = arith.addi %add3A_308, %add3A_289 : i32
    %dma_wait3A_310 = arith.constant 0 : i32
    %dma_wait3A_311 = tpu.memref_slice %arg9[%dma_wait3A_310] : memref<51200xf32, #tpu.memory_space<vmem>> -> memref<5120xf32, #tpu.memory_space<vmem>>
    %dma_wait3A_312 = tpu.memref_slice %arg4[%add3A_291] : memref<32768000xf32, #tpu.memory_space<hbm>> -> memref<5120xf32, #tpu.memory_space<hbm>>
    %dma_wait3A_313 = tpu.memref_slice %arg4[%add3A_291] : memref<32768000xf32, #tpu.memory_space<hbm>> -> memref<5120xf32, #tpu.memory_space<hbm>>
    %dma_wait3A_314 = arith.constant 0 : i32
    %dma_wait3A_315 = tpu.memref_slice %arg9[%dma_wait3A_314] : memref<51200xf32, #tpu.memory_space<vmem>> -> memref<5120xf32, #tpu.memory_space<vmem>>
    tpu.wait_dma2 semaphore(%arg13 : memref<!tpu.dma_semaphore, #tpu.memory_space<semaphore_mem>>) src(%dma_wait3A_315 : memref<5120xf32, #tpu.memory_space<vmem>>) dst(%dma_wait3A_313 : memref<5120xf32, #tpu.memory_space<hbm>>)
    %dma_wait3A_316 = arith.constant 5120 : i32
    %dma_wait3A_317 = tpu.memref_slice %arg9[%dma_wait3A_316] : memref<51200xf32, #tpu.memory_space<vmem>> -> memref<5120xf32, #tpu.memory_space<vmem>>
    %dma_wait3A_318 = tpu.memref_slice %arg4[%add3A_293] : memref<32768000xf32, #tpu.memory_space<hbm>> -> memref<5120xf32, #tpu.memory_space<hbm>>
    %dma_wait3A_319 = tpu.memref_slice %arg4[%add3A_293] : memref<32768000xf32, #tpu.memory_space<hbm>> -> memref<5120xf32, #tpu.memory_space<hbm>>
    %dma_wait3A_320 = arith.constant 5120 : i32
    %dma_wait3A_321 = tpu.memref_slice %arg9[%dma_wait3A_320] : memref<51200xf32, #tpu.memory_space<vmem>> -> memref<5120xf32, #tpu.memory_space<vmem>>
    tpu.wait_dma2 semaphore(%arg13 : memref<!tpu.dma_semaphore, #tpu.memory_space<semaphore_mem>>) src(%dma_wait3A_321 : memref<5120xf32, #tpu.memory_space<vmem>>) dst(%dma_wait3A_319 : memref<5120xf32, #tpu.memory_space<hbm>>)
    %dma_wait3A_322 = arith.constant 10240 : i32
    %dma_wait3A_323 = tpu.memref_slice %arg9[%dma_wait3A_322] : memref<51200xf32, #tpu.memory_space<vmem>> -> memref<5120xf32, #tpu.memory_space<vmem>>
    %dma_wait3A_324 = tpu.memref_slice %arg4[%add3A_295] : memref<32768000xf32, #tpu.memory_space<hbm>> -> memref<5120xf32, #tpu.memory_space<hbm>>
    %dma_wait3A_325 = tpu.memref_slice %arg4[%add3A_295] : memref<32768000xf32, #tpu.memory_space<hbm>> -> memref<5120xf32, #tpu.memory_space<hbm>>
    %dma_wait3A_326 = arith.constant 10240 : i32
    %dma_wait3A_327 = tpu.memref_slice %arg9[%dma_wait3A_326] : memref<51200xf32, #tpu.memory_space<vmem>> -> memref<5120xf32, #tpu.memory_space<vmem>>
    tpu.wait_dma2 semaphore(%arg13 : memref<!tpu.dma_semaphore, #tpu.memory_space<semaphore_mem>>) src(%dma_wait3A_327 : memref<5120xf32, #tpu.memory_space<vmem>>) dst(%dma_wait3A_325 : memref<5120xf32, #tpu.memory_space<hbm>>)
    %dma_wait3A_328 = arith.constant 15360 : i32
    %dma_wait3A_329 = tpu.memref_slice %arg9[%dma_wait3A_328] : memref<51200xf32, #tpu.memory_space<vmem>> -> memref<5120xf32, #tpu.memory_space<vmem>>
    %dma_wait3A_330 = tpu.memref_slice %arg4[%add3A_297] : memref<32768000xf32, #tpu.memory_space<hbm>> -> memref<5120xf32, #tpu.memory_space<hbm>>
    %dma_wait3A_331 = tpu.memref_slice %arg4[%add3A_297] : memref<32768000xf32, #tpu.memory_space<hbm>> -> memref<5120xf32, #tpu.memory_space<hbm>>
    %dma_wait3A_332 = arith.constant 15360 : i32
    %dma_wait3A_333 = tpu.memref_slice %arg9[%dma_wait3A_332] : memref<51200xf32, #tpu.memory_space<vmem>> -> memref<5120xf32, #tpu.memory_space<vmem>>
    tpu.wait_dma2 semaphore(%arg13 : memref<!tpu.dma_semaphore, #tpu.memory_space<semaphore_mem>>) src(%dma_wait3A_333 : memref<5120xf32, #tpu.memory_space<vmem>>) dst(%dma_wait3A_331 : memref<5120xf32, #tpu.memory_space<hbm>>)
    %dma_wait3A_334 = arith.constant 20480 : i32
    %dma_wait3A_335 = tpu.memref_slice %arg9[%dma_wait3A_334] : memref<51200xf32, #tpu.memory_space<vmem>> -> memref<5120xf32, #tpu.memory_space<vmem>>
    %dma_wait3A_336 = tpu.memref_slice %arg4[%add3A_299] : memref<32768000xf32, #tpu.memory_space<hbm>> -> memref<5120xf32, #tpu.memory_space<hbm>>
    %dma_wait3A_337 = tpu.memref_slice %arg4[%add3A_299] : memref<32768000xf32, #tpu.memory_space<hbm>> -> memref<5120xf32, #tpu.memory_space<hbm>>
    %dma_wait3A_338 = arith.constant 20480 : i32
    %dma_wait3A_339 = tpu.memref_slice %arg9[%dma_wait3A_338] : memref<51200xf32, #tpu.memory_space<vmem>> -> memref<5120xf32, #tpu.memory_space<vmem>>
    tpu.wait_dma2 semaphore(%arg13 : memref<!tpu.dma_semaphore, #tpu.memory_space<semaphore_mem>>) src(%dma_wait3A_339 : memref<5120xf32, #tpu.memory_space<vmem>>) dst(%dma_wait3A_337 : memref<5120xf32, #tpu.memory_space<hbm>>)
    %dma_wait3A_340 = arith.constant 25600 : i32
    %dma_wait3A_341 = tpu.memref_slice %arg9[%dma_wait3A_340] : memref<51200xf32, #tpu.memory_space<vmem>> -> memref<5120xf32, #tpu.memory_space<vmem>>
    %dma_wait3A_342 = tpu.memref_slice %arg4[%add3A_301] : memref<32768000xf32, #tpu.memory_space<hbm>> -> memref<5120xf32, #tpu.memory_space<hbm>>
    %dma_wait3A_343 = tpu.memref_slice %arg4[%add3A_301] : memref<32768000xf32, #tpu.memory_space<hbm>> -> memref<5120xf32, #tpu.memory_space<hbm>>
    %dma_wait3A_344 = arith.constant 25600 : i32
    %dma_wait3A_345 = tpu.memref_slice %arg9[%dma_wait3A_344] : memref<51200xf32, #tpu.memory_space<vmem>> -> memref<5120xf32, #tpu.memory_space<vmem>>
    tpu.wait_dma2 semaphore(%arg13 : memref<!tpu.dma_semaphore, #tpu.memory_space<semaphore_mem>>) src(%dma_wait3A_345 : memref<5120xf32, #tpu.memory_space<vmem>>) dst(%dma_wait3A_343 : memref<5120xf32, #tpu.memory_space<hbm>>)
    %dma_wait3A_346 = arith.constant 30720 : i32
    %dma_wait3A_347 = tpu.memref_slice %arg9[%dma_wait3A_346] : memref<51200xf32, #tpu.memory_space<vmem>> -> memref<5120xf32, #tpu.memory_space<vmem>>
    %dma_wait3A_348 = tpu.memref_slice %arg4[%add3A_303] : memref<32768000xf32, #tpu.memory_space<hbm>> -> memref<5120xf32, #tpu.memory_space<hbm>>
    %dma_wait3A_349 = tpu.memref_slice %arg4[%add3A_303] : memref<32768000xf32, #tpu.memory_space<hbm>> -> memref<5120xf32, #tpu.memory_space<hbm>>
    %dma_wait3A_350 = arith.constant 30720 : i32
    %dma_wait3A_351 = tpu.memref_slice %arg9[%dma_wait3A_350] : memref<51200xf32, #tpu.memory_space<vmem>> -> memref<5120xf32, #tpu.memory_space<vmem>>
    tpu.wait_dma2 semaphore(%arg13 : memref<!tpu.dma_semaphore, #tpu.memory_space<semaphore_mem>>) src(%dma_wait3A_351 : memref<5120xf32, #tpu.memory_space<vmem>>) dst(%dma_wait3A_349 : memref<5120xf32, #tpu.memory_space<hbm>>)
    %dma_wait3A_352 = arith.constant 35840 : i32
    %dma_wait3A_353 = tpu.memref_slice %arg9[%dma_wait3A_352] : memref<51200xf32, #tpu.memory_space<vmem>> -> memref<5120xf32, #tpu.memory_space<vmem>>
    %dma_wait3A_354 = tpu.memref_slice %arg4[%add3A_305] : memref<32768000xf32, #tpu.memory_space<hbm>> -> memref<5120xf32, #tpu.memory_space<hbm>>
    %dma_wait3A_355 = tpu.memref_slice %arg4[%add3A_305] : memref<32768000xf32, #tpu.memory_space<hbm>> -> memref<5120xf32, #tpu.memory_space<hbm>>
    %dma_wait3A_356 = arith.constant 35840 : i32
    %dma_wait3A_357 = tpu.memref_slice %arg9[%dma_wait3A_356] : memref<51200xf32, #tpu.memory_space<vmem>> -> memref<5120xf32, #tpu.memory_space<vmem>>
    tpu.wait_dma2 semaphore(%arg13 : memref<!tpu.dma_semaphore, #tpu.memory_space<semaphore_mem>>) src(%dma_wait3A_357 : memref<5120xf32, #tpu.memory_space<vmem>>) dst(%dma_wait3A_355 : memref<5120xf32, #tpu.memory_space<hbm>>)
    %dma_wait3A_358 = arith.constant 40960 : i32
    %dma_wait3A_359 = tpu.memref_slice %arg9[%dma_wait3A_358] : memref<51200xf32, #tpu.memory_space<vmem>> -> memref<5120xf32, #tpu.memory_space<vmem>>
    %dma_wait3A_360 = tpu.memref_slice %arg4[%add3A_307] : memref<32768000xf32, #tpu.memory_space<hbm>> -> memref<5120xf32, #tpu.memory_space<hbm>>
    %dma_wait3A_361 = tpu.memref_slice %arg4[%add3A_307] : memref<32768000xf32, #tpu.memory_space<hbm>> -> memref<5120xf32, #tpu.memory_space<hbm>>
    %dma_wait3A_362 = arith.constant 40960 : i32
    %dma_wait3A_363 = tpu.memref_slice %arg9[%dma_wait3A_362] : memref<51200xf32, #tpu.memory_space<vmem>> -> memref<5120xf32, #tpu.memory_space<vmem>>
    tpu.wait_dma2 semaphore(%arg13 : memref<!tpu.dma_semaphore, #tpu.memory_space<semaphore_mem>>) src(%dma_wait3A_363 : memref<5120xf32, #tpu.memory_space<vmem>>) dst(%dma_wait3A_361 : memref<5120xf32, #tpu.memory_space<hbm>>)
    %dma_wait3A_364 = arith.constant 46080 : i32
    %dma_wait3A_365 = tpu.memref_slice %arg9[%dma_wait3A_364] : memref<51200xf32, #tpu.memory_space<vmem>> -> memref<5120xf32, #tpu.memory_space<vmem>>
    %dma_wait3A_366 = tpu.memref_slice %arg4[%add3A_309] : memref<32768000xf32, #tpu.memory_space<hbm>> -> memref<5120xf32, #tpu.memory_space<hbm>>
    %dma_wait3A_367 = tpu.memref_slice %arg4[%add3A_309] : memref<32768000xf32, #tpu.memory_space<hbm>> -> memref<5120xf32, #tpu.memory_space<hbm>>
    %dma_wait3A_368 = arith.constant 46080 : i32
    %dma_wait3A_369 = tpu.memref_slice %arg9[%dma_wait3A_368] : memref<51200xf32, #tpu.memory_space<vmem>> -> memref<5120xf32, #tpu.memory_space<vmem>>
    tpu.wait_dma2 semaphore(%arg13 : memref<!tpu.dma_semaphore, #tpu.memory_space<semaphore_mem>>) src(%dma_wait3A_369 : memref<5120xf32, #tpu.memory_space<vmem>>) dst(%dma_wait3A_367 : memref<5120xf32, #tpu.memory_space<hbm>>)
    return
  }
}

</mosaic_0001>

<sc_bundles>
// kernel: kernel.3.cloned.1.call-start
scs
__scs_entry_jumppad:
0x0: {  	(pc) =	sbr.rel $0x88, $3  }
0x1: {  	(tag) =	ssettag $0x0;
	lr =	simm.s32 $0x1  }
0x2: {  	[smem:$0x3F9F] =	sst lr;
	_ =	strace $0xD0000000  }
0x3: {  	_ = 	snop  }
0x4: {  	_ = 	snop  }
0x5: {  	_ = 	snop  }
0x6: {  	_ = 	snop  }
0x7: {  	_ = 	snop  }
__scs_overlays_trampoline_lowered:
0x8: {  	[smem:$0x3FAE] =	sst s0  }
0x9: {  	[smem:$0x3FAF] =	sst s1  }
0xa: {  	[smem:$0x3FB0] =	sst s2  }
0xb: {  	[smem:$0x3FB1] =	sst s3  }
0xc: {  	[smem:$0x3FB2] =	sst s4  }
0xd: {  	[smem:$0x3FB3] =	sst s5  }
0xe: {  	[smem:$0x3FB4] =	sst s6  }
0xf: {  	[smem:$0x3FB5] =	sst s7  }
0x10: {  	[smem:$0x3FB6] =	sst s8  }
0x11: {  	[smem:$0x3FB7] =	sst s9;
	s0 =	simm.s32 @!p0 $0x0  }
0x12: {  	s1 =	sld [smem:$0x3F9D];
	s0 =	simm.s32 @p0 $0x1  }
0x13: {  	[smem:$0x3FB8] =	sst s0;
	s0 =	simm.s32 @!p1 $0x0  }
0x14: {  	s2 =	sld [smem:$0x3F9C];
	s0 =	simm.s32 @p1 $0x1  }
0x15: {  	[smem:$0x3FB9] =	sst s0;
	s0 =	simm.s32 @!p2 $0x0  }
0x16: {  	s3 =	sld [smem:$0x3FDB];
	s0 =	simm.s32 @p2 $0x1  }
0x17: {  	s4 =	simm.s32 $0x1BF5;
	[smem:$0x3FBB] =	sst s0  }
0x18: {  	s0 =	sld [smem:$0x3F9E];
	_ =	swait.ge [sflag:s4], $0x0  }
0x19: {  	s7 =	sld [smem:$0x3F9F]  }
0x1a: {  	s8 =	sadd.s32 $0xFFFFE003, lr  }
0x1b: {  	s9 =	sadd.s32 $0xFFFFFEF7, lr;
	s5 =	simm.s32 $0xFFFFFFFF;
	p2 =	slt.u32 s8, $0xFFFFF086  }
0x1c: {  	p1 =	slt.u32 s9, $0xF7A;
	s5 =	simm.s32 @!p2 $0x0  }
0x1d: {  	s5 =	simm.s32 @p1 $0x1;
	p0 =	seq.s32 s7, s2  }
0x1e: {  	s7 =	smul.u32 @!p0 $0xF7A, s2;
	p2 =	seq.s32 @!p0 s5, $0x0  }
0x1f: {  	s9 =	smul.u32 $0xF7A, s1;
	s8 =	simm.s32 @!p0 $0x1BF5;
	p2 =	por !p2, p0  }
0x20: {  	[sflag:s8] =	ssyncset.s32 @!p0 $0xFFFFF086;
	s6 =	sadd.s32 @!p0 s3, s7;
	s7 =	simm.s32 @!p0 $0x108  }
0x21: {  	s3 =	sadd.s32 s3, s9;
	s6 =	sadd.s32 @!p0 $0x88, s6;
	s7 =	simm.s32 @p2 $0x1082  }
0x22: {  	[simem:s7], [sflag:s8] =	dma.local @!p0 [hbm:s6], $0xF7A  }
0x23: {  	s9 =	sor.u32 $0xD0000000, s2;
	s6 =	simm.s32 $0x108;
	_ =	swait.ge @!p0 [sflag:s8], $0x0  }
0x24: {  	s3 =	sadd.s32 $0x88, s3;
	s6 =	simm.s32 @!p1 $0x1082;
	[sflag:s4] =	ssyncset.s32 $0xFFFFF086  }
0x25: {  	[simem:s6], [sflag:s4] =	dma.local [hbm:s3], $0xF7A  }
0x26: {  	[smem:$0x3F9F] =	sst s1;
	(tag) =	ssettag s2;
	_ =	strace s9  }
0x27: {  	s1 =	sld [smem:$0x3FAF]  }
0x28: {  	s2 =	sld [smem:$0x3FB0]  }
0x29: {  	s4 =	sld [smem:$0x3FB2]  }
0x2a: {  	p0 =	seq.s32 s5, $0x0;
	s5 =	sld [smem:$0x3FB3]  }
0x2b: {  	s6 =	sld [smem:$0x3FB4]  }
0x2c: {  	s7 =	sld [smem:$0x3FB5]  }
0x2d: {  	s3 =	simm.s32 $0x108;
	s8 =	sld [smem:$0x3FB6]  }
0x2e: {  	s3 =	simm.s32 @!p0 $0x1082;
	s9 =	sld [smem:$0x3FB7]  }
0x2f: {  	lr =	sadd.s32 s0, s3;
	s0 =	sld [smem:$0x3FAE]  }
0x30: {  	s3 =	sld [smem:$0x3FB1]  }
0x31: {  	[smem:$0x3FBA] =	sst s10  }
0x32: {  	s10 =	sld [smem:$0x3FB8];
	_ =	sdelay $0x3  }
0x33: {  	p0 =	seq.s32 s10, $0x1;
	s10 =	sld [smem:$0x3FBA];
	_ =	sdelay $0x3  }
0x34: {  	[smem:$0x3FBA] =	sst s10  }
0x35: {  	s10 =	sld [smem:$0x3FB9];
	_ =	sdelay $0x3  }
0x36: {  	p1 =	seq.s32 s10, $0x1;
	s10 =	sld [smem:$0x3FBA];
	_ =	sdelay $0x3  }
0x37: {  	[smem:$0x3FBA] =	sst s10  }
0x38: {  	s10 =	sld [smem:$0x3FBB]  }
0x39: {  	_ = 	snop;
	(pc) =	sbr.ind lr, $3  }
0x3a: {  	_ = 	snop  }
0x3b: {  	_ = 	snop  }
0x3c: {  	p2 =	seq.s32 s10, $0x1;
	s10 =	sld [smem:$0x3FBA]  }
0x3d: {  	_ =	shalt  }
0x3e: {  	_ =	shalt  }
0x3f: {  	_ =	shalt  }
0x40: {  	_ =	shalt  }
0x41: {  	_ =	shalt  }
0x42: {  	_ =	shalt  }
0x43: {  	_ =	shalt  }
0x44: {  	_ =	shalt  }
0x45: {  	_ =	shalt  }
0x46: {  	_ =	shalt  }
0x47: {  	_ =	shalt  }
0x48: {  	_ =	shalt  }
0x49: {  	_ =	shalt  }
0x4a: {  	_ =	shalt  }
0x4b: {  	_ =	shalt  }
0x4c: {  	_ =	shalt  }
0x4d: {  	_ =	shalt  }
0x4e: {  	_ =	shalt  }
0x4f: {  	_ =	shalt  }
0x50: {  	_ =	shalt  }
0x51: {  	_ =	shalt  }
0x52: {  	_ =	shalt  }
0x53: {  	_ =	shalt  }
0x54: {  	_ =	shalt  }
0x55: {  	_ =	shalt  }
0x56: {  	_ =	shalt  }
0x57: {  	_ =	shalt  }
0x58: {  	_ =	shalt  }
0x59: {  	_ =	shalt  }
0x5a: {  	_ =	shalt  }
0x5b: {  	_ =	shalt  }
0x5c: {  	_ =	shalt  }
0x5d: {  	_ =	shalt  }
0x5e: {  	_ =	shalt  }
0x5f: {  	_ =	shalt  }
0x60: {  	_ =	shalt  }
0x61: {  	_ =	shalt  }
0x62: {  	_ =	shalt  }
0x63: {  	_ =	shalt  }
0x64: {  	_ =	shalt  }
0x65: {  	_ =	shalt  }
0x66: {  	_ =	shalt  }
0x67: {  	_ =	shalt  }
0x68: {  	_ =	shalt  }
0x69: {  	_ =	shalt  }
0x6a: {  	_ =	shalt  }
0x6b: {  	_ =	shalt  }
0x6c: {  	_ =	shalt  }
0x6d: {  	_ =	shalt  }
0x6e: {  	_ =	shalt  }
0x6f: {  	_ =	shalt  }
0x70: {  	_ =	shalt  }
0x71: {  	_ =	shalt  }
0x72: {  	_ =	shalt  }
0x73: {  	_ =	shalt  }
0x74: {  	_ =	shalt  }
0x75: {  	_ =	shalt  }
0x76: {  	_ =	shalt  }
0x77: {  	_ =	shalt  }
0x78: {  	_ =	shalt  }
0x79: {  	_ =	shalt  }
0x7a: {  	_ =	shalt  }
0x7b: {  	_ =	shalt  }
0x7c: {  	_ =	shalt  }
0x7d: {  	_ =	shalt  }
0x7e: {  	_ =	shalt  }
0x7f: {  	_ =	shalt  }
0x80: {  	_ =	shalt  }
0x81: {  	_ =	shalt  }
0x82: {  	_ =	shalt  }
0x83: {  	_ =	shalt  }
0x84: {  	_ =	shalt  }
0x85: {  	_ =	shalt  }
0x86: {  	_ =	shalt  }
0x87: {  	_ =	shalt  }
.Lfunc_end0:
.L_simem_size_0:
called_computation_lowered:
.L_overlay_start_0:
0x88: {  	s2 =	sld [smem:$0x3FD9]  }
0x89: {  	s3 =	sld [smem:$0x3FFE];
	_ =	sdelay $0x1  }
0x8a: {  	s1 =	srdreg.scid  }
0x8b: {  	s0 =	sand.u32 $0x1, s1  }
0x8c: {  	s17 =	sshll.u32 s0, $0xA;
	s2 =	sadd.s32 s3, s2  }
0x8d: {  	s2 =	sadd.s32 s2, s17  }
0x8e: {  	[smem:$0x3FC6] =	sst s2  }
0x8f: {  	_ = 	snop  }
0x90: {  	s2 =	sld [smem:$0x3FC9]  }
0x91: {  	s18 =	sld [smem:$0x3FD0];
	(tm) =	ssettm $0x1  }
0x92: {  	s4 =	sld [smem:$0x3FFB];
	_ =	sdelay $0x3  }
0x93: {  	_ =	strace s4  }
0x94: {  	s4 =	sld [smem:$0x3FFC];
	_ =	sdelay $0x3  }
0x95: {  	_ =	strace s4  }
0x96: {  	s4 =	sld [smem:$0x3FFD];
	_ =	sdelay $0x3  }
0x97: {  	_ =	strace s4  }
0x98: {  	_ =	strace $0x8FFFFFFF  }
0x99: {  	s19 =	sld [smem:$0x3FDB];
	_ =	sdelay $0x1  }
0x9a: {  	s5 =	simm.s32 $_scs_section_size  }
0x9b: {  	s6 =	simm.s32 $_size__tile_overlayer_lowered;
	s7 =	simm.s32 $_tile_overlayer_lowered  }
0x9c: {  	s22 =	simm.s32 $0x1BFF;
	s21 =	sshll.u32 s7, $0x1;
	s4 =	sadd.s32 s5, s19  }
0x9d: {  	s8 =	simm.s32 $0x0;
	s20 =	sshll.u32 s6, $0x1;
	s6 =	sadd.s32 s21, s4  }
0x9e: {  	[timem:s8], [sflag:s22] =	dma.local [hbm:s6], s20  }
0x9f: {  	_ =	swait.ge [sflag:s22], s20  }
0xa0: {  	s5 =	ssub.s32 $0x0, s20;
	[sflag:s22] =	ssyncset.done $0x0  }
0xa1: {  	[sflag:s22] =	ssyncadd.s32 s5;
	_ =	sdelay $0x1  }
0xa2: {  	s23 =	simm.s32 $0x1B8B  }
0xa3: {  	_ =	swait.ge [sflag:s23], $0x1  }
0xa4: {  	[sflag:s23] =	ssyncset.done $0x0  }
0xa5: {  	s25 =	simm.s32 $0x1B8E;
	s24 =	sld [smem:$0x3FFE];
	[sflag:s23] =	ssyncadd.s32 $0xFFFFFFFF  }
0xa6: {  	s26 =	simm.s32 $execute0_lowered;
	[smem:$0x3FD2] =	sst s25  }
0xa7: {  	s6 =	sshll.u32 s26, $0x1;
	_ =	strace $0x80000046;
	[dreg:$0x1] =	wrdreg $0xFFFFFFFF  }
0xa8: {  	s28 =	simm.s32 $_size_execute0_lowered;
	s4 =	sadd.s32 s4, s6;
	[dreg:$0x0] =	wrdreg $0x0  }
0xa9: {  	s6 =	sshll.u32 s28, $0x1;
	[dreg:$0x2] =	wrdreg s4  }
0xaa: {  	[dreg:$0x3] =	wrdreg s6  }
0xab: {  	[dreg:$0x4] =	wrdreg $0xC0  }
0xac: {  	_ =	task [dreg:s8], $0x5FFFF  }
0xad: {  	[dreg:$0x1] =	wrdreg $0xFFFFFFFF  }
0xae: {  	[dreg:$0x0] =	wrdreg $0x60  }
0xaf: {  	[dreg:$0x2] =	wrdreg s2  }
0xb0: {  	[dreg:$0x3] =	wrdreg s24  }
0xb1: {  	[dreg:$0x4] =	wrdreg s18  }
0xb2: {  	[dreg:$0x5] =	wrdreg $0x9  }
0xb3: {  	_ =	task.clear_ibuf [dreg:s8], $0x6FFFF;
	_ =	strace $0x90000046  }
0xb4: {  	s29 =	simm.s32 $0x9;
	_ =	strace $0x80000048  }
0xb5: {  	_ =	swait.ge [sflag:s29], $0x1  }
0xb6: {  	[sflag:s29] =	ssyncadd.s32 $0xFFFFFFFF  }
0xb7: {  	_ =	strace $0x90000048  }
0xb8: {  	_ =	sfence  }
0xb9: {  	s30 =	sld [smem:$0x0];
	_ =	sdelay $0x2  }
0xba: {  	s31 =	sshll.u32 s1, $0xD;
	s1 =	sshrl.u32 s1, $0x2  }
0xbb: {  	s3 =	sand.u32 $0x4000, s31;
	s1 =	sadd.s32 s1, s30  }
0xbc: {  	s0 =	sor.u32 s3, s0;
	s1 =	sshll.u32 s1, $0x11  }
0xbd: {  	s0 =	sor.u32 s1, s0  }
0xbe: {  	s0 =	sadd.s32 $0x8F2B, s0  }
0xbf: {  	[sflag:s0] =	ssyncadd.remote.s32 $0x1  }
0xc0: {  	_ =	sfence.sel $0xFFFF  }
0xc1: {  	[dreg:$0x0] =	wrdreg $0xFFFFFFFF;
	(pc) =	sbr.abs _section_cstart, $3  }
0xc2: {  	[dreg:$0x1] =	wrdreg $0xFFFFFFFF  }
0xc3: {  	_ =	task.clear_ibuf [dreg:s8], $0x2FFFF;
	_ =	strace $0x9FFFFFFF  }
0xc4: {  	(tm) =	ssettm $0x7FFFFFFF  }
0xc5: {  	_ =	shalt  }
tec
execute0_lowered:
.L_overlay_start_1:
0x0: {  	(tag) =	ssettag $0x1  }
0x1: {  	s7 =	rddreg [dreg:$0x0]  }
0x2: {  	s2 =	srdreg.scid;
	s1 =	stileid.u32  }
0x3: {  	s0 =	rddreg [dreg:$0x1];
	s2 =	sand.u32 $0x1, s2;
	s5 =	sshll.u32 s1, $0x1  }
0x4: {  	s3 =	rddreg [dreg:$0x2];
	s4 =	simm.s32 $0x0;
	s5 =	sor.u32 s2, s5  }
0x5: {  	[smem:$0x7FF] =	sst s4;
	s2 =	ssub.s32 $0x2, s2;
	s5 =	smul.u32 $0x19000, s5  }
0x6: {  	s0 =	sadd.s32 $0x400, s0;
	_ =	strace $0x80000047;
	s6 =	sshrl.u32 s2, $0x1  }
0x7: {  	[dreg:$0x4] =	wrdreg s0;
	s0 =	ssub.s32 s2, s6;
	s18 =	sadd.s32 $0x5000, s5  }
0x8: {  	s25 =	sshrl.u32 s5, $0x3;
	s0 =	smax.u32 s0, $0x1;
	[dreg:$0x14] =	wrdreg s18  }
0x9: {  	s26 =	sadd.s32 s7, s25;
	[dreg:$0x1a] =	wrdreg s0  }
0xa: {  	s28 =	sadd.s32 $0x280, s25;
	s1 =	sadd.s32 s3, s25;
	[dreg:$0x5] =	wrdreg s26  }
0xb: {  	s29 =	sadd.s32 s7, s28;
	[dreg:$0x6] =	wrdreg s1  }
0xc: {  	s30 =	sadd.s32 $0x64000, s1;
	[dreg:$0x7] =	wrdreg s29  }
0xd: {  	s31 =	sadd.s32 $0xC8000, s1;
	[dreg:$0x8] =	wrdreg s30  }
0xe: {  	s8 =	sadd.s32 $0x12C000, s1;
	[dreg:$0x9] =	wrdreg s31  }
0xf: {  	s9 =	sadd.s32 $0x190000, s1;
	[dreg:$0xa] =	wrdreg s8  }
0x10: {  	s10 =	sadd.s32 $0x1F4000, s1;
	[dreg:$0xb] =	wrdreg s9  }
0x11: {  	s11 =	sadd.s32 $0x258000, s1;
	[dreg:$0xc] =	wrdreg s10  }
0x12: {  	s13 =	sadd.s32 $0x2800, s5;
	s12 =	sadd.s32 $0x2BC000, s1;
	[dreg:$0xd] =	wrdreg s11  }
0x13: {  	s2 =	sshrl.u32 s13, $0x3;
	s14 =	sadd.s32 $0x384000, s1;
	[dreg:$0xe] =	wrdreg s12  }
0x14: {  	s2 =	sadd.s32 s7, s2;
	[dreg:$0x10] =	wrdreg s14  }
0x15: {  	s15 =	sadd.s32 s3, s28;
	[dreg:$0x11] =	wrdreg s2  }
0x16: {  	s17 =	sadd.s32 $0x64280, s1;
	[dreg:$0x12] =	wrdreg s15  }
0x17: {  	s19 =	sadd.s32 $0xC8280, s1;
	[dreg:$0x13] =	wrdreg s17  }
0x18: {  	s16 =	smov.u32 s3;
	s20 =	sadd.s32 $0x12C280, s1;
	[dreg:$0x15] =	wrdreg s19  }
0x19: {  	s22 =	sadd.s32 $0x3C00, s5;
	s25 =	sadd.s32 $0x190280, s1;
	[dreg:$0x16] =	wrdreg s20  }
0x1a: {  	s24 =	sadd.s32 $0x6400, s5;
	s26 =	sadd.s32 $0x1F4280, s1;
	[dreg:$0x18] =	wrdreg s25  }
0x1b: {  	s23 =	smov.u32 s13;
	s28 =	sadd.s32 $0x258280, s1;
	[dreg:$0x19] =	wrdreg s26  }
0x1c: {  	s21 =	sshrl.u32 s22, $0x3;
	s8 =	sadd.s32 $0x320000, s1;
	[dreg:$0x1b] =	wrdreg s28  }
0x1d: {  	s13 =	simm.s32 $0x4;
	s2 =	sadd.s32 s7, s21;
	[dreg:$0xf] =	wrdreg s8  }
0x1e: {  	s3 =	smov.u32 s7;
	s29 =	sadd.s32 $0x2BC280, s1;
	[dreg:$0x17] =	wrdreg s2  }
0x1f: {  	s30 =	sadd.s32 $0x320280, s1;
	s31 =	sadd.s32 $0x384280, s1;
	[dreg:$0x1c] =	wrdreg s29  }
0x20: {  	s11 =	simm.s32 $0x1;
	s26 =	simm.s32 $0x2;
	[dreg:$0x1d] =	wrdreg s30  }
0x21: {  	s12 =	simm.s32 $0x3;
	s1 =	simm.s32 $0x0;
	[dreg:$0x1e] =	wrdreg s31  }
.LBB2_1:
0x22: {  	[dreg:$0x1f] =	wrdreg s1  }
0x23: {  	s0 =	rddreg [dreg:$0x4];
	s25 =	simm.s32 $0x5  }
0x24: {  	[tilespmem:s4], [sflag:$0x5] =	stream.linear.gather [hbm4b:s0+s4], $0x2780, $0x38;
	[tilespmem:$0x1DF80] =	vst v63  }
0x25: {  	_ =	swait.ge [sflag:s25], $0x2780  }
0x26: {  	[sflag:s25] =	ssyncset.done $0x0  }
0x27: {  	s29 =	simm.s32 $0x2780;
	s28 =	rddreg [dreg:$0x5];
	[sflag:s25] =	ssyncadd.s32 $0xFFFFD880  }
0x28: {  	[tilespmem:s29], [sflag:$0x1] =	stream.linear.gather [hbm4b:s28+s4], $0x1400, $0x38;
	[tilespmem:$0x1DF80] =	vst v63  }
0x29: {  	s31 =	simm.s32 $0x3B80;
	s30 =	rddreg [dreg:$0x7]  }
0x2a: {  	[tilespmem:s31], [sflag:$0x2] =	stream.linear.gather [hbm4b:s30+s4], $0x1400, $0x38;
	[tilespmem:$0x1DF80] =	vst v63  }
0x2b: {  	_ =	swait.ge [sflag:s11], $0x1400  }
0x2c: {  	[sflag:s11] =	ssyncset.done $0x0  }
0x2d: {  	s14 =	simm.s32 $0x0;
	[sflag:s11] =	ssyncadd.s32 $0xFFFFEC00  }
0x2e: {  	v4 =	vld [tilespmem:s14+$0x27B0];
	_ =	sdelay $0x1  }
0x2f: {  	v3 =	vld [tilespmem:s14+$0x2780];
	_ =	sdelay $0x1  }
0x30: {  	v2 =	vld [tilespmem:s14+$0x2790]  }
0x31: {  	v1 =	vld [tilespmem:s14+$0x27A0];
	_ =	sdelay $0x2  }
0x32: {  	v0 =	vld.idx.msk [tilespmem:v4+s4+$0x0], $0xffff  }
0x33: {  	v5 =	vadd.s32 $0x3E8, v4  }
0x34: {  	v6 =	vld.idx.msk [tilespmem:v3+s4+$0x0], $0xffff  }
0x35: {  	v7 =	vadd.s32 $0x3E8, v3  }
0x36: {  	v8 =	vld.idx.msk [tilespmem:v2+s4+$0x0], $0xffff  }
0x37: {  	v9 =	vadd.s32 $0x3E8, v2;
	v10 =	vld.idx.msk [tilespmem:v1+s4+$0x0], $0xffff;
	[tilespmem:s14+$0x4FB0] =	vst v0  }
0x38: {  	v0 =	vadd.s32 $0x3E8, v1;
	v5 =	vld.idx.msk [tilespmem:v5+s4+$0x0], $0xffff  }
0x39: {  	v11 =	vadd.s32 $0x7D0, v4;
	[tilespmem:s14+$0x4F80] =	vst v6  }
0x3a: {  	v6 =	vld.idx.msk [tilespmem:v7+s4+$0x0], $0xffff  }
0x3b: {  	[tilespmem:s14+$0x4F90] =	vst v8;
	v7 =	vadd.s32 $0x7D0, v3  }
0x3c: {  	[tilespmem:s14+$0x4FA0] =	vst v10;
	v8 =	vld.idx.msk [tilespmem:v9+s4+$0x0], $0xffff  }
0x3d: {  	v9 =	vadd.s32 $0x7D0, v2;
	v0 =	vld.idx.msk [tilespmem:v0+s4+$0x0], $0xffff;
	[tilespmem:s14+$0x63B0] =	vst v5  }
0x3e: {  	s15 =	sand.u32 $0x1FC0, s4;
	v5 =	vadd.s32 $0x7D0, v1;
	v10 =	vld.idx.msk [tilespmem:v11+s4+$0x0], $0xffff  }
0x3f: {  	[tilespmem:s15+$0x6380] =	vst v6;
	v11 =	vadd.s32 $0xBB8, v4  }
0x40: {  	v6 =	vld.idx.msk [tilespmem:v7+s4+$0x0], $0xffff  }
0x41: {  	[tilespmem:s14+$0x6390] =	vst v8;
	v7 =	vadd.s32 $0xBB8, v3  }
0x42: {  	v8 =	vld.idx.msk [tilespmem:v9+s4+$0x0], $0xffff;
	[tilespmem:s14+$0x63A0] =	vst v0  }
0x43: {  	v0 =	vadd.s32 $0xBB8, v2;
	v5 =	vld.idx.msk [tilespmem:v5+s4+$0x0], $0xffff;
	[tilespmem:s14+$0x77B0] =	vst v10  }
0x44: {  	v9 =	vadd.s32 $0xBB8, v1;
	v10 =	vld.idx.msk [tilespmem:v11+s4+$0x0], $0xffff  }
0x45: {  	[tilespmem:s15+$0x7780] =	vst v6;
	v11 =	vadd.s32 $0xFA0, v4  }
0x46: {  	s17 =	simm.s32 $0x40;
	v6 =	vld.idx.msk [tilespmem:v7+s4+$0x0], $0xffff  }
0x47: {  	v16 =	vld [tilespmem:s17+$0x2780];
	[tilespmem:s14+$0x7790] =	vst v8;
	v7 =	vadd.s32 $0xFA0, v3  }
0x48: {  	v0 =	vld.idx.msk [tilespmem:v0+s4+$0x0], $0xffff;
	[tilespmem:s14+$0x77A0] =	vst v5  }
0x49: {  	v5 =	vadd.s32 $0xFA0, v2;
	v8 =	vld.idx.msk [tilespmem:v9+s4+$0x0], $0xffff;
	[tilespmem:s14+$0x8BB0] =	vst v10  }
0x4a: {  	v10 =	vld.idx.msk [tilespmem:v11+s4+$0x0], $0xffff  }
0x4b: {  	v18 =	vld [tilespmem:s17+$0x2790];
	v9 =	vadd.s32 $0xFA0, v1;
	[tilespmem:s15+$0x8B80] =	vst v6  }
0x4c: {  	v11 =	vadd.s32 $0x1388, v4;
	v6 =	vld.idx.msk [tilespmem:v7+s4+$0x0], $0xffff  }
0x4d: {  	[tilespmem:s14+$0x8B90] =	vst v0;
	v0 =	vld [tilespmem:s17+$0x27B0]  }
0x4e: {  	v5 =	vld.idx.msk [tilespmem:v5+s4+$0x0], $0xffff;
	[tilespmem:s14+$0x8BA0] =	vst v8;
	v8 =	vadd.s32 $0x1388, v3  }
0x4f: {  	v22 =	vld [tilespmem:s17+$0x27A0];
	[tilespmem:s14+$0x9FB0] =	vst v10;
	v10 =	vadd.s32 $0x1388, v2  }
0x50: {  	v7 =	vld.idx.msk [tilespmem:v9+s4+$0x0], $0xffff  }
0x51: {  	v12 =	vadd.s32 $0x1388, v1;
	v9 =	vld.idx.msk [tilespmem:v11+s4+$0x0], $0xffff  }
0x52: {  	v13 =	vld.idx.msk [tilespmem:v16+s4+$0x0], $0xffff;
	[tilespmem:s15+$0x9F80] =	vst v6  }
0x53: {  	v11 =	vadd.s32 $0x1770, v4;
	[tilespmem:s14+$0x9F90] =	vst v5;
	v5 =	vld.idx.msk [tilespmem:v8+s4+$0x0], $0xffff  }
0x54: {  	v6 =	vld.idx.msk [tilespmem:v10+s4+$0x0], $0xffff  }
0x55: {  	v8 =	vadd.s32 $0x1770, v3;
	[tilespmem:s14+$0x9FA0] =	vst v7;
	v10 =	vld.idx.msk [tilespmem:v0+s4+$0x0], $0xffff  }
0x56: {  	[tilespmem:s14+$0xB3B0] =	vst v9;
	v9 =	vld.idx.msk [tilespmem:v12+s4+$0x0], $0xffff;
	v12 =	vadd.s32 $0x1770, v2  }
0x57: {  	v14 =	vld.idx.msk [tilespmem:v18+s4+$0x0], $0xffff;
	v15 =	vadd.s32 $0x3E8, v0  }
0x58: {  	[tilespmem:s17+$0x4F80] =	vst v13;
	v7 =	vld.idx.msk [tilespmem:v11+s4+$0x0], $0xffff  }
0x59: {  	v17 =	vld.idx.msk [tilespmem:v22+s4+$0x0], $0xffff;
	v11 =	vadd.s32 $0x1B58, v4;
	[tilespmem:s15+$0xB380] =	vst v5  }
0x5a: {  	v5 =	vadd.s32 $0x3E8, v16;
	v8 =	vld.idx.msk [tilespmem:v8+s4+$0x0], $0xffff;
	[tilespmem:s14+$0xB390] =	vst v6  }
0x5b: {  	v6 =	vadd.s32 $0x3E8, v18;
	[tilespmem:s17+$0x4FB0] =	vst v10;
	v10 =	vld.idx.msk [tilespmem:v12+s4+$0x0], $0xffff  }
0x5c: {  	[tilespmem:s17+$0x4F90] =	vst v14;
	v12 =	vld.idx.msk [tilespmem:v15+s4+$0x0], $0xffff;
	v15 =	vadd.s32 $0x1B58, v3  }
0x5d: {  	[tilespmem:s14+$0xC7B0] =	vst v7;
	v7 =	vadd.s32 $0x3E8, v22  }
0x5e: {  	[tilespmem:s14+$0xB3A0] =	vst v9;
	v9 =	vld.idx.msk [tilespmem:v11+s4+$0x0], $0xffff;
	v11 =	vadd.s32 $0x1770, v1  }
0x5f: {  	[tilespmem:s17+$0x4FA0] =	vst v17;
	v14 =	vadd.s32 $0x7D0, v0;
	v5 =	vld.idx.msk [tilespmem:v5+s4+$0x0], $0xffff  }
0x60: {  	v13 =	vadd.s32 $0x1F40, v4;
	[tilespmem:s15+$0xC780] =	vst v8;
	v6 =	vld.idx.msk [tilespmem:v6+s4+$0x0], $0xffff  }
0x61: {  	[tilespmem:s17+$0x63B0] =	vst v12;
	v12 =	vld.idx.msk [tilespmem:v15+s4+$0x0], $0xffff  }
0x62: {  	s18 =	simm.s32 $0x40;
	v17 =	vadd.s32 $0x7D0, v16;
	v7 =	vld.idx.msk [tilespmem:v7+s4+$0x0], $0xffff  }
0x63: {  	s0 =	sand.u32 $0x1FC0, s18;
	v8 =	vadd.s32 $0x7D0, v18;
	v11 =	vld.idx.msk [tilespmem:v11+s4+$0x0], $0xffff;
	[tilespmem:s14+$0xDBB0] =	vst v9  }
0x64: {  	v9 =	vadd.s32 $0x7D0, v22;
	[tilespmem:s0+$0x6380] =	vst v5;
	v5 =	vld.idx.msk [tilespmem:v14+s4+$0x0], $0xffff  }
0x65: {  	[tilespmem:s14+$0xC790] =	vst v10;
	v10 =	vld.idx.msk [tilespmem:v13+s4+$0x0], $0xffff;
	v13 =	vadd.s32 $0x1B58, v2  }
0x66: {  	v14 =	vadd.s32 $0x1B58, v1;
	[tilespmem:s17+$0x6390] =	vst v6  }
0x67: {  	v4 =	vadd.s32 $0x2328, v4;
	v15 =	vld.idx.msk [tilespmem:v17+s4+$0x0], $0xffff;
	[tilespmem:s15+$0xDB80] =	vst v12  }
0x68: {  	v6 =	vld.idx.msk [tilespmem:v8+s4+$0x0], $0xffff;
	v8 =	vadd.s32 $0xBB8, v16;
	[tilespmem:s17+$0x63A0] =	vst v7  }
0x69: {  	v7 =	vadd.s32 $0xBB8, v0;
	v9 =	vld.idx.msk [tilespmem:v9+s4+$0x0], $0xffff;
	[tilespmem:s14+$0xC7A0] =	vst v11  }
0x6a: {  	v11 =	vadd.s32 $0xBB8, v18;
	[tilespmem:s17+$0x77B0] =	vst v5;
	v13 =	vld.idx.msk [tilespmem:v13+s4+$0x0], $0xffff  }
0x6b: {  	[tilespmem:s14+$0xEFB0] =	vst v10;
	v5 =	vld.idx.msk [tilespmem:v14+s4+$0x0], $0xffff;
	v14 =	vadd.s32 $0x1F40, v2  }
0x6c: {  	v12 =	vadd.s32 $0x1F40, v3;
	[tilespmem:s0+$0x7780] =	vst v15;
	v4 =	vld.idx.msk [tilespmem:v4+s4+$0x0], $0xffff  }
0x6d: {  	v10 =	vadd.s32 $0xBB8, v22;
	v8 =	vld.idx.msk [tilespmem:v8+s4+$0x0], $0xffff;
	[tilespmem:s17+$0x7790] =	vst v6  }
0x6e: {  	v15 =	vadd.s32 $0x1F40, v1;
	v7 =	vld.idx.msk [tilespmem:v7+s4+$0x0], $0xffff;
	[tilespmem:s17+$0x77A0] =	vst v9  }
0x6f: {  	v6 =	vld.idx.msk [tilespmem:v11+s4+$0x0], $0xffff;
	v9 =	vadd.s32 $0xFA0, v0;
	[tilespmem:s14+$0xDB90] =	vst v13  }
0x70: {  	v11 =	vadd.s32 $0xFA0, v16;
	v24 =	vld.idx.msk [tilespmem:v14+s4+$0x0], $0xffff  }
0x71: {  	v2 =	vadd.s32 $0x2328, v2;
	v23 =	vld.idx.msk [tilespmem:v12+s4+$0x0], $0xffff;
	[tilespmem:s14+$0xDBA0] =	vst v5  }
0x72: {  	v25 =	vadd.s32 $0x2328, v3;
	v28 =	vadd.s32 $0x2328, v1;
	v17 =	vadd.s32 $0xFA0, v18;
	v10 =	vld.idx.msk [tilespmem:v10+s4+$0x0], $0xffff;
	[tilespmem:s14+$0x103B0] =	vst v4  }
0x73: {  	v3 =	vadd.s32 $0x1F40, v16;
	v1 =	vadd.s32 $0x2328, v16;
	v4 =	vadd.s32 $0xFA0, v22;
	v26 =	vld.idx.msk [tilespmem:v15+s4+$0x0], $0xffff;
	[tilespmem:s17+$0x8BB0] =	vst v7  }
0x74: {  	v12 =	vadd.s32 $0x1770, v22;
	v13 =	vadd.s32 $0x1388, v22;
	v5 =	vadd.s32 $0x1B58, v16;
	[tilespmem:s0+$0x8B80] =	vst v8;
	v27 =	vld.idx.msk [tilespmem:v9+s4+$0x0], $0xffff  }
0x75: {  	v14 =	vadd.s32 $0x1388, v16;
	v8 =	vadd.s32 $0x1B58, v22;
	v19 =	vld.idx.msk [tilespmem:v11+s4+$0x0], $0xffff;
	v9 =	vadd.s32 $0x1770, v16;
	[tilespmem:s14+$0xEF90] =	vst v24  }
0x76: {  	[tilespmem:s17+$0x8B90] =	vst v6;
	v6 =	vadd.s32 $0x1F40, v22;
	v16 =	vld.idx.msk [tilespmem:v2+s4+$0x0], $0xffff;
	v2 =	vadd.s32 $0x2328, v22;
	v22 =	vadd.s32 $0x1388, v0  }
0x77: {  	v20 =	vld.idx.msk [tilespmem:v17+s4+$0x0], $0xffff;
	[tilespmem:s17+$0x8BA0] =	vst v10  }
0x78: {  	[tilespmem:s15+$0xEF80] =	vst v23;
	v21 =	vld.idx.msk [tilespmem:v4+s4+$0x0], $0xffff  }
0x79: {  	v15 =	vadd.s32 $0x1388, v18;
	v7 =	vadd.s32 $0x1F40, v18;
	v17 =	vld.idx.msk [tilespmem:v25+s4+$0x0], $0xffff;
	[tilespmem:s14+$0xEFA0] =	vst v26  }
0x7a: {  	s2 =	simm.s32 $0x4;
	s5 =	simm.s32 $0x200;
	v11 =	vadd.s32 $0x1770, v18;
	v10 =	vadd.s32 $0x1B58, v18;
	v4 =	vadd.s32 $0x2328, v18;
	v18 =	vld.idx.msk [tilespmem:v28+s4+$0x0], $0xffff;
	[tilespmem:s17+$0x9FB0] =	vst v27  }
.LBB2_2:
0x7b: {  	s6 =	sshra.s32 s5, $0x2;
	s2 =	sadd.s32 $0x4, s2;
	[tilespmem:s0+$0x9F80] =	vst v19;
	v19 =	vld.idx.msk [tilespmem:v22+s4+$0x0], $0xffff  }
0x7c: {  	v22 =	vld [tilespmem:s6+$0x27B0];
	p0 =	slt.u32 s2, $0x13C;
	[tilespmem:s17+$0x9F90] =	vst v20  }
0x7d: {  	v20 =	vld [tilespmem:s6+$0x2780];
	[tilespmem:s17+$0x9FA0] =	vst v21;
	v21 =	vadd.s32 $0x1770, v0  }
0x7e: {  	v23 =	vld [tilespmem:s6+$0x2790];
	[tilespmem:s15+$0x10380] =	vst v17;
	s15 =	smov.u32 s0  }
0x7f: {  	v17 =	vld [tilespmem:s6+$0x27A0];
	[tilespmem:s14+$0x10390] =	vst v16  }
0x80: {  	v16 =	vld.idx.msk [tilespmem:v14+s4+$0x0], $0xffff;
	[tilespmem:s14+$0x103A0] =	vst v18;
	s14 =	smov.u32 s17;
	s17 =	smov.u32 s6  }
0x81: {  	v18 =	vld.idx.msk [tilespmem:v15+s4+$0x0], $0xffff;
	[tilespmem:s14+$0xB3B0] =	vst v19  }
0x82: {  	v19 =	vadd.s32 $0x3E8, v20;
	v24 =	vadd.s32 $0x7D0, v20;
	v25 =	vadd.s32 $0xBB8, v20;
	v21 =	vld.idx.msk [tilespmem:v21+s4+$0x0], $0xffff  }
0x83: {  	v26 =	vadd.s32 $0x3E8, v23;
	v27 =	vadd.s32 $0x7D0, v23;
	v28 =	vadd.s32 $0xBB8, v23;
	v29 =	vld.idx.msk [tilespmem:v13+s4+$0x0], $0xffff  }
0x84: {  	v33 =	vadd.s32 $0x1B58, v0;
	v30 =	vadd.s32 $0x3E8, v17;
	v31 =	vadd.s32 $0x7D0, v17;
	v32 =	vld.idx.msk [tilespmem:v22+s4+$0x0], $0xffff  }
0x85: {  	v35 =	vadd.s32 $0xFA0, v20;
	v36 =	vadd.s32 $0xFA0, v23;
	v37 =	vadd.s32 $0xBB8, v17;
	v34 =	vld.idx.msk [tilespmem:v20+s4+$0x0], $0xffff  }
0x86: {  	v40 =	vadd.s32 $0x3E8, v22;
	v14 =	vadd.s32 $0x1388, v20;
	v39 =	vadd.s32 $0xFA0, v17;
	v38 =	vld.idx.msk [tilespmem:v23+s4+$0x0], $0xffff;
	[tilespmem:s15+$0xB380] =	vst v16  }
0x87: {  	v15 =	vadd.s32 $0x1388, v23;
	v13 =	vadd.s32 $0x1388, v17;
	v16 =	vadd.s32 $0x1770, v20;
	v41 =	vld.idx.msk [tilespmem:v17+s4+$0x0], $0xffff;
	[tilespmem:s14+$0xB390] =	vst v18  }
0x88: {  	v42 =	vadd.s32 $0x1770, v23;
	v43 =	vadd.s32 $0x1770, v17;
	v18 =	vadd.s32 $0x1B58, v20;
	v44 =	vld.idx.msk [tilespmem:v9+s4+$0x0], $0xffff;
	[tilespmem:s14+$0xC7B0] =	vst v21;
	v9 =	vmovc v16  }
0x89: {  	v45 =	vadd.s32 $0x1B58, v17;
	v16 =	vadd.s32 $0x1F40, v20;
	v21 =	vadd.s32 $0x1B58, v23;
	[tilespmem:s14+$0xB3A0] =	vst v29;
	v29 =	vld.idx.msk [tilespmem:v33+s4+$0x0], $0xffff  }
0x8a: {  	v46 =	vadd.s32 $0x1F40, v17;
	v33 =	vadd.s32 $0x2328, v20;
	v20 =	vadd.s32 $0x1F40, v23;
	[tilespmem:s17+$0x4FB0] =	vst v32;
	v32 =	vld.idx.msk [tilespmem:v11+s4+$0x0], $0xffff;
	v11 =	vmovc v42  }
0x8b: {  	v23 =	vadd.s32 $0x2328, v23;
	[tilespmem:s17+$0x4F80] =	vst v34;
	v34 =	vadd.s32 $0x2328, v17;
	v17 =	vld.idx.msk [tilespmem:v40+s4+$0x0], $0xffff;
	v40 =	vadd.s32 $0x1F40, v0  }
0x8c: {  	v19 =	vld.idx.msk [tilespmem:v19+s4+$0x0], $0xffff;
	[tilespmem:s17+$0x4F90] =	vst v38  }
0x8d: {  	v38 =	vadd.s32 $0x7D0, v22;
	v26 =	vld.idx.msk [tilespmem:v26+s4+$0x0], $0xffff;
	[tilespmem:s17+$0x4FA0] =	vst v41  }
0x8e: {  	v30 =	vld.idx.msk [tilespmem:v30+s4+$0x0], $0xffff;
	[tilespmem:s15+$0xC780] =	vst v44  }
0x8f: {  	v41 =	vld.idx.msk [tilespmem:v12+s4+$0x0], $0xffff;
	[tilespmem:s14+$0xDBB0] =	vst v29;
	v12 =	vmov v43  }
0x90: {  	s18 =	sadd.s32 $0x40, s18;
	[tilespmem:s14+$0xC790] =	vst v32;
	v29 =	vld.idx.msk [tilespmem:v40+s4+$0x0], $0xffff  }
0x91: {  	s0 =	sand.u32 $0x1FC0, s18;
	[tilespmem:s17+$0x63B0] =	vst v17;
	v17 =	vld.idx.msk [tilespmem:v5+s4+$0x0], $0xffff;
	v5 =	vmov v18  }
0x92: {  	[tilespmem:s0+$0x6380] =	vst v19;
	v18 =	vld.idx.msk [tilespmem:v38+s4+$0x0], $0xffff;
	v19 =	vadd.s32 $0x2328, v0;
	v0 =	vmov v22  }
0x93: {  	v22 =	vld.idx.msk [tilespmem:v24+s4+$0x0], $0xffff;
	[tilespmem:s17+$0x6390] =	vst v26  }
0x94: {  	v26 =	vadd.s32 $0xBB8, v0;
	v24 =	vld.idx.msk [tilespmem:v27+s4+$0x0], $0xffff;
	[tilespmem:s17+$0x63A0] =	vst v30  }
0x95: {  	v27 =	vld.idx.msk [tilespmem:v31+s4+$0x0], $0xffff;
	[tilespmem:s14+$0xC7A0] =	vst v41  }
0x96: {  	v30 =	vld.idx.msk [tilespmem:v10+s4+$0x0], $0xffff;
	[tilespmem:s14+$0xEFB0] =	vst v29;
	v10 =	vmov v21  }
0x97: {  	[tilespmem:s15+$0xDB80] =	vst v17;
	v17 =	vld.idx.msk [tilespmem:v19+s4+$0x0], $0xffff  }
0x98: {  	[tilespmem:s17+$0x77B0] =	vst v18;
	v18 =	vld.idx.msk [tilespmem:v8+s4+$0x0], $0xffff;
	v8 =	vmov v45  }
0x99: {  	[tilespmem:s0+$0x7780] =	vst v22;
	v19 =	vld.idx.msk [tilespmem:v26+s4+$0x0], $0xffff  }
0x9a: {  	v21 =	vld.idx.msk [tilespmem:v25+s4+$0x0], $0xffff;
	[tilespmem:s17+$0x7790] =	vst v24  }
0x9b: {  	v24 =	vadd.s32 $0xFA0, v0;
	v22 =	vld.idx.msk [tilespmem:v28+s4+$0x0], $0xffff;
	[tilespmem:s17+$0x77A0] =	vst v27  }
0x9c: {  	v25 =	vld.idx.msk [tilespmem:v37+s4+$0x0], $0xffff;
	[tilespmem:s14+$0xDB90] =	vst v30  }
0x9d: {  	v26 =	vld.idx.msk [tilespmem:v3+s4+$0x0], $0xffff;
	[tilespmem:s14+$0x103B0] =	vst v17;
	v3 =	vmov v16  }
0x9e: {  	v16 =	vld.idx.msk [tilespmem:v7+s4+$0x0], $0xffff;
	[tilespmem:s14+$0xDBA0] =	vst v18;
	v7 =	vmov v20  }
0x9f: {  	[tilespmem:s17+$0x8BB0] =	vst v19;
	v18 =	vld.idx.msk [tilespmem:v6+s4+$0x0], $0xffff;
	v6 =	vmov v46  }
0xa0: {  	[tilespmem:s0+$0x8B80] =	vst v21;
	v24 =	vld.idx.msk [tilespmem:v24+s4+$0x0], $0xffff  }
0xa1: {  	v19 =	vld.idx.msk [tilespmem:v35+s4+$0x0], $0xffff;
	[tilespmem:s17+$0x8B90] =	vst v22  }
.Ltmp0:
0xa2: {  	v22 =	vadd.s32 $0x1388, v0;
	v20 =	vld.idx.msk [tilespmem:v36+s4+$0x0], $0xffff;
	[tilespmem:s17+$0x8BA0] =	vst v25;
	(pc) =	sbr.rel @p0 .LBB2_2-.Ltmp0, $4  }
0xa3: {  	v21 =	vld.idx.msk [tilespmem:v39+s4+$0x0], $0xffff;
	[tilespmem:s15+$0xEF80] =	vst v26  }
0xa4: {  	v17 =	vld.idx.msk [tilespmem:v1+s4+$0x0], $0xffff;
	[tilespmem:s14+$0xEF90] =	vst v16;
	v1 =	vmov v33  }
0xa5: {  	v16 =	vld.idx.msk [tilespmem:v4+s4+$0x0], $0xffff;
	[tilespmem:s14+$0xEFA0] =	vst v18;
	v4 =	vmov v23  }
0xa6: {  	s5 =	sadd.s32 $0x100, s5;
	[tilespmem:s17+$0x9FB0] =	vst v24;
	v18 =	vld.idx.msk [tilespmem:v2+s4+$0x0], $0xffff;
	v2 =	vmov v34  }
0xa7: {  	_ =	sdelay $0x3  }
0xa8: {  	[tilespmem:s0+$0x9F80] =	vst v19;
	v19 =	vld.idx.msk [tilespmem:v22+s4+$0x0], $0xffff  }
0xa9: {  	[tilespmem:s17+$0x9F90] =	vst v20;
	v20 =	vadd.s32 $0x1770, v0;
	v14 =	vld.idx.msk [tilespmem:v14+s4+$0x0], $0xffff  }
0xaa: {  	[tilespmem:s17+$0x9FA0] =	vst v21;
	v15 =	vld.idx.msk [tilespmem:v15+s4+$0x0], $0xffff  }
0xab: {  	v13 =	vld.idx.msk [tilespmem:v13+s4+$0x0], $0xffff;
	_ =	sdelay $0x1  }
0xac: {  	[tilespmem:s17+$0xB3B0] =	vst v19  }
0xad: {  	v19 =	vld.idx.msk [tilespmem:v20+s4+$0x0], $0xffff;
	[tilespmem:s0+$0xB380] =	vst v14  }
0xae: {  	v14 =	vadd.s32 $0x1B58, v0;
	[tilespmem:s17+$0xB390] =	vst v15;
	v9 =	vld.idx.msk [tilespmem:v9+s4+$0x0], $0xffff  }
0xaf: {  	[tilespmem:s17+$0xB3A0] =	vst v13;
	v11 =	vld.idx.msk [tilespmem:v11+s4+$0x0], $0xffff  }
0xb0: {  	v12 =	vld.idx.msk [tilespmem:v12+s4+$0x0], $0xffff;
	_ =	sdelay $0x1  }
0xb1: {  	[tilespmem:s17+$0xC7B0] =	vst v19  }
0xb2: {  	v13 =	vld.idx.msk [tilespmem:v14+s4+$0x0], $0xffff;
	[tilespmem:s0+$0xC780] =	vst v9  }
0xb3: {  	v9 =	vadd.s32 $0x1F40, v0;
	[tilespmem:s17+$0xC790] =	vst v11;
	v5 =	vld.idx.msk [tilespmem:v5+s4+$0x0], $0xffff  }
0xb4: {  	[tilespmem:s17+$0xC7A0] =	vst v12;
	v10 =	vld.idx.msk [tilespmem:v10+s4+$0x0], $0xffff  }
0xb5: {  	v8 =	vld.idx.msk [tilespmem:v8+s4+$0x0], $0xffff;
	_ =	sdelay $0x1  }
0xb6: {  	[tilespmem:s17+$0xDBB0] =	vst v13  }
0xb7: {  	v9 =	vld.idx.msk [tilespmem:v9+s4+$0x0], $0xffff;
	[tilespmem:s0+$0xDB80] =	vst v5  }
0xb8: {  	v0 =	vadd.s32 $0x2328, v0;
	[tilespmem:s17+$0xDB90] =	vst v10;
	v3 =	vld.idx.msk [tilespmem:v3+s4+$0x0], $0xffff  }
0xb9: {  	v5 =	vld.idx.msk [tilespmem:v7+s4+$0x0], $0xffff;
	[tilespmem:s17+$0xDBA0] =	vst v8  }
0xba: {  	v6 =	vld.idx.msk [tilespmem:v6+s4+$0x0], $0xffff  }
0xbb: {  	[tilespmem:s15+$0x10380] =	vst v17  }
0xbc: {  	[tilespmem:s17+$0xEFB0] =	vst v9  }
0xbd: {  	v0 =	vld.idx.msk [tilespmem:v0+s4+$0x0], $0xffff;
	[tilespmem:s0+$0xEF80] =	vst v3  }
0xbe: {  	[tilespmem:s17+$0xEF90] =	vst v5;
	v1 =	vld.idx.msk [tilespmem:v1+s4+$0x0], $0xffff  }
0xbf: {  	v3 =	vld.idx.msk [tilespmem:v4+s4+$0x0], $0xffff;
	[tilespmem:s17+$0xEFA0] =	vst v6  }
0xc0: {  	[tilespmem:s14+$0x10390] =	vst v16;
	v2 =	vld.idx.msk [tilespmem:v2+s4+$0x0], $0xffff  }
0xc1: {  	[tilespmem:s14+$0x103A0] =	vst v18  }
0xc2: {  	[tilespmem:s17+$0x103B0] =	vst v0  }
0xc3: {  	[tilespmem:s0+$0x10380] =	vst v1  }
0xc4: {  	[tilespmem:s17+$0x10390] =	vst v3  }
0xc5: {  	[tilespmem:s17+$0x103A0] =	vst v2  }
0xc6: {  	s2 =	simm.s32 $0x4F80;
	s0 =	simm.s32 $0x0;
	s1 =	rddreg [dreg:$0x6]  }
0xc7: {  	[hbm4b:s1+s0] =	stream.linear.scatter [tilespmem:s2], [sflag:$0x3], $0x1400, $0x38;
	[tilespmem:$0x1DF80] =	vst v63  }
0xc8: {  	s31 =	simm.s32 $0x6380;
	s30 =	rddreg [dreg:$0x8]  }
0xc9: {  	[hbm4b:s30+s0] =	stream.linear.scatter [tilespmem:s31], [sflag:$0x3], $0x1400, $0x38;
	[tilespmem:$0x1DF80] =	vst v63  }
0xca: {  	s6 =	simm.s32 $0x7780;
	s5 =	rddreg [dreg:$0x9]  }
0xcb: {  	[hbm4b:s5+s0] =	stream.linear.scatter [tilespmem:s6], [sflag:$0x3], $0x1400, $0x38;
	[tilespmem:$0x1DF80] =	vst v63  }
0xcc: {  	s8 =	simm.s32 $0x8B80;
	s7 =	rddreg [dreg:$0xa]  }
0xcd: {  	[hbm4b:s7+s0] =	stream.linear.scatter [tilespmem:s8], [sflag:$0x3], $0x1400, $0x38;
	[tilespmem:$0x1DF80] =	vst v63  }
0xce: {  	s10 =	simm.s32 $0x9F80;
	s9 =	rddreg [dreg:$0xb]  }
0xcf: {  	[hbm4b:s9+s0] =	stream.linear.scatter [tilespmem:s10], [sflag:$0x3], $0x1400, $0x38;
	[tilespmem:$0x1DF80] =	vst v63  }
0xd0: {  	s15 =	simm.s32 $0xB380;
	s14 =	rddreg [dreg:$0xc]  }
0xd1: {  	[hbm4b:s14+s0] =	stream.linear.scatter [tilespmem:s15], [sflag:$0x3], $0x1400, $0x38;
	[tilespmem:$0x1DF80] =	vst v63  }
0xd2: {  	s18 =	simm.s32 $0xC780;
	s17 =	rddreg [dreg:$0xd]  }
0xd3: {  	[hbm4b:s17+s0] =	stream.linear.scatter [tilespmem:s18], [sflag:$0x3], $0x1400, $0x38;
	[tilespmem:$0x1DF80] =	vst v63  }
0xd4: {  	s20 =	simm.s32 $0xDB80;
	s19 =	rddreg [dreg:$0xe]  }
0xd5: {  	[hbm4b:s19+s0] =	stream.linear.scatter [tilespmem:s20], [sflag:$0x3], $0x1400, $0x38;
	[tilespmem:$0x1DF80] =	vst v63  }
0xd6: {  	s25 =	simm.s32 $0xEF80;
	s21 =	rddreg [dreg:$0xf]  }
0xd7: {  	[hbm4b:s21+s0] =	stream.linear.scatter [tilespmem:s25], [sflag:$0x3], $0x1400, $0x38;
	[tilespmem:$0x1DF80] =	vst v63  }
0xd8: {  	s29 =	simm.s32 $0x10380;
	s28 =	rddreg [dreg:$0x10]  }
0xd9: {  	[hbm4b:s28+s0] =	stream.linear.scatter [tilespmem:s29], [sflag:$0x3], $0x1400, $0x38;
	[tilespmem:$0x1DF80] =	vst v63  }
0xda: {  	s30 =	rddreg [dreg:$0x11];
	s31 =	simm.s32 $0x2780  }
0xdb: {  	[tilespmem:s31], [sflag:$0x1] =	stream.linear.gather [hbm4b:s30+s0], $0x1400, $0x38;
	[tilespmem:$0x1DF80] =	vst v63  }
0xdc: {  	_ =	swait.ge [sflag:s26], $0x1400  }
0xdd: {  	[sflag:s26] =	ssyncset.done $0x0  }
0xde: {  	s14 =	simm.s32 $0x0;
	[sflag:s26] =	ssyncadd.s32 $0xFFFFEC00  }
0xdf: {  	v4 =	vld [tilespmem:s14+$0x3BB0];
	_ =	sdelay $0x1  }
0xe0: {  	v3 =	vld [tilespmem:s14+$0x3B80];
	_ =	sdelay $0x1  }
0xe1: {  	v2 =	vld [tilespmem:s14+$0x3B90]  }
0xe2: {  	v1 =	vld [tilespmem:s14+$0x3BA0];
	_ =	sdelay $0x2  }
0xe3: {  	v0 =	vld.idx.msk [tilespmem:v4+s4+$0x0], $0xffff  }
0xe4: {  	v5 =	vadd.s32 $0x3E8, v4  }
0xe5: {  	v6 =	vld.idx.msk [tilespmem:v3+s4+$0x0], $0xffff  }
0xe6: {  	v7 =	vadd.s32 $0x3E8, v3  }
0xe7: {  	v8 =	vld.idx.msk [tilespmem:v2+s4+$0x0], $0xffff  }
0xe8: {  	v9 =	vadd.s32 $0x3E8, v2;
	v10 =	vld.idx.msk [tilespmem:v1+s4+$0x0], $0xffff;
	[tilespmem:s14+$0x117B0] =	vst v0  }
0xe9: {  	v0 =	vadd.s32 $0x3E8, v1;
	v5 =	vld.idx.msk [tilespmem:v5+s4+$0x0], $0xffff  }
0xea: {  	v11 =	vadd.s32 $0x7D0, v4;
	[tilespmem:s14+$0x11780] =	vst v6  }
0xeb: {  	v6 =	vld.idx.msk [tilespmem:v7+s4+$0x0], $0xffff  }
0xec: {  	[tilespmem:s14+$0x11790] =	vst v8;
	v7 =	vadd.s32 $0x7D0, v3  }
0xed: {  	[tilespmem:s14+$0x117A0] =	vst v10;
	v8 =	vld.idx.msk [tilespmem:v9+s4+$0x0], $0xffff  }
0xee: {  	v9 =	vadd.s32 $0x7D0, v2;
	v0 =	vld.idx.msk [tilespmem:v0+s4+$0x0], $0xffff;
	[tilespmem:s14+$0x12BB0] =	vst v5  }
0xef: {  	s15 =	sand.u32 $0x1FC0, s0;
	v5 =	vadd.s32 $0x7D0, v1;
	v10 =	vld.idx.msk [tilespmem:v11+s4+$0x0], $0xffff  }
0xf0: {  	[tilespmem:s15+$0x12B80] =	vst v6;
	v11 =	vadd.s32 $0xBB8, v4  }
0xf1: {  	v6 =	vld.idx.msk [tilespmem:v7+s4+$0x0], $0xffff  }
0xf2: {  	[tilespmem:s14+$0x12B90] =	vst v8;
	v7 =	vadd.s32 $0xBB8, v3  }
0xf3: {  	v8 =	vld.idx.msk [tilespmem:v9+s4+$0x0], $0xffff;
	[tilespmem:s14+$0x12BA0] =	vst v0  }
0xf4: {  	v0 =	vadd.s32 $0xBB8, v2;
	v5 =	vld.idx.msk [tilespmem:v5+s4+$0x0], $0xffff;
	[tilespmem:s14+$0x13FB0] =	vst v10  }
0xf5: {  	v9 =	vadd.s32 $0xBB8, v1;
	v10 =	vld.idx.msk [tilespmem:v11+s4+$0x0], $0xffff  }
0xf6: {  	[tilespmem:s15+$0x13F80] =	vst v6;
	v11 =	vadd.s32 $0xFA0, v4  }
0xf7: {  	s17 =	simm.s32 $0x40;
	v6 =	vld.idx.msk [tilespmem:v7+s4+$0x0], $0xffff  }
0xf8: {  	v16 =	vld [tilespmem:s17+$0x3B80];
	[tilespmem:s14+$0x13F90] =	vst v8;
	v7 =	vadd.s32 $0xFA0, v3  }
0xf9: {  	v0 =	vld.idx.msk [tilespmem:v0+s4+$0x0], $0xffff;
	[tilespmem:s14+$0x13FA0] =	vst v5  }
0xfa: {  	v5 =	vadd.s32 $0xFA0, v2;
	v8 =	vld.idx.msk [tilespmem:v9+s4+$0x0], $0xffff;
	[tilespmem:s14+$0x153B0] =	vst v10  }
0xfb: {  	v10 =	vld.idx.msk [tilespmem:v11+s4+$0x0], $0xffff  }
0xfc: {  	v18 =	vld [tilespmem:s17+$0x3B90];
	v9 =	vadd.s32 $0xFA0, v1;
	[tilespmem:s15+$0x15380] =	vst v6  }
0xfd: {  	v11 =	vadd.s32 $0x1388, v4;
	v6 =	vld.idx.msk [tilespmem:v7+s4+$0x0], $0xffff  }
0xfe: {  	[tilespmem:s14+$0x15390] =	vst v0;
	v0 =	vld [tilespmem:s17+$0x3BB0]  }
0xff: {  	v5 =	vld.idx.msk [tilespmem:v5+s4+$0x0], $0xffff;
	[tilespmem:s14+$0x153A0] =	vst v8;
	v8 =	vadd.s32 $0x1388, v3  }
0x100: {  	v22 =	vld [tilespmem:s17+$0x3BA0];
	[tilespmem:s14+$0x167B0] =	vst v10;
	v10 =	vadd.s32 $0x1388, v2  }
0x101: {  	v7 =	vld.idx.msk [tilespmem:v9+s4+$0x0], $0xffff  }
0x102: {  	v12 =	vadd.s32 $0x1388, v1;
	v9 =	vld.idx.msk [tilespmem:v11+s4+$0x0], $0xffff  }
0x103: {  	v13 =	vld.idx.msk [tilespmem:v16+s4+$0x0], $0xffff;
	[tilespmem:s15+$0x16780] =	vst v6  }
0x104: {  	v11 =	vadd.s32 $0x1770, v4;
	[tilespmem:s14+$0x16790] =	vst v5;
	v5 =	vld.idx.msk [tilespmem:v8+s4+$0x0], $0xffff  }
0x105: {  	v6 =	vld.idx.msk [tilespmem:v10+s4+$0x0], $0xffff  }
0x106: {  	v8 =	vadd.s32 $0x1770, v3;
	[tilespmem:s14+$0x167A0] =	vst v7;
	v10 =	vld.idx.msk [tilespmem:v0+s4+$0x0], $0xffff  }
0x107: {  	[tilespmem:s14+$0x17BB0] =	vst v9;
	v9 =	vld.idx.msk [tilespmem:v12+s4+$0x0], $0xffff;
	v12 =	vadd.s32 $0x1770, v2  }
0x108: {  	v14 =	vld.idx.msk [tilespmem:v18+s4+$0x0], $0xffff;
	v15 =	vadd.s32 $0x3E8, v0  }
0x109: {  	[tilespmem:s17+$0x11780] =	vst v13;
	v7 =	vld.idx.msk [tilespmem:v11+s4+$0x0], $0xffff  }
0x10a: {  	v17 =	vld.idx.msk [tilespmem:v22+s4+$0x0], $0xffff;
	v11 =	vadd.s32 $0x1B58, v4;
	[tilespmem:s15+$0x17B80] =	vst v5  }
0x10b: {  	v5 =	vadd.s32 $0x3E8, v16;
	v8 =	vld.idx.msk [tilespmem:v8+s4+$0x0], $0xffff;
	[tilespmem:s14+$0x17B90] =	vst v6  }
0x10c: {  	v6 =	vadd.s32 $0x3E8, v18;
	[tilespmem:s17+$0x117B0] =	vst v10;
	v10 =	vld.idx.msk [tilespmem:v12+s4+$0x0], $0xffff  }
0x10d: {  	[tilespmem:s17+$0x11790] =	vst v14;
	v12 =	vld.idx.msk [tilespmem:v15+s4+$0x0], $0xffff;
	v15 =	vadd.s32 $0x1B58, v3  }
0x10e: {  	[tilespmem:s14+$0x18FB0] =	vst v7;
	v7 =	vadd.s32 $0x3E8, v22  }
0x10f: {  	[tilespmem:s14+$0x17BA0] =	vst v9;
	v9 =	vld.idx.msk [tilespmem:v11+s4+$0x0], $0xffff;
	v11 =	vadd.s32 $0x1770, v1  }
0x110: {  	[tilespmem:s17+$0x117A0] =	vst v17;
	v14 =	vadd.s32 $0x7D0, v0;
	v5 =	vld.idx.msk [tilespmem:v5+s4+$0x0], $0xffff  }
0x111: {  	v13 =	vadd.s32 $0x1F40, v4;
	[tilespmem:s15+$0x18F80] =	vst v8;
	v6 =	vld.idx.msk [tilespmem:v6+s4+$0x0], $0xffff  }
0x112: {  	[tilespmem:s17+$0x12BB0] =	vst v12;
	v12 =	vld.idx.msk [tilespmem:v15+s4+$0x0], $0xffff  }
0x113: {  	s18 =	simm.s32 $0x40;
	v17 =	vadd.s32 $0x7D0, v16;
	v7 =	vld.idx.msk [tilespmem:v7+s4+$0x0], $0xffff  }
0x114: {  	s0 =	sand.u32 $0x1FC0, s18;
	v8 =	vadd.s32 $0x7D0, v18;
	v11 =	vld.idx.msk [tilespmem:v11+s4+$0x0], $0xffff;
	[tilespmem:s14+$0x1A3B0] =	vst v9  }
0x115: {  	v9 =	vadd.s32 $0x7D0, v22;
	[tilespmem:s0+$0x12B80] =	vst v5;
	v5 =	vld.idx.msk [tilespmem:v14+s4+$0x0], $0xffff  }
0x116: {  	[tilespmem:s14+$0x18F90] =	vst v10;
	v10 =	vld.idx.msk [tilespmem:v13+s4+$0x0], $0xffff;
	v13 =	vadd.s32 $0x1B58, v2  }
0x117: {  	v14 =	vadd.s32 $0x1B58, v1;
	[tilespmem:s17+$0x12B90] =	vst v6  }
0x118: {  	v4 =	vadd.s32 $0x2328, v4;
	v15 =	vld.idx.msk [tilespmem:v17+s4+$0x0], $0xffff;
	[tilespmem:s15+$0x1A380] =	vst v12  }
0x119: {  	v6 =	vld.idx.msk [tilespmem:v8+s4+$0x0], $0xffff;
	v8 =	vadd.s32 $0xBB8, v16;
	[tilespmem:s17+$0x12BA0] =	vst v7  }
0x11a: {  	v7 =	vadd.s32 $0xBB8, v0;
	v9 =	vld.idx.msk [tilespmem:v9+s4+$0x0], $0xffff;
	[tilespmem:s14+$0x18FA0] =	vst v11  }
0x11b: {  	v11 =	vadd.s32 $0xBB8, v18;
	[tilespmem:s17+$0x13FB0] =	vst v5;
	v13 =	vld.idx.msk [tilespmem:v13+s4+$0x0], $0xffff  }
0x11c: {  	[tilespmem:s14+$0x1B7B0] =	vst v10;
	v5 =	vld.idx.msk [tilespmem:v14+s4+$0x0], $0xffff;
	v14 =	vadd.s32 $0x1F40, v2  }
0x11d: {  	v12 =	vadd.s32 $0x1F40, v3;
	[tilespmem:s0+$0x13F80] =	vst v15;
	v4 =	vld.idx.msk [tilespmem:v4+s4+$0x0], $0xffff  }
0x11e: {  	v10 =	vadd.s32 $0xBB8, v22;
	v8 =	vld.idx.msk [tilespmem:v8+s4+$0x0], $0xffff;
	[tilespmem:s17+$0x13F90] =	vst v6  }
0x11f: {  	v15 =	vadd.s32 $0x1F40, v1;
	v7 =	vld.idx.msk [tilespmem:v7+s4+$0x0], $0xffff;
	[tilespmem:s17+$0x13FA0] =	vst v9  }
0x120: {  	v6 =	vld.idx.msk [tilespmem:v11+s4+$0x0], $0xffff;
	v9 =	vadd.s32 $0xFA0, v0;
	[tilespmem:s14+$0x1A390] =	vst v13  }
0x121: {  	v11 =	vadd.s32 $0xFA0, v16;
	v24 =	vld.idx.msk [tilespmem:v14+s4+$0x0], $0xffff  }
0x122: {  	v2 =	vadd.s32 $0x2328, v2;
	v23 =	vld.idx.msk [tilespmem:v12+s4+$0x0], $0xffff;
	[tilespmem:s14+$0x1A3A0] =	vst v5  }
0x123: {  	v25 =	vadd.s32 $0x2328, v3;
	v28 =	vadd.s32 $0x2328, v1;
	v17 =	vadd.s32 $0xFA0, v18;
	v10 =	vld.idx.msk [tilespmem:v10+s4+$0x0], $0xffff;
	[tilespmem:s14+$0x1CBB0] =	vst v4  }
0x124: {  	v3 =	vadd.s32 $0x1F40, v16;
	v1 =	vadd.s32 $0x2328, v16;
	v4 =	vadd.s32 $0xFA0, v22;
	v26 =	vld.idx.msk [tilespmem:v15+s4+$0x0], $0xffff;
	[tilespmem:s17+$0x153B0] =	vst v7  }
0x125: {  	v12 =	vadd.s32 $0x1770, v22;
	v13 =	vadd.s32 $0x1388, v22;
	v5 =	vadd.s32 $0x1B58, v16;
	[tilespmem:s0+$0x15380] =	vst v8;
	v27 =	vld.idx.msk [tilespmem:v9+s4+$0x0], $0xffff  }
0x126: {  	v14 =	vadd.s32 $0x1388, v16;
	v8 =	vadd.s32 $0x1B58, v22;
	v19 =	vld.idx.msk [tilespmem:v11+s4+$0x0], $0xffff;
	v9 =	vadd.s32 $0x1770, v16;
	[tilespmem:s14+$0x1B790] =	vst v24  }
0x127: {  	[tilespmem:s17+$0x15390] =	vst v6;
	v6 =	vadd.s32 $0x1F40, v22;
	v16 =	vld.idx.msk [tilespmem:v2+s4+$0x0], $0xffff;
	v2 =	vadd.s32 $0x2328, v22;
	v22 =	vadd.s32 $0x1388, v0  }
0x128: {  	v20 =	vld.idx.msk [tilespmem:v17+s4+$0x0], $0xffff;
	[tilespmem:s17+$0x153A0] =	vst v10  }
0x129: {  	[tilespmem:s15+$0x1B780] =	vst v23;
	v21 =	vld.idx.msk [tilespmem:v4+s4+$0x0], $0xffff  }
0x12a: {  	v15 =	vadd.s32 $0x1388, v18;
	v7 =	vadd.s32 $0x1F40, v18;
	v17 =	vld.idx.msk [tilespmem:v25+s4+$0x0], $0xffff;
	[tilespmem:s14+$0x1B7A0] =	vst v26  }
0x12b: {  	s2 =	simm.s32 $0x4;
	s5 =	simm.s32 $0x200;
	v11 =	vadd.s32 $0x1770, v18;
	v10 =	vadd.s32 $0x1B58, v18;
	v4 =	vadd.s32 $0x2328, v18;
	v18 =	vld.idx.msk [tilespmem:v28+s4+$0x0], $0xffff;
	[tilespmem:s17+$0x167B0] =	vst v27  }
.LBB2_4:
0x12c: {  	s6 =	sshra.s32 s5, $0x2;
	s2 =	sadd.s32 $0x4, s2;
	[tilespmem:s0+$0x16780] =	vst v19;
	v19 =	vld.idx.msk [tilespmem:v22+s4+$0x0], $0xffff  }
0x12d: {  	v22 =	vld [tilespmem:s6+$0x3BB0];
	p0 =	slt.u32 s2, $0x13C;
	[tilespmem:s17+$0x16790] =	vst v20  }
0x12e: {  	v20 =	vld [tilespmem:s6+$0x3B80];
	[tilespmem:s17+$0x167A0] =	vst v21;
	v21 =	vadd.s32 $0x1770, v0  }
0x12f: {  	v23 =	vld [tilespmem:s6+$0x3B90];
	[tilespmem:s15+$0x1CB80] =	vst v17;
	s15 =	smov.u32 s0  }
0x130: {  	v17 =	vld [tilespmem:s6+$0x3BA0];
	[tilespmem:s14+$0x1CB90] =	vst v16  }
0x131: {  	v16 =	vld.idx.msk [tilespmem:v14+s4+$0x0], $0xffff;
	[tilespmem:s14+$0x1CBA0] =	vst v18;
	s14 =	smov.u32 s17;
	s17 =	smov.u32 s6  }
0x132: {  	v18 =	vld.idx.msk [tilespmem:v15+s4+$0x0], $0xffff;
	[tilespmem:s14+$0x17BB0] =	vst v19  }
0x133: {  	v19 =	vadd.s32 $0x3E8, v20;
	v24 =	vadd.s32 $0x7D0, v20;
	v25 =	vadd.s32 $0xBB8, v20;
	v21 =	vld.idx.msk [tilespmem:v21+s4+$0x0], $0xffff  }
0x134: {  	v26 =	vadd.s32 $0x3E8, v23;
	v27 =	vadd.s32 $0x7D0, v23;
	v28 =	vadd.s32 $0xBB8, v23;
	v29 =	vld.idx.msk [tilespmem:v13+s4+$0x0], $0xffff  }
0x135: {  	v33 =	vadd.s32 $0x1B58, v0;
	v30 =	vadd.s32 $0x3E8, v17;
	v31 =	vadd.s32 $0x7D0, v17;
	v32 =	vld.idx.msk [tilespmem:v22+s4+$0x0], $0xffff  }
0x136: {  	v35 =	vadd.s32 $0xFA0, v20;
	v36 =	vadd.s32 $0xFA0, v23;
	v37 =	vadd.s32 $0xBB8, v17;
	v34 =	vld.idx.msk [tilespmem:v20+s4+$0x0], $0xffff  }
0x137: {  	v40 =	vadd.s32 $0x3E8, v22;
	v14 =	vadd.s32 $0x1388, v20;
	v39 =	vadd.s32 $0xFA0, v17;
	v38 =	vld.idx.msk [tilespmem:v23+s4+$0x0], $0xffff;
	[tilespmem:s15+$0x17B80] =	vst v16  }
0x138: {  	v15 =	vadd.s32 $0x1388, v23;
	v13 =	vadd.s32 $0x1388, v17;
	v16 =	vadd.s32 $0x1770, v20;
	v41 =	vld.idx.msk [tilespmem:v17+s4+$0x0], $0xffff;
	[tilespmem:s14+$0x17B90] =	vst v18  }
0x139: {  	v42 =	vadd.s32 $0x1770, v23;
	v43 =	vadd.s32 $0x1770, v17;
	v18 =	vadd.s32 $0x1B58, v20;
	v44 =	vld.idx.msk [tilespmem:v9+s4+$0x0], $0xffff;
	[tilespmem:s14+$0x18FB0] =	vst v21;
	v9 =	vmovc v16  }
0x13a: {  	v45 =	vadd.s32 $0x1B58, v17;
	v16 =	vadd.s32 $0x1F40, v20;
	v21 =	vadd.s32 $0x1B58, v23;
	[tilespmem:s14+$0x17BA0] =	vst v29;
	v29 =	vld.idx.msk [tilespmem:v33+s4+$0x0], $0xffff  }
0x13b: {  	v46 =	vadd.s32 $0x1F40, v17;
	v33 =	vadd.s32 $0x2328, v20;
	v20 =	vadd.s32 $0x1F40, v23;
	[tilespmem:s17+$0x117B0] =	vst v32;
	v32 =	vld.idx.msk [tilespmem:v11+s4+$0x0], $0xffff;
	v11 =	vmovc v42  }
0x13c: {  	v23 =	vadd.s32 $0x2328, v23;
	[tilespmem:s17+$0x11780] =	vst v34;
	v34 =	vadd.s32 $0x2328, v17;
	v17 =	vld.idx.msk [tilespmem:v40+s4+$0x0], $0xffff;
	v40 =	vadd.s32 $0x1F40, v0  }
0x13d: {  	v19 =	vld.idx.msk [tilespmem:v19+s4+$0x0], $0xffff;
	[tilespmem:s17+$0x11790] =	vst v38  }
0x13e: {  	v38 =	vadd.s32 $0x7D0, v22;
	v26 =	vld.idx.msk [tilespmem:v26+s4+$0x0], $0xffff;
	[tilespmem:s17+$0x117A0] =	vst v41  }
0x13f: {  	v30 =	vld.idx.msk [tilespmem:v30+s4+$0x0], $0xffff;
	[tilespmem:s15+$0x18F80] =	vst v44  }
0x140: {  	v41 =	vld.idx.msk [tilespmem:v12+s4+$0x0], $0xffff;
	[tilespmem:s14+$0x1A3B0] =	vst v29;
	v12 =	vmov v43  }
0x141: {  	s18 =	sadd.s32 $0x40, s18;
	[tilespmem:s14+$0x18F90] =	vst v32;
	v29 =	vld.idx.msk [tilespmem:v40+s4+$0x0], $0xffff  }
0x142: {  	s0 =	sand.u32 $0x1FC0, s18;
	[tilespmem:s17+$0x12BB0] =	vst v17;
	v17 =	vld.idx.msk [tilespmem:v5+s4+$0x0], $0xffff;
	v5 =	vmov v18  }
0x143: {  	[tilespmem:s0+$0x12B80] =	vst v19;
	v18 =	vld.idx.msk [tilespmem:v38+s4+$0x0], $0xffff;
	v19 =	vadd.s32 $0x2328, v0;
	v0 =	vmov v22  }
0x144: {  	v22 =	vld.idx.msk [tilespmem:v24+s4+$0x0], $0xffff;
	[tilespmem:s17+$0x12B90] =	vst v26  }
0x145: {  	v26 =	vadd.s32 $0xBB8, v0;
	v24 =	vld.idx.msk [tilespmem:v27+s4+$0x0], $0xffff;
	[tilespmem:s17+$0x12BA0] =	vst v30  }
0x146: {  	v27 =	vld.idx.msk [tilespmem:v31+s4+$0x0], $0xffff;
	[tilespmem:s14+$0x18FA0] =	vst v41  }
0x147: {  	v30 =	vld.idx.msk [tilespmem:v10+s4+$0x0], $0xffff;
	[tilespmem:s14+$0x1B7B0] =	vst v29;
	v10 =	vmov v21  }
0x148: {  	[tilespmem:s15+$0x1A380] =	vst v17;
	v17 =	vld.idx.msk [tilespmem:v19+s4+$0x0], $0xffff  }
0x149: {  	[tilespmem:s17+$0x13FB0] =	vst v18;
	v18 =	vld.idx.msk [tilespmem:v8+s4+$0x0], $0xffff;
	v8 =	vmov v45  }
0x14a: {  	[tilespmem:s0+$0x13F80] =	vst v22;
	v19 =	vld.idx.msk [tilespmem:v26+s4+$0x0], $0xffff  }
0x14b: {  	v21 =	vld.idx.msk [tilespmem:v25+s4+$0x0], $0xffff;
	[tilespmem:s17+$0x13F90] =	vst v24  }
0x14c: {  	v24 =	vadd.s32 $0xFA0, v0;
	v22 =	vld.idx.msk [tilespmem:v28+s4+$0x0], $0xffff;
	[tilespmem:s17+$0x13FA0] =	vst v27  }
0x14d: {  	v25 =	vld.idx.msk [tilespmem:v37+s4+$0x0], $0xffff;
	[tilespmem:s14+$0x1A390] =	vst v30  }
0x14e: {  	v26 =	vld.idx.msk [tilespmem:v3+s4+$0x0], $0xffff;
	[tilespmem:s14+$0x1CBB0] =	vst v17;
	v3 =	vmov v16  }
0x14f: {  	v16 =	vld.idx.msk [tilespmem:v7+s4+$0x0], $0xffff;
	[tilespmem:s14+$0x1A3A0] =	vst v18;
	v7 =	vmov v20  }
0x150: {  	[tilespmem:s17+$0x153B0] =	vst v19;
	v18 =	vld.idx.msk [tilespmem:v6+s4+$0x0], $0xffff;
	v6 =	vmov v46  }
0x151: {  	[tilespmem:s0+$0x15380] =	vst v21;
	v24 =	vld.idx.msk [tilespmem:v24+s4+$0x0], $0xffff  }
0x152: {  	v19 =	vld.idx.msk [tilespmem:v35+s4+$0x0], $0xffff;
	[tilespmem:s17+$0x15390] =	vst v22  }
.Ltmp1:
0x153: {  	v22 =	vadd.s32 $0x1388, v0;
	v20 =	vld.idx.msk [tilespmem:v36+s4+$0x0], $0xffff;
	[tilespmem:s17+$0x153A0] =	vst v25;
	(pc) =	sbr.rel @p0 .LBB2_4-.Ltmp1, $4  }
0x154: {  	v21 =	vld.idx.msk [tilespmem:v39+s4+$0x0], $0xffff;
	[tilespmem:s15+$0x1B780] =	vst v26  }
0x155: {  	v17 =	vld.idx.msk [tilespmem:v1+s4+$0x0], $0xffff;
	[tilespmem:s14+$0x1B790] =	vst v16;
	v1 =	vmov v33  }
0x156: {  	v16 =	vld.idx.msk [tilespmem:v4+s4+$0x0], $0xffff;
	[tilespmem:s14+$0x1B7A0] =	vst v18;
	v4 =	vmov v23  }
0x157: {  	s5 =	sadd.s32 $0x100, s5;
	[tilespmem:s17+$0x167B0] =	vst v24;
	v18 =	vld.idx.msk [tilespmem:v2+s4+$0x0], $0xffff;
	v2 =	vmov v34  }
0x158: {  	_ =	sdelay $0x3  }
0x159: {  	[tilespmem:s0+$0x16780] =	vst v19;
	v56 =	vld.idx.msk [tilespmem:v22+s4+$0x0], $0xffff  }
0x15a: {  	[tilespmem:s17+$0x16790] =	vst v20;
	v57 =	vadd.s32 $0x1770, v0;
	v14 =	vld.idx.msk [tilespmem:v14+s4+$0x0], $0xffff  }
0x15b: {  	[tilespmem:s17+$0x167A0] =	vst v21;
	v15 =	vld.idx.msk [tilespmem:v15+s4+$0x0], $0xffff  }
0x15c: {  	v13 =	vld.idx.msk [tilespmem:v13+s4+$0x0], $0xffff;
	_ =	sdelay $0x1  }
0x15d: {  	[tilespmem:s17+$0x17BB0] =	vst v56  }
0x15e: {  	v19 =	vld.idx.msk [tilespmem:v57+s4+$0x0], $0xffff;
	[tilespmem:s0+$0x17B80] =	vst v14  }
0x15f: {  	v58 =	vadd.s32 $0x1B58, v0;
	[tilespmem:s17+$0x17B90] =	vst v15;
	v9 =	vld.idx.msk [tilespmem:v9+s4+$0x0], $0xffff  }
0x160: {  	[tilespmem:s17+$0x17BA0] =	vst v13;
	v11 =	vld.idx.msk [tilespmem:v11+s4+$0x0], $0xffff  }
0x161: {  	v12 =	vld.idx.msk [tilespmem:v12+s4+$0x0], $0xffff;
	_ =	sdelay $0x1  }
0x162: {  	[tilespmem:s17+$0x18FB0] =	vst v19  }
0x163: {  	v59 =	vld.idx.msk [tilespmem:v58+s4+$0x0], $0xffff;
	[tilespmem:s0+$0x18F80] =	vst v9  }
0x164: {  	v60 =	vadd.s32 $0x1F40, v0;
	[tilespmem:s17+$0x18F90] =	vst v11;
	v5 =	vld.idx.msk [tilespmem:v5+s4+$0x0], $0xffff  }
0x165: {  	[tilespmem:s17+$0x18FA0] =	vst v12;
	v10 =	vld.idx.msk [tilespmem:v10+s4+$0x0], $0xffff  }
0x166: {  	v8 =	vld.idx.msk [tilespmem:v8+s4+$0x0], $0xffff;
	_ =	sdelay $0x1  }
0x167: {  	[tilespmem:s17+$0x1A3B0] =	vst v59  }
0x168: {  	v9 =	vld.idx.msk [tilespmem:v60+s4+$0x0], $0xffff;
	[tilespmem:s0+$0x1A380] =	vst v5  }
0x169: {  	v61 =	vadd.s32 $0x2328, v0;
	[tilespmem:s17+$0x1A390] =	vst v10;
	v3 =	vld.idx.msk [tilespmem:v3+s4+$0x0], $0xffff  }
0x16a: {  	v62 =	vld.idx.msk [tilespmem:v7+s4+$0x0], $0xffff;
	[tilespmem:s17+$0x1A3A0] =	vst v8  }
0x16b: {  	v6 =	vld.idx.msk [tilespmem:v6+s4+$0x0], $0xffff  }
0x16c: {  	[tilespmem:s15+$0x1CB80] =	vst v17  }
0x16d: {  	[tilespmem:s17+$0x1B7B0] =	vst v9  }
0x16e: {  	v0 =	vld.idx.msk [tilespmem:v61+s4+$0x0], $0xffff;
	[tilespmem:s0+$0x1B780] =	vst v3  }
0x16f: {  	[tilespmem:s17+$0x1B790] =	vst v62;
	v1 =	vld.idx.msk [tilespmem:v1+s4+$0x0], $0xffff  }
0x170: {  	v63 =	vld.idx.msk [tilespmem:v4+s4+$0x0], $0xffff;
	[tilespmem:s17+$0x1B7A0] =	vst v6  }
0x171: {  	[tilespmem:s14+$0x1CB90] =	vst v16;
	v2 =	vld.idx.msk [tilespmem:v2+s4+$0x0], $0xffff  }
0x172: {  	[tilespmem:s14+$0x1CBA0] =	vst v18  }
0x173: {  	[tilespmem:s17+$0x1CBB0] =	vst v0  }
0x174: {  	[tilespmem:s0+$0x1CB80] =	vst v1  }
0x175: {  	[tilespmem:s17+$0x1CB90] =	vst v63  }
0x176: {  	[tilespmem:s17+$0x1CBA0] =	vst v2  }
0x177: {  	s1 =	simm.s32 $0x11780;
	s14 =	simm.s32 $0x0;
	s0 =	rddreg [dreg:$0x12]  }
0x178: {  	[hbm4b:s0+s14] =	stream.linear.scatter [tilespmem:s1], [sflag:$0x4], $0x1400, $0x38;
	[tilespmem:$0x1DF80] =	vst v63  }
0x179: {  	s31 =	simm.s32 $0x12B80;
	s30 =	rddreg [dreg:$0x13]  }
0x17a: {  	[hbm4b:s30+s14] =	stream.linear.scatter [tilespmem:s31], [sflag:$0x4], $0x1400, $0x38;
	[tilespmem:$0x1DF80] =	vst v63  }
0x17b: {  	s5 =	simm.s32 $0x13F80;
	s2 =	rddreg [dreg:$0x15]  }
0x17c: {  	[hbm4b:s2+s14] =	stream.linear.scatter [tilespmem:s5], [sflag:$0x4], $0x1400, $0x38;
	[tilespmem:$0x1DF80] =	vst v63  }
0x17d: {  	s7 =	simm.s32 $0x15380;
	s6 =	rddreg [dreg:$0x16]  }
0x17e: {  	[hbm4b:s6+s14] =	stream.linear.scatter [tilespmem:s7], [sflag:$0x4], $0x1400, $0x38;
	[tilespmem:$0x1DF80] =	vst v63  }
0x17f: {  	s9 =	simm.s32 $0x16780;
	s8 =	rddreg [dreg:$0x18]  }
0x180: {  	[hbm4b:s8+s14] =	stream.linear.scatter [tilespmem:s9], [sflag:$0x4], $0x1400, $0x38;
	[tilespmem:$0x1DF80] =	vst v63  }
0x181: {  	s15 =	simm.s32 $0x17B80;
	s10 =	rddreg [dreg:$0x19]  }
0x182: {  	[hbm4b:s10+s14] =	stream.linear.scatter [tilespmem:s15], [sflag:$0x4], $0x1400, $0x38;
	[tilespmem:$0x1DF80] =	vst v63  }
0x183: {  	s18 =	simm.s32 $0x18F80;
	s17 =	rddreg [dreg:$0x1b]  }
0x184: {  	[hbm4b:s17+s14] =	stream.linear.scatter [tilespmem:s18], [sflag:$0x4], $0x1400, $0x38;
	[tilespmem:$0x1DF80] =	vst v63  }
0x185: {  	s20 =	simm.s32 $0x1A380;
	s19 =	rddreg [dreg:$0x1c]  }
0x186: {  	[hbm4b:s19+s14] =	stream.linear.scatter [tilespmem:s20], [sflag:$0x4], $0x1400, $0x38;
	[tilespmem:$0x1DF80] =	vst v63  }
0x187: {  	s25 =	simm.s32 $0x1B780;
	s21 =	rddreg [dreg:$0x1d]  }
0x188: {  	[hbm4b:s21+s14] =	stream.linear.scatter [tilespmem:s25], [sflag:$0x4], $0x1400, $0x38;
	[tilespmem:$0x1DF80] =	vst v63  }
0x189: {  	s29 =	simm.s32 $0x1CB80;
	s28 =	rddreg [dreg:$0x1e]  }
0x18a: {  	[hbm4b:s28+s14] =	stream.linear.scatter [tilespmem:s29], [sflag:$0x4], $0x1400, $0x38;
	[tilespmem:$0x1DF80] =	vst v63  }
0x18b: {  	s30 =	rddreg [dreg:$0x17];
	s31 =	simm.s32 $0x3B80;
	s15 =	simm.s32 $0x0  }
0x18c: {  	[tilespmem:s31], [sflag:$0x2] =	stream.linear.gather [hbm4b:s30+s14], $0x1400, $0x38;
	[tilespmem:$0x1DF80] =	vst v63  }
.LBB2_6:
0x18d: {  	_ =	swait.ge [sflag:s11], $0x1400  }
0x18e: {  	[sflag:s11] =	ssyncset.done $0x0  }
0x18f: {  	[sflag:s11] =	ssyncadd.s32 $0xFFFFEC00  }
0x190: {  	_ =	swait.ge [sflag:s12], $0x1400  }
0x191: {  	[sflag:s12] =	ssyncset.done $0x0  }
0x192: {  	[sflag:s12] =	ssyncadd.s32 $0xFFFFEC00  }
0x193: {  	_ =	swait.ge [sflag:s12], $0x1400  }
0x194: {  	[sflag:s12] =	ssyncset.done $0x0  }
0x195: {  	[sflag:s12] =	ssyncadd.s32 $0xFFFFEC00  }
0x196: {  	_ =	swait.ge [sflag:s12], $0x1400  }
0x197: {  	[sflag:s12] =	ssyncset.done $0x0  }
0x198: {  	[sflag:s12] =	ssyncadd.s32 $0xFFFFEC00  }
0x199: {  	_ =	swait.ge [sflag:s12], $0x1400  }
0x19a: {  	[sflag:s12] =	ssyncset.done $0x0  }
0x19b: {  	[sflag:s12] =	ssyncadd.s32 $0xFFFFEC00  }
0x19c: {  	_ =	swait.ge [sflag:s12], $0x1400  }
0x19d: {  	[sflag:s12] =	ssyncset.done $0x0  }
0x19e: {  	[sflag:s12] =	ssyncadd.s32 $0xFFFFEC00  }
0x19f: {  	_ =	swait.ge [sflag:s12], $0x1400  }
0x1a0: {  	[sflag:s12] =	ssyncset.done $0x0  }
0x1a1: {  	[sflag:s12] =	ssyncadd.s32 $0xFFFFEC00  }
0x1a2: {  	_ =	swait.ge [sflag:s12], $0x1400  }
0x1a3: {  	[sflag:s12] =	ssyncset.done $0x0  }
0x1a4: {  	[sflag:s12] =	ssyncadd.s32 $0xFFFFEC00  }
0x1a5: {  	_ =	swait.ge [sflag:s12], $0x1400  }
0x1a6: {  	[sflag:s12] =	ssyncset.done $0x0  }
0x1a7: {  	[sflag:s12] =	ssyncadd.s32 $0xFFFFEC00  }
0x1a8: {  	_ =	swait.ge [sflag:s12], $0x1400  }
0x1a9: {  	[sflag:s12] =	ssyncset.done $0x0  }
0x1aa: {  	[sflag:s12] =	ssyncadd.s32 $0xFFFFEC00  }
0x1ab: {  	_ =	swait.ge [sflag:s12], $0x1400  }
0x1ac: {  	[sflag:s12] =	ssyncset.done $0x0  }
0x1ad: {  	s18 =	simm.s32 $0x0;
	[sflag:s12] =	ssyncadd.s32 $0xFFFFEC00  }
0x1ae: {  	v5 =	vld [tilespmem:s18+$0x27B0];
	_ =	sdelay $0x1  }
0x1af: {  	v3 =	vld [tilespmem:s18+$0x2780]  }
0x1b0: {  	v2 =	vld [tilespmem:s18+$0x2790]  }
0x1b1: {  	v1 =	vld [tilespmem:s18+$0x27A0];
	_ =	sdelay $0x3  }
0x1b2: {  	v0 =	vld.idx.msk [tilespmem:v5+s4+$0x0], $0xffff  }
0x1b3: {  	v4 =	vadd.s32 $0x3E8, v5  }
0x1b4: {  	v6 =	vld.idx.msk [tilespmem:v3+s4+$0x0], $0xffff  }
0x1b5: {  	v7 =	vadd.s32 $0x3E8, v3;
	v8 =	vld.idx.msk [tilespmem:v2+s4+$0x0], $0xffff  }
0x1b6: {  	v9 =	vadd.s32 $0x3E8, v2;
	v10 =	vld.idx.msk [tilespmem:v1+s4+$0x0], $0xffff  }
0x1b7: {  	[tilespmem:s18+$0x4FB0] =	vst v0;
	v0 =	vadd.s32 $0x3E8, v1  }
0x1b8: {  	v4 =	vld.idx.msk [tilespmem:v4+s4+$0x0], $0xffff  }
0x1b9: {  	v11 =	vadd.s32 $0x7D0, v5;
	[tilespmem:s18+$0x4F80] =	vst v6  }
0x1ba: {  	[tilespmem:s18+$0x4F90] =	vst v8;
	v6 =	vld.idx.msk [tilespmem:v7+s4+$0x0], $0xffff  }
0x1bb: {  	[tilespmem:s18+$0x4FA0] =	vst v10;
	v7 =	vadd.s32 $0x7D0, v3;
	v8 =	vld.idx.msk [tilespmem:v9+s4+$0x0], $0xffff  }
0x1bc: {  	v9 =	vadd.s32 $0x7D0, v2;
	v0 =	vld.idx.msk [tilespmem:v0+s4+$0x0], $0xffff  }
0x1bd: {  	[tilespmem:s18+$0x63B0] =	vst v4;
	v4 =	vadd.s32 $0x7D0, v1  }
0x1be: {  	s19 =	sand.u32 $0x1FC0, s14;
	v10 =	vld.idx.msk [tilespmem:v11+s4+$0x0], $0xffff  }
0x1bf: {  	[tilespmem:s19+$0x6380] =	vst v6;
	v11 =	vadd.s32 $0xBB8, v5  }
0x1c0: {  	[tilespmem:s18+$0x6390] =	vst v8;
	v6 =	vld.idx.msk [tilespmem:v7+s4+$0x0], $0xffff  }
0x1c1: {  	v7 =	vadd.s32 $0xBB8, v3;
	v8 =	vld.idx.msk [tilespmem:v9+s4+$0x0], $0xffff;
	[tilespmem:s18+$0x63A0] =	vst v0  }
0x1c2: {  	v0 =	vadd.s32 $0xBB8, v2;
	v4 =	vld.idx.msk [tilespmem:v4+s4+$0x0], $0xffff  }
0x1c3: {  	v9 =	vadd.s32 $0xBB8, v1;
	[tilespmem:s18+$0x77B0] =	vst v10  }
0x1c4: {  	v10 =	vld.idx.msk [tilespmem:v11+s4+$0x0], $0xffff  }
0x1c5: {  	[tilespmem:s19+$0x7780] =	vst v6;
	v11 =	vadd.s32 $0xFA0, v5  }
0x1c6: {  	[tilespmem:s18+$0x7790] =	vst v8;
	v6 =	vld.idx.msk [tilespmem:v7+s4+$0x0], $0xffff  }
0x1c7: {  	v0 =	vld.idx.msk [tilespmem:v0+s4+$0x0], $0xffff;
	[tilespmem:s18+$0x77A0] =	vst v4  }
0x1c8: {  	s20 =	simm.s32 $0x40;
	v7 =	vadd.s32 $0xFA0, v3;
	v8 =	vld.idx.msk [tilespmem:v9+s4+$0x0], $0xffff  }
0x1c9: {  	v16 =	vld [tilespmem:s20+$0x27A0];
	v9 =	vadd.s32 $0xFA0, v1;
	[tilespmem:s18+$0x8BB0] =	vst v10  }
0x1ca: {  	v4 =	vadd.s32 $0xFA0, v2;
	v10 =	vld.idx.msk [tilespmem:v11+s4+$0x0], $0xffff  }
0x1cb: {  	[tilespmem:s19+$0x8B80] =	vst v6;
	v6 =	vld [tilespmem:s20+$0x2780];
	v11 =	vadd.s32 $0x1388, v5  }
0x1cc: {  	[tilespmem:s18+$0x8B90] =	vst v0;
	v0 =	vld [tilespmem:s20+$0x27B0]  }
0x1cd: {  	v7 =	vld.idx.msk [tilespmem:v7+s4+$0x0], $0xffff;
	[tilespmem:s18+$0x8BA0] =	vst v8  }
0x1ce: {  	v8 =	vld.idx.msk [tilespmem:v9+s4+$0x0], $0xffff;
	v9 =	vadd.s32 $0x1388, v3  }
0x1cf: {  	v12 =	vld.idx.msk [tilespmem:v4+s4+$0x0], $0xffff;
	[tilespmem:s18+$0x9FB0] =	vst v10  }
0x1d0: {  	v10 =	vld.idx.msk [tilespmem:v11+s4+$0x0], $0xffff;
	v11 =	vadd.s32 $0x1388, v2  }
0x1d1: {  	v14 =	vadd.s32 $0x1388, v1;
	v19 =	vld.idx.msk [tilespmem:v16+s4+$0x0], $0xffff  }
0x1d2: {  	v13 =	vadd.s32 $0x1770, v5;
	v4 =	vld [tilespmem:s20+$0x2790];
	[tilespmem:s19+$0x9F80] =	vst v7  }
0x1d3: {  	v7 =	vld.idx.msk [tilespmem:v9+s4+$0x0], $0xffff  }
0x1d4: {  	[tilespmem:s18+$0x9F90] =	vst v12;
	v12 =	vld.idx.msk [tilespmem:v0+s4+$0x0], $0xffff  }
0x1d5: {  	[tilespmem:s18+$0x9FA0] =	vst v8;
	v9 =	vld.idx.msk [tilespmem:v11+s4+$0x0], $0xffff  }
0x1d6: {  	[tilespmem:s18+$0xB3B0] =	vst v10;
	v10 =	vadd.s32 $0x1770, v3;
	v11 =	vld.idx.msk [tilespmem:v14+s4+$0x0], $0xffff  }
0x1d7: {  	v14 =	vadd.s32 $0x1770, v2;
	v8 =	vld.idx.msk [tilespmem:v13+s4+$0x0], $0xffff  }
0x1d8: {  	[tilespmem:s20+$0x4FA0] =	vst v19;
	v18 =	vadd.s32 $0x3E8, v0;
	v15 =	vld.idx.msk [tilespmem:v6+s4+$0x0], $0xffff  }
0x1d9: {  	v13 =	vadd.s32 $0x1B58, v5;
	[tilespmem:s19+$0xB380] =	vst v7  }
0x1da: {  	v17 =	vld.idx.msk [tilespmem:v4+s4+$0x0], $0xffff;
	v7 =	vadd.s32 $0x3E8, v6;
	[tilespmem:s20+$0x4FB0] =	vst v12  }
0x1db: {  	[tilespmem:s18+$0xB390] =	vst v9;
	v9 =	vadd.s32 $0x3E8, v4;
	v10 =	vld.idx.msk [tilespmem:v10+s4+$0x0], $0xffff  }
0x1dc: {  	[tilespmem:s18+$0xC7B0] =	vst v8;
	v8 =	vadd.s32 $0x3E8, v16;
	v12 =	vld.idx.msk [tilespmem:v14+s4+$0x0], $0xffff  }
0x1dd: {  	[tilespmem:s20+$0x4F80] =	vst v15;
	v14 =	vld.idx.msk [tilespmem:v18+s4+$0x0], $0xffff;
	v18 =	vadd.s32 $0x1B58, v3  }
0x1de: {  	[tilespmem:s18+$0xB3A0] =	vst v11;
	v11 =	vld.idx.msk [tilespmem:v13+s4+$0x0], $0xffff;
	v13 =	vadd.s32 $0x1770, v1  }
0x1df: {  	v15 =	vadd.s32 $0x1F40, v5;
	[tilespmem:s20+$0x4F90] =	vst v17;
	v7 =	vld.idx.msk [tilespmem:v7+s4+$0x0], $0xffff  }
0x1e0: {  	v17 =	vadd.s32 $0x7D0, v0;
	v9 =	vld.idx.msk [tilespmem:v9+s4+$0x0], $0xffff;
	[tilespmem:s19+$0xC780] =	vst v10  }
0x1e1: {  	v19 =	vadd.s32 $0x7D0, v6;
	v8 =	vld.idx.msk [tilespmem:v8+s4+$0x0], $0xffff;
	[tilespmem:s18+$0xC790] =	vst v12  }
0x1e2: {  	s21 =	simm.s32 $0x40;
	v10 =	vadd.s32 $0x7D0, v4;
	[tilespmem:s20+$0x63B0] =	vst v14;
	v14 =	vld.idx.msk [tilespmem:v18+s4+$0x0], $0xffff  }
0x1e3: {  	s7 =	sand.u32 $0x1FC0, s21;
	v13 =	vld.idx.msk [tilespmem:v13+s4+$0x0], $0xffff;
	[tilespmem:s18+$0xDBB0] =	vst v11;
	v11 =	vadd.s32 $0x7D0, v16  }
0x1e4: {  	v12 =	vld.idx.msk [tilespmem:v15+s4+$0x0], $0xffff;
	v15 =	vadd.s32 $0x1B58, v2;
	[tilespmem:s7+$0x6380] =	vst v7  }
0x1e5: {  	v7 =	vld.idx.msk [tilespmem:v17+s4+$0x0], $0xffff;
	v17 =	vadd.s32 $0x1B58, v1;
	[tilespmem:s20+$0x6390] =	vst v9  }
0x1e6: {  	v5 =	vadd.s32 $0x2328, v5;
	v18 =	vld.idx.msk [tilespmem:v19+s4+$0x0], $0xffff;
	[tilespmem:s20+$0x63A0] =	vst v8  }
0x1e7: {  	v9 =	vld.idx.msk [tilespmem:v10+s4+$0x0], $0xffff;
	v8 =	vadd.s32 $0xBB8, v0;
	[tilespmem:s19+$0xDB80] =	vst v14  }
0x1e8: {  	v10 =	vadd.s32 $0xBB8, v6;
	v11 =	vld.idx.msk [tilespmem:v11+s4+$0x0], $0xffff;
	[tilespmem:s18+$0xC7A0] =	vst v13  }
0x1e9: {  	v14 =	vadd.s32 $0x1F40, v3;
	v15 =	vld.idx.msk [tilespmem:v15+s4+$0x0], $0xffff;
	[tilespmem:s18+$0xEFB0] =	vst v12  }
0x1ea: {  	v13 =	vadd.s32 $0xBB8, v4;
	[tilespmem:s20+$0x77B0] =	vst v7;
	v7 =	vld.idx.msk [tilespmem:v17+s4+$0x0], $0xffff  }
0x1eb: {  	v12 =	vadd.s32 $0xBB8, v16;
	v5 =	vld.idx.msk [tilespmem:v5+s4+$0x0], $0xffff  }
0x1ec: {  	v17 =	vadd.s32 $0x1F40, v2;
	[tilespmem:s7+$0x7780] =	vst v18;
	v8 =	vld.idx.msk [tilespmem:v8+s4+$0x0], $0xffff  }
0x1ed: {  	v18 =	vadd.s32 $0x1F40, v1;
	v10 =	vld.idx.msk [tilespmem:v10+s4+$0x0], $0xffff;
	[tilespmem:s20+$0x7790] =	vst v9  }
0x1ee: {  	v22 =	vld.idx.msk [tilespmem:v14+s4+$0x0], $0xffff;
	[tilespmem:s20+$0x77A0] =	vst v11;
	v11 =	vadd.s32 $0xFA0, v0  }
0x1ef: {  	v9 =	vld.idx.msk [tilespmem:v13+s4+$0x0], $0xffff;
	v13 =	vadd.s32 $0xFA0, v6;
	[tilespmem:s18+$0xDB90] =	vst v15  }
0x1f0: {  	v3 =	vadd.s32 $0x2328, v3;
	v12 =	vld.idx.msk [tilespmem:v12+s4+$0x0], $0xffff;
	[tilespmem:s18+$0xDBA0] =	vst v7  }
0x1f1: {  	s17 =	smul.u32 $0x2800, s15;
	v20 =	vadd.s32 $0xFA0, v4;
	[tilespmem:s18+$0x103B0] =	vst v5;
	v23 =	vld.idx.msk [tilespmem:v17+s4+$0x0], $0xffff  }
0x1f2: {  	v21 =	vadd.s32 $0xFA0, v16;
	v24 =	vld.idx.msk [tilespmem:v18+s4+$0x0], $0xffff;
	[tilespmem:s20+$0x8BB0] =	vst v8  }
0x1f3: {  	s0 =	sadd.s32 s17, s23;
	v18 =	vadd.s32 $0x2328, v2;
	[tilespmem:s7+$0x8B80] =	vst v10;
	v25 =	vld.idx.msk [tilespmem:v11+s4+$0x0], $0xffff  }
0x1f4: {  	s0 =	sshrl.u32 s0, $0x3;
	v26 =	vadd.s32 $0x2328, v1;
	v1 =	vadd.s32 $0x1B58, v6;
	[tilespmem:s19+$0xEF80] =	vst v22;
	v19 =	vld.idx.msk [tilespmem:v13+s4+$0x0], $0xffff  }
0x1f5: {  	s25 =	sadd.s32 s16, s0;
	v14 =	vadd.s32 $0x1388, v6;
	v15 =	vadd.s32 $0x1388, v4;
	v22 =	vadd.s32 $0x1388, v0;
	[tilespmem:s20+$0x8B90] =	vst v9;
	v17 =	vld.idx.msk [tilespmem:v3+s4+$0x0], $0xffff  }
0x1f6: {  	s10 =	simm.s32 $0x200;
	s28 =	sadd.s32 $0x64000, s25;
	v7 =	vadd.s32 $0x1F40, v16;
	v5 =	vadd.s32 $0x1770, v6;
	v2 =	vadd.s32 $0x1F40, v6;
	v20 =	vld.idx.msk [tilespmem:v20+s4+$0x0], $0xffff;
	[tilespmem:s20+$0x8BA0] =	vst v12  }
0x1f7: {  	s29 =	sadd.s32 $0xC8000, s25;
	s30 =	sadd.s32 $0x12C000, s25;
	s31 =	sadd.s32 $0x190000, s25;
	v10 =	vadd.s32 $0x1B58, v4;
	v8 =	vadd.s32 $0x1B58, v16;
	v13 =	vadd.s32 $0x1388, v16;
	v21 =	vld.idx.msk [tilespmem:v21+s4+$0x0], $0xffff;
	[tilespmem:s18+$0xEF90] =	vst v23  }
0x1f8: {  	s9 =	simm.s32 $0x4;
	s2 =	sadd.s32 $0x1F4000, s25;
	s5 =	sadd.s32 $0x258000, s25;
	v9 =	vadd.s32 $0x1770, v4;
	v3 =	vadd.s32 $0x2328, v6;
	v11 =	vadd.s32 $0x1F40, v4;
	[tilespmem:s18+$0xEFA0] =	vst v24;
	v18 =	vld.idx.msk [tilespmem:v18+s4+$0x0], $0xffff  }
0x1f9: {  	s6 =	sadd.s32 $0x2BC000, s25;
	s0 =	sadd.s32 $0x320000, s25;
	s8 =	sadd.s32 $0x384000, s25;
	v6 =	vadd.s32 $0x2328, v4;
	v4 =	vadd.s32 $0x2328, v16;
	v12 =	vadd.s32 $0x1770, v16;
	v16 =	vld.idx.msk [tilespmem:v26+s4+$0x0], $0xffff;
	[tilespmem:s20+$0x9FB0] =	vst v25  }
.LBB2_7:
0x1fa: {  	s1 =	sshra.s32 s10, $0x2;
	s9 =	sadd.s32 $0x4, s9;
	[tilespmem:s7+$0x9F80] =	vst v19;
	v19 =	vld.idx.msk [tilespmem:v22+s4+$0x0], $0xffff  }
0x1fb: {  	v22 =	vld [tilespmem:s1+$0x27B0];
	p0 =	slt.u32 s9, $0x13C;
	[tilespmem:s20+$0x9F90] =	vst v20  }
0x1fc: {  	v20 =	vld [tilespmem:s1+$0x2780];
	[tilespmem:s20+$0x9FA0] =	vst v21;
	v21 =	vadd.s32 $0x1770, v0  }
0x1fd: {  	v23 =	vld [tilespmem:s1+$0x2790];
	[tilespmem:s19+$0x10380] =	vst v17;
	s19 =	smov.u32 s7  }
0x1fe: {  	v17 =	vld [tilespmem:s1+$0x27A0];
	[tilespmem:s18+$0x10390] =	vst v18  }
0x1ff: {  	v18 =	vld.idx.msk [tilespmem:v14+s4+$0x0], $0xffff;
	[tilespmem:s18+$0x103A0] =	vst v16;
	s18 =	smov.u32 s20;
	s20 =	smov.u32 s1  }
0x200: {  	v16 =	vld.idx.msk [tilespmem:v15+s4+$0x0], $0xffff;
	[tilespmem:s18+$0xB3B0] =	vst v19  }
0x201: {  	v19 =	vadd.s32 $0x3E8, v20;
	v24 =	vadd.s32 $0x7D0, v20;
	v25 =	vadd.s32 $0xBB8, v20;
	v21 =	vld.idx.msk [tilespmem:v21+s4+$0x0], $0xffff  }
0x202: {  	v26 =	vadd.s32 $0x3E8, v23;
	v27 =	vadd.s32 $0x7D0, v23;
	v28 =	vadd.s32 $0xBB8, v23;
	v29 =	vld.idx.msk [tilespmem:v13+s4+$0x0], $0xffff  }
0x203: {  	v33 =	vadd.s32 $0x1B58, v0;
	v30 =	vadd.s32 $0x3E8, v17;
	v31 =	vadd.s32 $0x7D0, v17;
	v32 =	vld.idx.msk [tilespmem:v22+s4+$0x0], $0xffff  }
0x204: {  	v35 =	vadd.s32 $0xFA0, v20;
	v36 =	vadd.s32 $0xFA0, v23;
	v37 =	vadd.s32 $0xBB8, v17;
	v34 =	vld.idx.msk [tilespmem:v20+s4+$0x0], $0xffff  }
0x205: {  	v40 =	vadd.s32 $0x3E8, v22;
	v14 =	vadd.s32 $0x1388, v20;
	v39 =	vadd.s32 $0xFA0, v17;
	v38 =	vld.idx.msk [tilespmem:v23+s4+$0x0], $0xffff;
	[tilespmem:s19+$0xB380] =	vst v18  }
0x206: {  	v15 =	vadd.s32 $0x1388, v23;
	v13 =	vadd.s32 $0x1388, v17;
	v18 =	vadd.s32 $0x1770, v20;
	v41 =	vld.idx.msk [tilespmem:v17+s4+$0x0], $0xffff;
	[tilespmem:s18+$0xB390] =	vst v16  }
0x207: {  	v42 =	vadd.s32 $0x1770, v23;
	v43 =	vadd.s32 $0x1770, v17;
	v16 =	vadd.s32 $0x1B58, v20;
	v44 =	vld.idx.msk [tilespmem:v5+s4+$0x0], $0xffff;
	[tilespmem:s18+$0xC7B0] =	vst v21;
	v5 =	vmovc v18  }
0x208: {  	v45 =	vadd.s32 $0x1B58, v17;
	v18 =	vadd.s32 $0x1F40, v20;
	v21 =	vadd.s32 $0x1B58, v23;
	[tilespmem:s18+$0xB3A0] =	vst v29;
	v29 =	vld.idx.msk [tilespmem:v33+s4+$0x0], $0xffff  }
0x209: {  	v46 =	vadd.s32 $0x1F40, v17;
	v33 =	vadd.s32 $0x2328, v20;
	v20 =	vadd.s32 $0x1F40, v23;
	[tilespmem:s20+$0x4FB0] =	vst v32;
	v32 =	vld.idx.msk [tilespmem:v9+s4+$0x0], $0xffff;
	v9 =	vmovc v42  }
0x20a: {  	v23 =	vadd.s32 $0x2328, v23;
	[tilespmem:s20+$0x4F80] =	vst v34;
	v34 =	vadd.s32 $0x2328, v17;
	v17 =	vld.idx.msk [tilespmem:v40+s4+$0x0], $0xffff;
	v40 =	vadd.s32 $0x1F40, v0  }
0x20b: {  	v19 =	vld.idx.msk [tilespmem:v19+s4+$0x0], $0xffff;
	[tilespmem:s20+$0x4F90] =	vst v38  }
0x20c: {  	v38 =	vadd.s32 $0x7D0, v22;
	v26 =	vld.idx.msk [tilespmem:v26+s4+$0x0], $0xffff;
	[tilespmem:s20+$0x4FA0] =	vst v41  }
0x20d: {  	v30 =	vld.idx.msk [tilespmem:v30+s4+$0x0], $0xffff;
	[tilespmem:s19+$0xC780] =	vst v44  }
0x20e: {  	v41 =	vld.idx.msk [tilespmem:v12+s4+$0x0], $0xffff;
	[tilespmem:s18+$0xDBB0] =	vst v29;
	v12 =	vmov v43  }
0x20f: {  	s21 =	sadd.s32 $0x40, s21;
	[tilespmem:s18+$0xC790] =	vst v32;
	v29 =	vld.idx.msk [tilespmem:v40+s4+$0x0], $0xffff  }
0x210: {  	s7 =	sand.u32 $0x1FC0, s21;
	[tilespmem:s20+$0x63B0] =	vst v17;
	v17 =	vld.idx.msk [tilespmem:v1+s4+$0x0], $0xffff;
	v1 =	vmov v16  }
0x211: {  	[tilespmem:s7+$0x6380] =	vst v19;
	v16 =	vld.idx.msk [tilespmem:v38+s4+$0x0], $0xffff;
	v19 =	vadd.s32 $0x2328, v0;
	v0 =	vmov v22  }
0x212: {  	v22 =	vld.idx.msk [tilespmem:v24+s4+$0x0], $0xffff;
	[tilespmem:s20+$0x6390] =	vst v26  }
0x213: {  	v26 =	vadd.s32 $0xBB8, v0;
	v24 =	vld.idx.msk [tilespmem:v27+s4+$0x0], $0xffff;
	[tilespmem:s20+$0x63A0] =	vst v30  }
0x214: {  	v27 =	vld.idx.msk [tilespmem:v31+s4+$0x0], $0xffff;
	[tilespmem:s18+$0xC7A0] =	vst v41  }
0x215: {  	v30 =	vld.idx.msk [tilespmem:v10+s4+$0x0], $0xffff;
	[tilespmem:s18+$0xEFB0] =	vst v29;
	v10 =	vmov v21  }
0x216: {  	[tilespmem:s19+$0xDB80] =	vst v17;
	v17 =	vld.idx.msk [tilespmem:v19+s4+$0x0], $0xffff  }
0x217: {  	[tilespmem:s20+$0x77B0] =	vst v16;
	v16 =	vld.idx.msk [tilespmem:v8+s4+$0x0], $0xffff;
	v8 =	vmov v45  }
0x218: {  	[tilespmem:s7+$0x7780] =	vst v22;
	v19 =	vld.idx.msk [tilespmem:v26+s4+$0x0], $0xffff  }
0x219: {  	v21 =	vld.idx.msk [tilespmem:v25+s4+$0x0], $0xffff;
	[tilespmem:s20+$0x7790] =	vst v24  }
0x21a: {  	v24 =	vadd.s32 $0xFA0, v0;
	v22 =	vld.idx.msk [tilespmem:v28+s4+$0x0], $0xffff;
	[tilespmem:s20+$0x77A0] =	vst v27  }
0x21b: {  	v25 =	vld.idx.msk [tilespmem:v37+s4+$0x0], $0xffff;
	[tilespmem:s18+$0xDB90] =	vst v30  }
0x21c: {  	v26 =	vld.idx.msk [tilespmem:v2+s4+$0x0], $0xffff;
	[tilespmem:s18+$0x103B0] =	vst v17;
	v2 =	vmov v18  }
0x21d: {  	v18 =	vld.idx.msk [tilespmem:v11+s4+$0x0], $0xffff;
	[tilespmem:s18+$0xDBA0] =	vst v16;
	v11 =	vmov v20  }
0x21e: {  	[tilespmem:s20+$0x8BB0] =	vst v19;
	v16 =	vld.idx.msk [tilespmem:v7+s4+$0x0], $0xffff;
	v7 =	vmov v46  }
0x21f: {  	[tilespmem:s7+$0x8B80] =	vst v21;
	v24 =	vld.idx.msk [tilespmem:v24+s4+$0x0], $0xffff  }
0x220: {  	v19 =	vld.idx.msk [tilespmem:v35+s4+$0x0], $0xffff;
	[tilespmem:s20+$0x8B90] =	vst v22  }
.Ltmp2:
0x221: {  	v22 =	vadd.s32 $0x1388, v0;
	v20 =	vld.idx.msk [tilespmem:v36+s4+$0x0], $0xffff;
	[tilespmem:s20+$0x8BA0] =	vst v25;
	(pc) =	sbr.rel @p0 .LBB2_7-.Ltmp2, $4  }
0x222: {  	v21 =	vld.idx.msk [tilespmem:v39+s4+$0x0], $0xffff;
	[tilespmem:s19+$0xEF80] =	vst v26  }
0x223: {  	v17 =	vld.idx.msk [tilespmem:v3+s4+$0x0], $0xffff;
	[tilespmem:s18+$0xEF90] =	vst v18;
	v3 =	vmov v33  }
0x224: {  	v18 =	vld.idx.msk [tilespmem:v6+s4+$0x0], $0xffff;
	[tilespmem:s18+$0xEFA0] =	vst v16;
	v6 =	vmov v23  }
0x225: {  	s10 =	sadd.s32 $0x100, s10;
	[tilespmem:s20+$0x9FB0] =	vst v24;
	v16 =	vld.idx.msk [tilespmem:v4+s4+$0x0], $0xffff;
	v4 =	vmov v34  }
0x226: {  	_ =	sdelay $0x3  }
0x227: {  	[tilespmem:s7+$0x9F80] =	vst v19;
	v19 =	vld.idx.msk [tilespmem:v22+s4+$0x0], $0xffff  }
0x228: {  	[tilespmem:s20+$0x9F90] =	vst v20;
	v20 =	vadd.s32 $0x1770, v0;
	v14 =	vld.idx.msk [tilespmem:v14+s4+$0x0], $0xffff  }
0x229: {  	[tilespmem:s20+$0x9FA0] =	vst v21;
	v15 =	vld.idx.msk [tilespmem:v15+s4+$0x0], $0xffff  }
0x22a: {  	v13 =	vld.idx.msk [tilespmem:v13+s4+$0x0], $0xffff;
	_ =	sdelay $0x1  }
0x22b: {  	[tilespmem:s20+$0xB3B0] =	vst v19  }
0x22c: {  	v19 =	vld.idx.msk [tilespmem:v20+s4+$0x0], $0xffff;
	[tilespmem:s7+$0xB380] =	vst v14  }
0x22d: {  	v14 =	vadd.s32 $0x1B58, v0;
	[tilespmem:s20+$0xB390] =	vst v15;
	v5 =	vld.idx.msk [tilespmem:v5+s4+$0x0], $0xffff  }
0x22e: {  	[tilespmem:s20+$0xB3A0] =	vst v13;
	v9 =	vld.idx.msk [tilespmem:v9+s4+$0x0], $0xffff  }
0x22f: {  	v12 =	vld.idx.msk [tilespmem:v12+s4+$0x0], $0xffff;
	_ =	sdelay $0x1  }
0x230: {  	[tilespmem:s20+$0xC7B0] =	vst v19  }
0x231: {  	v13 =	vld.idx.msk [tilespmem:v14+s4+$0x0], $0xffff;
	[tilespmem:s7+$0xC780] =	vst v5  }
0x232: {  	v5 =	vadd.s32 $0x1F40, v0;
	[tilespmem:s20+$0xC790] =	vst v9;
	v1 =	vld.idx.msk [tilespmem:v1+s4+$0x0], $0xffff  }
0x233: {  	[tilespmem:s20+$0xC7A0] =	vst v12;
	v9 =	vld.idx.msk [tilespmem:v10+s4+$0x0], $0xffff  }
0x234: {  	v8 =	vld.idx.msk [tilespmem:v8+s4+$0x0], $0xffff;
	_ =	sdelay $0x1  }
0x235: {  	[tilespmem:s20+$0xDBB0] =	vst v13  }
0x236: {  	v5 =	vld.idx.msk [tilespmem:v5+s4+$0x0], $0xffff;
	[tilespmem:s7+$0xDB80] =	vst v1  }
0x237: {  	v0 =	vadd.s32 $0x2328, v0;
	[tilespmem:s20+$0xDB90] =	vst v9;
	v1 =	vld.idx.msk [tilespmem:v2+s4+$0x0], $0xffff  }
0x238: {  	v2 =	vld.idx.msk [tilespmem:v11+s4+$0x0], $0xffff;
	[tilespmem:s20+$0xDBA0] =	vst v8  }
0x239: {  	v7 =	vld.idx.msk [tilespmem:v7+s4+$0x0], $0xffff  }
0x23a: {  	[tilespmem:s19+$0x10380] =	vst v17  }
0x23b: {  	[tilespmem:s20+$0xEFB0] =	vst v5  }
0x23c: {  	v0 =	vld.idx.msk [tilespmem:v0+s4+$0x0], $0xffff;
	[tilespmem:s7+$0xEF80] =	vst v1  }
0x23d: {  	[tilespmem:s20+$0xEF90] =	vst v2;
	v1 =	vld.idx.msk [tilespmem:v3+s4+$0x0], $0xffff  }
0x23e: {  	v2 =	vld.idx.msk [tilespmem:v6+s4+$0x0], $0xffff;
	[tilespmem:s20+$0xEFA0] =	vst v7  }
0x23f: {  	[tilespmem:s18+$0x10390] =	vst v18;
	v3 =	vld.idx.msk [tilespmem:v4+s4+$0x0], $0xffff  }
0x240: {  	[tilespmem:s18+$0x103A0] =	vst v16  }
0x241: {  	[tilespmem:s20+$0x103B0] =	vst v0  }
0x242: {  	[tilespmem:s7+$0x10380] =	vst v1  }
0x243: {  	[tilespmem:s20+$0x10390] =	vst v2  }
0x244: {  	s1 =	simm.s32 $0x4F80;
	s7 =	simm.s32 $0x0;
	[tilespmem:s20+$0x103A0] =	vst v3  }
0x245: {  	[hbm4b:s25+s7] =	stream.linear.scatter [tilespmem:s1], [sflag:$0x3], $0x1400, $0x38;
	[tilespmem:$0x1DF80] =	vst v63  }
0x246: {  	s9 =	simm.s32 $0x6380  }
0x247: {  	[hbm4b:s28+s7] =	stream.linear.scatter [tilespmem:s9], [sflag:$0x3], $0x1400, $0x38;
	[tilespmem:$0x1DF80] =	vst v63  }
0x248: {  	s10 =	simm.s32 $0x7780  }
0x249: {  	[hbm4b:s29+s7] =	stream.linear.scatter [tilespmem:s10], [sflag:$0x3], $0x1400, $0x38;
	[tilespmem:$0x1DF80] =	vst v63  }
0x24a: {  	s18 =	simm.s32 $0x8B80  }
0x24b: {  	[hbm4b:s30+s7] =	stream.linear.scatter [tilespmem:s18], [sflag:$0x3], $0x1400, $0x38;
	[tilespmem:$0x1DF80] =	vst v63  }
0x24c: {  	s19 =	simm.s32 $0x9F80  }
0x24d: {  	[hbm4b:s31+s7] =	stream.linear.scatter [tilespmem:s19], [sflag:$0x3], $0x1400, $0x38;
	[tilespmem:$0x1DF80] =	vst v63  }
0x24e: {  	s20 =	simm.s32 $0xB380  }
0x24f: {  	[hbm4b:s2+s7] =	stream.linear.scatter [tilespmem:s20], [sflag:$0x3], $0x1400, $0x38;
	[tilespmem:$0x1DF80] =	vst v63  }
0x250: {  	s21 =	simm.s32 $0xC780  }
0x251: {  	[hbm4b:s5+s7] =	stream.linear.scatter [tilespmem:s21], [sflag:$0x3], $0x1400, $0x38;
	[tilespmem:$0x1DF80] =	vst v63  }
0x252: {  	s25 =	simm.s32 $0xDB80;
	s18 =	sshll.u32 s15, $0x1  }
0x253: {  	[hbm4b:s6+s7] =	stream.linear.scatter [tilespmem:s25], [sflag:$0x3], $0x1400, $0x38;
	[tilespmem:$0x1DF80] =	vst v63  }
0x254: {  	s2 =	simm.s32 $0xEF80;
	s5 =	smin.u32 s18, $0xF  }
0x255: {  	[hbm4b:s0+s7] =	stream.linear.scatter [tilespmem:s2], [sflag:$0x3], $0x1400, $0x38;
	[tilespmem:$0x1DF80] =	vst v63  }
0x256: {  	s9 =	rddreg [dreg:$0x14];
	s6 =	simm.s32 $0x10380;
	s0 =	smul.u32 $0x1400, s5  }
0x257: {  	[hbm4b:s8+s7] =	stream.linear.scatter [tilespmem:s6], [sflag:$0x3], $0x1400, $0x38;
	[tilespmem:$0x1DF80] =	vst v63  }
0x258: {  	s0 =	sadd.s32 s0, s9  }
0x259: {  	s0 =	sshrl.u32 s0, $0x3  }
0x25a: {  	s10 =	simm.s32 $0x2780;
	s0 =	sadd.s32 s3, s0  }
0x25b: {  	[tilespmem:s10], [sflag:$0x1] =	stream.linear.gather [hbm4b:s0+s7], $0x1400, $0x38;
	[tilespmem:$0x1DF80] =	vst v63  }
0x25c: {  	_ =	swait.ge [sflag:s26], $0x1400  }
0x25d: {  	[sflag:s26] =	ssyncset.done $0x0  }
0x25e: {  	[sflag:s26] =	ssyncadd.s32 $0xFFFFEC00  }
0x25f: {  	_ =	swait.ge [sflag:s13], $0x1400  }
0x260: {  	[sflag:s13] =	ssyncset.done $0x0  }
0x261: {  	[sflag:s13] =	ssyncadd.s32 $0xFFFFEC00  }
0x262: {  	_ =	swait.ge [sflag:s13], $0x1400  }
0x263: {  	[sflag:s13] =	ssyncset.done $0x0  }
0x264: {  	[sflag:s13] =	ssyncadd.s32 $0xFFFFEC00  }
0x265: {  	_ =	swait.ge [sflag:s13], $0x1400  }
0x266: {  	[sflag:s13] =	ssyncset.done $0x0  }
0x267: {  	[sflag:s13] =	ssyncadd.s32 $0xFFFFEC00  }
0x268: {  	_ =	swait.ge [sflag:s13], $0x1400  }
0x269: {  	[sflag:s13] =	ssyncset.done $0x0  }
0x26a: {  	[sflag:s13] =	ssyncadd.s32 $0xFFFFEC00  }
0x26b: {  	_ =	swait.ge [sflag:s13], $0x1400  }
0x26c: {  	[sflag:s13] =	ssyncset.done $0x0  }
0x26d: {  	[sflag:s13] =	ssyncadd.s32 $0xFFFFEC00  }
0x26e: {  	_ =	swait.ge [sflag:s13], $0x1400  }
0x26f: {  	[sflag:s13] =	ssyncset.done $0x0  }
0x270: {  	[sflag:s13] =	ssyncadd.s32 $0xFFFFEC00  }
0x271: {  	_ =	swait.ge [sflag:s13], $0x1400  }
0x272: {  	[sflag:s13] =	ssyncset.done $0x0  }
0x273: {  	[sflag:s13] =	ssyncadd.s32 $0xFFFFEC00  }
0x274: {  	_ =	swait.ge [sflag:s13], $0x1400  }
0x275: {  	[sflag:s13] =	ssyncset.done $0x0  }
0x276: {  	[sflag:s13] =	ssyncadd.s32 $0xFFFFEC00  }
0x277: {  	_ =	swait.ge [sflag:s13], $0x1400  }
0x278: {  	[sflag:s13] =	ssyncset.done $0x0  }
0x279: {  	[sflag:s13] =	ssyncadd.s32 $0xFFFFEC00  }
0x27a: {  	_ =	swait.ge [sflag:s13], $0x1400  }
0x27b: {  	[sflag:s13] =	ssyncset.done $0x0  }
0x27c: {  	s19 =	simm.s32 $0x0;
	[sflag:s13] =	ssyncadd.s32 $0xFFFFEC00  }
0x27d: {  	v4 =	vld [tilespmem:s19+$0x3BB0]  }
0x27e: {  	v3 =	vld [tilespmem:s19+$0x3B80];
	_ =	sdelay $0x1  }
0x27f: {  	v2 =	vld [tilespmem:s19+$0x3B90]  }
0x280: {  	v1 =	vld [tilespmem:s19+$0x3BA0];
	_ =	sdelay $0x3  }
0x281: {  	v0 =	vld.idx.msk [tilespmem:v4+s4+$0x0], $0xffff  }
0x282: {  	v5 =	vadd.s32 $0x3E8, v4;
	v6 =	vld.idx.msk [tilespmem:v3+s4+$0x0], $0xffff  }
0x283: {  	v7 =	vadd.s32 $0x3E8, v3  }
0x284: {  	v8 =	vld.idx.msk [tilespmem:v2+s4+$0x0], $0xffff  }
0x285: {  	v9 =	vadd.s32 $0x3E8, v2;
	v10 =	vld.idx.msk [tilespmem:v1+s4+$0x0], $0xffff  }
0x286: {  	[tilespmem:s19+$0x117B0] =	vst v0;
	v0 =	vadd.s32 $0x3E8, v1  }
0x287: {  	[tilespmem:s19+$0x11780] =	vst v6;
	v5 =	vld.idx.msk [tilespmem:v5+s4+$0x0], $0xffff  }
0x288: {  	v11 =	vadd.s32 $0x7D0, v4;
	v6 =	vld.idx.msk [tilespmem:v7+s4+$0x0], $0xffff  }
0x289: {  	[tilespmem:s19+$0x11790] =	vst v8;
	v7 =	vadd.s32 $0x7D0, v3  }
0x28a: {  	[tilespmem:s19+$0x117A0] =	vst v10;
	v8 =	vld.idx.msk [tilespmem:v9+s4+$0x0], $0xffff  }
0x28b: {  	v9 =	vadd.s32 $0x7D0, v2;
	v0 =	vld.idx.msk [tilespmem:v0+s4+$0x0], $0xffff  }
0x28c: {  	s20 =	sand.u32 $0x1FC0, s7;
	[tilespmem:s19+$0x12BB0] =	vst v5;
	v5 =	vadd.s32 $0x7D0, v1  }
0x28d: {  	[tilespmem:s20+$0x12B80] =	vst v6;
	v10 =	vld.idx.msk [tilespmem:v11+s4+$0x0], $0xffff  }
0x28e: {  	v11 =	vadd.s32 $0xBB8, v4;
	v6 =	vld.idx.msk [tilespmem:v7+s4+$0x0], $0xffff  }
0x28f: {  	[tilespmem:s19+$0x12B90] =	vst v8;
	v7 =	vadd.s32 $0xBB8, v3  }
0x290: {  	v8 =	vld.idx.msk [tilespmem:v9+s4+$0x0], $0xffff;
	[tilespmem:s19+$0x12BA0] =	vst v0  }
0x291: {  	v0 =	vadd.s32 $0xBB8, v2;
	v5 =	vld.idx.msk [tilespmem:v5+s4+$0x0], $0xffff  }
0x292: {  	v9 =	vadd.s32 $0xBB8, v1;
	[tilespmem:s19+$0x13FB0] =	vst v10  }
0x293: {  	[tilespmem:s20+$0x13F80] =	vst v6;
	v10 =	vld.idx.msk [tilespmem:v11+s4+$0x0], $0xffff  }
0x294: {  	v11 =	vadd.s32 $0xFA0, v4;
	v6 =	vld.idx.msk [tilespmem:v7+s4+$0x0], $0xffff  }
0x295: {  	[tilespmem:s19+$0x13F90] =	vst v8;
	v7 =	vadd.s32 $0xFA0, v3  }
0x296: {  	v0 =	vld.idx.msk [tilespmem:v0+s4+$0x0], $0xffff;
	[tilespmem:s19+$0x13FA0] =	vst v5  }
0x297: {  	s21 =	simm.s32 $0x40;
	v8 =	vld.idx.msk [tilespmem:v9+s4+$0x0], $0xffff  }
0x298: {  	v16 =	vld [tilespmem:s21+$0x3BA0];
	v9 =	vadd.s32 $0xFA0, v1;
	[tilespmem:s19+$0x153B0] =	vst v10  }
0x299: {  	v5 =	vadd.s32 $0xFA0, v2;
	[tilespmem:s20+$0x15380] =	vst v6;
	v10 =	vld.idx.msk [tilespmem:v11+s4+$0x0], $0xffff  }
0x29a: {  	v11 =	vadd.s32 $0x1388, v4;
	v6 =	vld.idx.msk [tilespmem:v7+s4+$0x0], $0xffff  }
0x29b: {  	[tilespmem:s19+$0x15390] =	vst v0;
	v0 =	vld [tilespmem:s21+$0x3BB0]  }
0x29c: {  	v7 =	vld [tilespmem:s21+$0x3B80];
	[tilespmem:s19+$0x153A0] =	vst v8  }
0x29d: {  	v8 =	vld.idx.msk [tilespmem:v9+s4+$0x0], $0xffff;
	v9 =	vadd.s32 $0x1388, v3  }
0x29e: {  	v12 =	vld.idx.msk [tilespmem:v5+s4+$0x0], $0xffff;
	[tilespmem:s19+$0x167B0] =	vst v10  }
0x29f: {  	v10 =	vld.idx.msk [tilespmem:v11+s4+$0x0], $0xffff;
	v11 =	vadd.s32 $0x1388, v2  }
0x2a0: {  	v14 =	vadd.s32 $0x1388, v1;
	v19 =	vld.idx.msk [tilespmem:v16+s4+$0x0], $0xffff  }
0x2a1: {  	v13 =	vadd.s32 $0x1770, v4;
	v5 =	vld [tilespmem:s21+$0x3B90];
	[tilespmem:s20+$0x16780] =	vst v6  }
0x2a2: {  	v6 =	vld.idx.msk [tilespmem:v9+s4+$0x0], $0xffff  }
0x2a3: {  	[tilespmem:s19+$0x16790] =	vst v12;
	v12 =	vld.idx.msk [tilespmem:v0+s4+$0x0], $0xffff  }
0x2a4: {  	[tilespmem:s19+$0x167A0] =	vst v8;
	v9 =	vld.idx.msk [tilespmem:v11+s4+$0x0], $0xffff  }
0x2a5: {  	[tilespmem:s19+$0x17BB0] =	vst v10;
	v10 =	vadd.s32 $0x1770, v3;
	v11 =	vld.idx.msk [tilespmem:v14+s4+$0x0], $0xffff  }
0x2a6: {  	v14 =	vadd.s32 $0x1770, v2;
	v8 =	vld.idx.msk [tilespmem:v13+s4+$0x0], $0xffff  }
0x2a7: {  	[tilespmem:s21+$0x117A0] =	vst v19;
	v18 =	vadd.s32 $0x3E8, v0;
	v15 =	vld.idx.msk [tilespmem:v7+s4+$0x0], $0xffff  }
0x2a8: {  	v13 =	vadd.s32 $0x1B58, v4;
	[tilespmem:s20+$0x17B80] =	vst v6  }
0x2a9: {  	v17 =	vld.idx.msk [tilespmem:v5+s4+$0x0], $0xffff;
	v6 =	vadd.s32 $0x3E8, v7;
	[tilespmem:s21+$0x117B0] =	vst v12  }
0x2aa: {  	[tilespmem:s19+$0x17B90] =	vst v9;
	v9 =	vadd.s32 $0x3E8, v5;
	v10 =	vld.idx.msk [tilespmem:v10+s4+$0x0], $0xffff  }
0x2ab: {  	[tilespmem:s19+$0x18FB0] =	vst v8;
	v8 =	vadd.s32 $0x3E8, v16;
	v12 =	vld.idx.msk [tilespmem:v14+s4+$0x0], $0xffff  }
0x2ac: {  	[tilespmem:s21+$0x11780] =	vst v15;
	v14 =	vld.idx.msk [tilespmem:v18+s4+$0x0], $0xffff;
	v18 =	vadd.s32 $0x1B58, v3  }
0x2ad: {  	[tilespmem:s19+$0x17BA0] =	vst v11;
	v11 =	vld.idx.msk [tilespmem:v13+s4+$0x0], $0xffff;
	v13 =	vadd.s32 $0x1770, v1  }
0x2ae: {  	v15 =	vadd.s32 $0x1F40, v4;
	[tilespmem:s21+$0x11790] =	vst v17;
	v6 =	vld.idx.msk [tilespmem:v6+s4+$0x0], $0xffff  }
0x2af: {  	v17 =	vadd.s32 $0x7D0, v0;
	v9 =	vld.idx.msk [tilespmem:v9+s4+$0x0], $0xffff;
	[tilespmem:s20+$0x18F80] =	vst v10  }
0x2b0: {  	v19 =	vadd.s32 $0x7D0, v7;
	v8 =	vld.idx.msk [tilespmem:v8+s4+$0x0], $0xffff;
	[tilespmem:s19+$0x18F90] =	vst v12  }
0x2b1: {  	s25 =	simm.s32 $0x40;
	v10 =	vadd.s32 $0x7D0, v5;
	[tilespmem:s21+$0x12BB0] =	vst v14;
	v14 =	vld.idx.msk [tilespmem:v18+s4+$0x0], $0xffff  }
0x2b2: {  	s7 =	sand.u32 $0x1FC0, s25;
	v13 =	vld.idx.msk [tilespmem:v13+s4+$0x0], $0xffff;
	[tilespmem:s19+$0x1A3B0] =	vst v11;
	v11 =	vadd.s32 $0x7D0, v16  }
0x2b3: {  	v12 =	vld.idx.msk [tilespmem:v15+s4+$0x0], $0xffff;
	v15 =	vadd.s32 $0x1B58, v2;
	[tilespmem:s7+$0x12B80] =	vst v6  }
0x2b4: {  	v6 =	vld.idx.msk [tilespmem:v17+s4+$0x0], $0xffff;
	v17 =	vadd.s32 $0x1B58, v1;
	[tilespmem:s21+$0x12B90] =	vst v9  }
0x2b5: {  	v4 =	vadd.s32 $0x2328, v4;
	v18 =	vld.idx.msk [tilespmem:v19+s4+$0x0], $0xffff;
	[tilespmem:s21+$0x12BA0] =	vst v8  }
0x2b6: {  	v9 =	vld.idx.msk [tilespmem:v10+s4+$0x0], $0xffff;
	v8 =	vadd.s32 $0xBB8, v0;
	[tilespmem:s20+$0x1A380] =	vst v14  }
0x2b7: {  	v10 =	vadd.s32 $0xBB8, v7;
	v11 =	vld.idx.msk [tilespmem:v11+s4+$0x0], $0xffff;
	[tilespmem:s19+$0x18FA0] =	vst v13  }
0x2b8: {  	v14 =	vadd.s32 $0x1F40, v3;
	v15 =	vld.idx.msk [tilespmem:v15+s4+$0x0], $0xffff;
	[tilespmem:s19+$0x1B7B0] =	vst v12  }
0x2b9: {  	v13 =	vadd.s32 $0xBB8, v5;
	[tilespmem:s21+$0x13FB0] =	vst v6;
	v6 =	vld.idx.msk [tilespmem:v17+s4+$0x0], $0xffff  }
0x2ba: {  	v12 =	vadd.s32 $0xBB8, v16;
	v4 =	vld.idx.msk [tilespmem:v4+s4+$0x0], $0xffff;
	[tilespmem:s7+$0x13F80] =	vst v18  }
0x2bb: {  	v17 =	vadd.s32 $0x1F40, v2;
	v8 =	vld.idx.msk [tilespmem:v8+s4+$0x0], $0xffff;
	[tilespmem:s21+$0x13F90] =	vst v9  }
0x2bc: {  	v18 =	vadd.s32 $0x1F40, v1;
	v10 =	vld.idx.msk [tilespmem:v10+s4+$0x0], $0xffff;
	[tilespmem:s21+$0x13FA0] =	vst v11  }
0x2bd: {  	v22 =	vld.idx.msk [tilespmem:v14+s4+$0x0], $0xffff;
	v11 =	vadd.s32 $0xFA0, v0;
	[tilespmem:s19+$0x1A390] =	vst v15  }
0x2be: {  	v9 =	vld.idx.msk [tilespmem:v13+s4+$0x0], $0xffff;
	v13 =	vadd.s32 $0xFA0, v7;
	[tilespmem:s19+$0x1A3A0] =	vst v6  }
0x2bf: {  	v20 =	vadd.s32 $0xFA0, v5;
	v12 =	vld.idx.msk [tilespmem:v12+s4+$0x0], $0xffff;
	[tilespmem:s19+$0x1CBB0] =	vst v4  }
0x2c0: {  	v4 =	vadd.s32 $0xFA0, v16;
	v23 =	vld.idx.msk [tilespmem:v17+s4+$0x0], $0xffff;
	[tilespmem:s21+$0x153B0] =	vst v8  }
0x2c1: {  	v17 =	vadd.s32 $0x2328, v3;
	v24 =	vld.idx.msk [tilespmem:v18+s4+$0x0], $0xffff;
	[tilespmem:s7+$0x15380] =	vst v10  }
0x2c2: {  	s17 =	sadd.s32 s17, s22;
	v2 =	vadd.s32 $0x2328, v2;
	[tilespmem:s20+$0x1B780] =	vst v22;
	v25 =	vld.idx.msk [tilespmem:v11+s4+$0x0], $0xffff  }
0x2c3: {  	s0 =	sshrl.u32 s17, $0x3;
	v26 =	vadd.s32 $0x2328, v1;
	v1 =	vadd.s32 $0x2328, v7;
	v19 =	vld.idx.msk [tilespmem:v13+s4+$0x0], $0xffff;
	[tilespmem:s21+$0x15390] =	vst v9  }
0x2c4: {  	s17 =	sadd.s32 s16, s0;
	v14 =	vadd.s32 $0x1388, v7;
	v6 =	vadd.s32 $0x1770, v7;
	v22 =	vadd.s32 $0x1388, v0;
	v20 =	vld.idx.msk [tilespmem:v20+s4+$0x0], $0xffff;
	[tilespmem:s21+$0x153A0] =	vst v12  }
0x2c5: {  	s10 =	simm.s32 $0x200;
	s28 =	sadd.s32 $0x64000, s17;
	s29 =	sadd.s32 $0xC8000, s17;
	v15 =	vadd.s32 $0x1388, v5;
	v3 =	vadd.s32 $0x1B58, v7;
	v10 =	vadd.s32 $0x1B58, v5;
	v21 =	vld.idx.msk [tilespmem:v4+s4+$0x0], $0xffff  }
0x2c6: {  	s2 =	sadd.s32 $0x12C000, s17;
	s30 =	sadd.s32 $0x190000, s17;
	v8 =	vadd.s32 $0x1B58, v16;
	v13 =	vadd.s32 $0x1388, v16;
	v9 =	vadd.s32 $0x1770, v5;
	v17 =	vld.idx.msk [tilespmem:v17+s4+$0x0], $0xffff;
	[tilespmem:s19+$0x1B790] =	vst v23  }
0x2c7: {  	s9 =	simm.s32 $0x4;
	s31 =	sadd.s32 $0x1F4000, s17;
	s0 =	sadd.s32 $0x258000, s17;
	v11 =	vadd.s32 $0x1F40, v5;
	v5 =	vadd.s32 $0x2328, v5;
	v12 =	vadd.s32 $0x1770, v16;
	[tilespmem:s19+$0x1B7A0] =	vst v24;
	v18 =	vld.idx.msk [tilespmem:v2+s4+$0x0], $0xffff  }
0x2c8: {  	s5 =	sadd.s32 $0x2BC000, s17;
	s6 =	sadd.s32 $0x320000, s17;
	s8 =	sadd.s32 $0x384000, s17;
	v4 =	vadd.s32 $0x1F40, v7;
	v7 =	vadd.s32 $0x1F40, v16;
	v2 =	vadd.s32 $0x2328, v16;
	v16 =	vld.idx.msk [tilespmem:v26+s4+$0x0], $0xffff;
	[tilespmem:s21+$0x167B0] =	vst v25  }
.LBB2_9:
0x2c9: {  	s1 =	sshra.s32 s10, $0x2;
	s9 =	sadd.s32 $0x4, s9;
	[tilespmem:s7+$0x16780] =	vst v19;
	v19 =	vld.idx.msk [tilespmem:v22+s4+$0x0], $0xffff  }
0x2ca: {  	v22 =	vld [tilespmem:s1+$0x3BB0];
	p0 =	slt.u32 s9, $0x13C;
	[tilespmem:s21+$0x16790] =	vst v20  }
0x2cb: {  	v20 =	vld [tilespmem:s1+$0x3B80];
	[tilespmem:s21+$0x167A0] =	vst v21;
	v21 =	vadd.s32 $0x1770, v0  }
0x2cc: {  	v23 =	vld [tilespmem:s1+$0x3B90];
	[tilespmem:s20+$0x1CB80] =	vst v17;
	s20 =	smov.u32 s7  }
0x2cd: {  	v17 =	vld [tilespmem:s1+$0x3BA0];
	[tilespmem:s19+$0x1CB90] =	vst v18  }
0x2ce: {  	v18 =	vld.idx.msk [tilespmem:v14+s4+$0x0], $0xffff;
	[tilespmem:s19+$0x1CBA0] =	vst v16;
	s19 =	smov.u32 s21;
	s21 =	smov.u32 s1  }
0x2cf: {  	v16 =	vld.idx.msk [tilespmem:v15+s4+$0x0], $0xffff;
	[tilespmem:s19+$0x17BB0] =	vst v19  }
0x2d0: {  	v19 =	vadd.s32 $0x3E8, v20;
	v24 =	vadd.s32 $0x7D0, v20;
	v25 =	vadd.s32 $0xBB8, v20;
	v21 =	vld.idx.msk [tilespmem:v21+s4+$0x0], $0xffff  }
0x2d1: {  	v26 =	vadd.s32 $0x3E8, v23;
	v27 =	vadd.s32 $0x7D0, v23;
	v28 =	vadd.s32 $0xBB8, v23;
	v29 =	vld.idx.msk [tilespmem:v13+s4+$0x0], $0xffff  }
0x2d2: {  	v33 =	vadd.s32 $0x1B58, v0;
	v30 =	vadd.s32 $0x3E8, v17;
	v31 =	vadd.s32 $0x7D0, v17;
	v32 =	vld.idx.msk [tilespmem:v22+s4+$0x0], $0xffff  }
0x2d3: {  	v35 =	vadd.s32 $0xFA0, v20;
	v36 =	vadd.s32 $0xFA0, v23;
	v37 =	vadd.s32 $0xBB8, v17;
	v34 =	vld.idx.msk [tilespmem:v20+s4+$0x0], $0xffff  }
0x2d4: {  	v40 =	vadd.s32 $0x3E8, v22;
	v14 =	vadd.s32 $0x1388, v20;
	v39 =	vadd.s32 $0xFA0, v17;
	v38 =	vld.idx.msk [tilespmem:v23+s4+$0x0], $0xffff;
	[tilespmem:s20+$0x17B80] =	vst v18  }
0x2d5: {  	v15 =	vadd.s32 $0x1388, v23;
	v13 =	vadd.s32 $0x1388, v17;
	v18 =	vadd.s32 $0x1770, v20;
	v41 =	vld.idx.msk [tilespmem:v17+s4+$0x0], $0xffff;
	[tilespmem:s19+$0x17B90] =	vst v16  }
0x2d6: {  	v42 =	vadd.s32 $0x1770, v23;
	v43 =	vadd.s32 $0x1770, v17;
	v16 =	vadd.s32 $0x1B58, v20;
	v44 =	vld.idx.msk [tilespmem:v6+s4+$0x0], $0xffff;
	[tilespmem:s19+$0x18FB0] =	vst v21;
	v6 =	vmovc v18  }
0x2d7: {  	v45 =	vadd.s32 $0x1B58, v17;
	v18 =	vadd.s32 $0x1F40, v20;
	v21 =	vadd.s32 $0x1B58, v23;
	[tilespmem:s19+$0x17BA0] =	vst v29;
	v29 =	vld.idx.msk [tilespmem:v33+s4+$0x0], $0xffff  }
0x2d8: {  	v46 =	vadd.s32 $0x1F40, v17;
	v33 =	vadd.s32 $0x2328, v20;
	v20 =	vadd.s32 $0x1F40, v23;
	[tilespmem:s21+$0x117B0] =	vst v32;
	v32 =	vld.idx.msk [tilespmem:v9+s4+$0x0], $0xffff;
	v9 =	vmovc v42  }
0x2d9: {  	v23 =	vadd.s32 $0x2328, v23;
	[tilespmem:s21+$0x11780] =	vst v34;
	v34 =	vadd.s32 $0x2328, v17;
	v17 =	vld.idx.msk [tilespmem:v40+s4+$0x0], $0xffff;
	v40 =	vadd.s32 $0x1F40, v0  }
0x2da: {  	v19 =	vld.idx.msk [tilespmem:v19+s4+$0x0], $0xffff;
	[tilespmem:s21+$0x11790] =	vst v38  }
0x2db: {  	v38 =	vadd.s32 $0x7D0, v22;
	v26 =	vld.idx.msk [tilespmem:v26+s4+$0x0], $0xffff;
	[tilespmem:s21+$0x117A0] =	vst v41  }
0x2dc: {  	v30 =	vld.idx.msk [tilespmem:v30+s4+$0x0], $0xffff;
	[tilespmem:s20+$0x18F80] =	vst v44  }
0x2dd: {  	v41 =	vld.idx.msk [tilespmem:v12+s4+$0x0], $0xffff;
	[tilespmem:s19+$0x1A3B0] =	vst v29;
	v12 =	vmov v43  }
0x2de: {  	s25 =	sadd.s32 $0x40, s25;
	[tilespmem:s19+$0x18F90] =	vst v32;
	v29 =	vld.idx.msk [tilespmem:v40+s4+$0x0], $0xffff  }
0x2df: {  	s7 =	sand.u32 $0x1FC0, s25;
	[tilespmem:s21+$0x12BB0] =	vst v17;
	v17 =	vld.idx.msk [tilespmem:v3+s4+$0x0], $0xffff;
	v3 =	vmov v16  }
0x2e0: {  	[tilespmem:s7+$0x12B80] =	vst v19;
	v16 =	vld.idx.msk [tilespmem:v38+s4+$0x0], $0xffff;
	v19 =	vadd.s32 $0x2328, v0;
	v0 =	vmov v22  }
0x2e1: {  	v22 =	vld.idx.msk [tilespmem:v24+s4+$0x0], $0xffff;
	[tilespmem:s21+$0x12B90] =	vst v26  }
0x2e2: {  	v26 =	vadd.s32 $0xBB8, v0;
	v24 =	vld.idx.msk [tilespmem:v27+s4+$0x0], $0xffff;
	[tilespmem:s21+$0x12BA0] =	vst v30  }
0x2e3: {  	v27 =	vld.idx.msk [tilespmem:v31+s4+$0x0], $0xffff;
	[tilespmem:s19+$0x18FA0] =	vst v41  }
0x2e4: {  	v30 =	vld.idx.msk [tilespmem:v10+s4+$0x0], $0xffff;
	[tilespmem:s19+$0x1B7B0] =	vst v29;
	v10 =	vmov v21  }
0x2e5: {  	[tilespmem:s20+$0x1A380] =	vst v17;
	v17 =	vld.idx.msk [tilespmem:v19+s4+$0x0], $0xffff  }
0x2e6: {  	[tilespmem:s21+$0x13FB0] =	vst v16;
	v16 =	vld.idx.msk [tilespmem:v8+s4+$0x0], $0xffff;
	v8 =	vmov v45  }
0x2e7: {  	[tilespmem:s7+$0x13F80] =	vst v22;
	v19 =	vld.idx.msk [tilespmem:v26+s4+$0x0], $0xffff  }
0x2e8: {  	v21 =	vld.idx.msk [tilespmem:v25+s4+$0x0], $0xffff;
	[tilespmem:s21+$0x13F90] =	vst v24  }
0x2e9: {  	v24 =	vadd.s32 $0xFA0, v0;
	v22 =	vld.idx.msk [tilespmem:v28+s4+$0x0], $0xffff;
	[tilespmem:s21+$0x13FA0] =	vst v27  }
0x2ea: {  	v25 =	vld.idx.msk [tilespmem:v37+s4+$0x0], $0xffff;
	[tilespmem:s19+$0x1A390] =	vst v30  }
0x2eb: {  	v26 =	vld.idx.msk [tilespmem:v4+s4+$0x0], $0xffff;
	[tilespmem:s19+$0x1CBB0] =	vst v17;
	v4 =	vmov v18  }
0x2ec: {  	v18 =	vld.idx.msk [tilespmem:v11+s4+$0x0], $0xffff;
	[tilespmem:s19+$0x1A3A0] =	vst v16;
	v11 =	vmov v20  }
0x2ed: {  	[tilespmem:s21+$0x153B0] =	vst v19;
	v16 =	vld.idx.msk [tilespmem:v7+s4+$0x0], $0xffff;
	v7 =	vmov v46  }
0x2ee: {  	[tilespmem:s7+$0x15380] =	vst v21;
	v24 =	vld.idx.msk [tilespmem:v24+s4+$0x0], $0xffff  }
0x2ef: {  	v19 =	vld.idx.msk [tilespmem:v35+s4+$0x0], $0xffff;
	[tilespmem:s21+$0x15390] =	vst v22  }
.Ltmp3:
0x2f0: {  	v22 =	vadd.s32 $0x1388, v0;
	v20 =	vld.idx.msk [tilespmem:v36+s4+$0x0], $0xffff;
	[tilespmem:s21+$0x153A0] =	vst v25;
	(pc) =	sbr.rel @p0 .LBB2_9-.Ltmp3, $4  }
0x2f1: {  	v21 =	vld.idx.msk [tilespmem:v39+s4+$0x0], $0xffff;
	[tilespmem:s20+$0x1B780] =	vst v26  }
0x2f2: {  	v17 =	vld.idx.msk [tilespmem:v1+s4+$0x0], $0xffff;
	[tilespmem:s19+$0x1B790] =	vst v18;
	v1 =	vmov v33  }
0x2f3: {  	v18 =	vld.idx.msk [tilespmem:v5+s4+$0x0], $0xffff;
	[tilespmem:s19+$0x1B7A0] =	vst v16;
	v5 =	vmov v23  }
0x2f4: {  	s10 =	sadd.s32 $0x100, s10;
	[tilespmem:s21+$0x167B0] =	vst v24;
	v16 =	vld.idx.msk [tilespmem:v2+s4+$0x0], $0xffff;
	v2 =	vmov v34  }
0x2f5: {  	_ =	sdelay $0x3  }
0x2f6: {  	[tilespmem:s7+$0x16780] =	vst v19;
	v54 =	vld.idx.msk [tilespmem:v22+s4+$0x0], $0xffff  }
0x2f7: {  	[tilespmem:s21+$0x16790] =	vst v20;
	v55 =	vadd.s32 $0x1770, v0;
	v14 =	vld.idx.msk [tilespmem:v14+s4+$0x0], $0xffff  }
0x2f8: {  	[tilespmem:s21+$0x167A0] =	vst v21;
	v15 =	vld.idx.msk [tilespmem:v15+s4+$0x0], $0xffff  }
0x2f9: {  	v13 =	vld.idx.msk [tilespmem:v13+s4+$0x0], $0xffff;
	_ =	sdelay $0x1  }
0x2fa: {  	[tilespmem:s21+$0x17BB0] =	vst v54  }
0x2fb: {  	[tilespmem:s7+$0x17B80] =	vst v14;
	v56 =	vld.idx.msk [tilespmem:v55+s4+$0x0], $0xffff  }
0x2fc: {  	v57 =	vadd.s32 $0x1B58, v0;
	[tilespmem:s21+$0x17B90] =	vst v15;
	v6 =	vld.idx.msk [tilespmem:v6+s4+$0x0], $0xffff  }
0x2fd: {  	[tilespmem:s21+$0x17BA0] =	vst v13;
	v9 =	vld.idx.msk [tilespmem:v9+s4+$0x0], $0xffff  }
0x2fe: {  	v12 =	vld.idx.msk [tilespmem:v12+s4+$0x0], $0xffff;
	_ =	sdelay $0x1  }
0x2ff: {  	[tilespmem:s21+$0x18FB0] =	vst v56  }
0x300: {  	[tilespmem:s7+$0x18F80] =	vst v6;
	v58 =	vld.idx.msk [tilespmem:v57+s4+$0x0], $0xffff  }
0x301: {  	v59 =	vadd.s32 $0x1F40, v0;
	[tilespmem:s21+$0x18F90] =	vst v9;
	v3 =	vld.idx.msk [tilespmem:v3+s4+$0x0], $0xffff  }
0x302: {  	[tilespmem:s21+$0x18FA0] =	vst v12;
	v10 =	vld.idx.msk [tilespmem:v10+s4+$0x0], $0xffff  }
0x303: {  	v8 =	vld.idx.msk [tilespmem:v8+s4+$0x0], $0xffff;
	_ =	sdelay $0x1  }
0x304: {  	[tilespmem:s21+$0x1A3B0] =	vst v58  }
0x305: {  	[tilespmem:s7+$0x1A380] =	vst v3;
	v60 =	vld.idx.msk [tilespmem:v59+s4+$0x0], $0xffff  }
0x306: {  	v61 =	vadd.s32 $0x2328, v0;
	[tilespmem:s21+$0x1A390] =	vst v10;
	v3 =	vld.idx.msk [tilespmem:v4+s4+$0x0], $0xffff  }
0x307: {  	v62 =	vld.idx.msk [tilespmem:v11+s4+$0x0], $0xffff;
	[tilespmem:s21+$0x1A3A0] =	vst v8  }
0x308: {  	v7 =	vld.idx.msk [tilespmem:v7+s4+$0x0], $0xffff  }
0x309: {  	[tilespmem:s20+$0x1CB80] =	vst v17  }
0x30a: {  	[tilespmem:s21+$0x1B7B0] =	vst v60  }
0x30b: {  	[tilespmem:s7+$0x1B780] =	vst v3;
	v0 =	vld.idx.msk [tilespmem:v61+s4+$0x0], $0xffff  }
0x30c: {  	[tilespmem:s21+$0x1B790] =	vst v62;
	v1 =	vld.idx.msk [tilespmem:v1+s4+$0x0], $0xffff  }
0x30d: {  	v63 =	vld.idx.msk [tilespmem:v5+s4+$0x0], $0xffff;
	[tilespmem:s21+$0x1B7A0] =	vst v7  }
0x30e: {  	[tilespmem:s19+$0x1CB90] =	vst v18;
	v2 =	vld.idx.msk [tilespmem:v2+s4+$0x0], $0xffff  }
0x30f: {  	[tilespmem:s19+$0x1CBA0] =	vst v16  }
0x310: {  	[tilespmem:s21+$0x1CBB0] =	vst v0  }
0x311: {  	[tilespmem:s7+$0x1CB80] =	vst v1  }
0x312: {  	[tilespmem:s21+$0x1CB90] =	vst v63  }
0x313: {  	s1 =	simm.s32 $0x11780;
	[tilespmem:s21+$0x1CBA0] =	vst v2  }
0x314: {  	[hbm4b:s17+s4] =	stream.linear.scatter [tilespmem:s1], [sflag:$0x4], $0x1400, $0x38;
	[tilespmem:$0x1DF80] =	vst v63  }
0x315: {  	s9 =	simm.s32 $0x12B80  }
0x316: {  	[hbm4b:s28+s4] =	stream.linear.scatter [tilespmem:s9], [sflag:$0x4], $0x1400, $0x38;
	[tilespmem:$0x1DF80] =	vst v63  }
0x317: {  	s10 =	simm.s32 $0x13F80  }
0x318: {  	[hbm4b:s29+s4] =	stream.linear.scatter [tilespmem:s10], [sflag:$0x4], $0x1400, $0x38;
	[tilespmem:$0x1DF80] =	vst v63  }
0x319: {  	s17 =	simm.s32 $0x15380  }
0x31a: {  	[hbm4b:s2+s4] =	stream.linear.scatter [tilespmem:s17], [sflag:$0x4], $0x1400, $0x38;
	[tilespmem:$0x1DF80] =	vst v63  }
0x31b: {  	s19 =	simm.s32 $0x16780  }
0x31c: {  	[hbm4b:s30+s4] =	stream.linear.scatter [tilespmem:s19], [sflag:$0x4], $0x1400, $0x38;
	[tilespmem:$0x1DF80] =	vst v63  }
0x31d: {  	s20 =	simm.s32 $0x17B80  }
0x31e: {  	[hbm4b:s31+s4] =	stream.linear.scatter [tilespmem:s20], [sflag:$0x4], $0x1400, $0x38;
	[tilespmem:$0x1DF80] =	vst v63  }
0x31f: {  	s21 =	simm.s32 $0x18F80  }
0x320: {  	[hbm4b:s0+s4] =	stream.linear.scatter [tilespmem:s21], [sflag:$0x4], $0x1400, $0x38;
	[tilespmem:$0x1DF80] =	vst v63  }
0x321: {  	s25 =	simm.s32 $0x1A380;
	s15 =	sadd.s32 $0x1, s15;
	s29 =	smin.u32 s18, $0xE  }
0x322: {  	[hbm4b:s5+s4] =	stream.linear.scatter [tilespmem:s25], [sflag:$0x4], $0x1400, $0x38;
	[tilespmem:$0x1DF80] =	vst v63  }
0x323: {  	p0 =	sne.s32 s15, $0x9;
	s28 =	simm.s32 $0x1B780;
	s0 =	smul.u32 $0x1400, s29  }
0x324: {  	[hbm4b:s6+s4] =	stream.linear.scatter [tilespmem:s28], [sflag:$0x4], $0x1400, $0x38;
	[tilespmem:$0x1DF80] =	vst v63  }
.Ltmp4:
0x325: {  	s0 =	sadd.s32 s0, s24;
	(pc) =	sbr.rel @p0 .LBB2_6-.Ltmp4, $4  }
0x326: {  	s30 =	simm.s32 $0x1CB80;
	s0 =	sshrl.u32 s0, $0x3  }
0x327: {  	[hbm4b:s8+s4] =	stream.linear.scatter [tilespmem:s30], [sflag:$0x4], $0x1400, $0x38;
	[tilespmem:$0x1DF80] =	vst v63  }
0x328: {  	s31 =	simm.s32 $0x3B80;
	s0 =	sadd.s32 s3, s0  }
0x329: {  	[tilespmem:s31], [sflag:$0x2] =	stream.linear.gather [hbm4b:s0+s4], $0x1400, $0x38;
	[tilespmem:$0x1DF80] =	vst v63  }
0x32a: {  	_ =	swait.ge [sflag:s11], $0x1400  }
0x32b: {  	[sflag:s11] =	ssyncset.done $0x0  }
0x32c: {  	[sflag:s11] =	ssyncadd.s32 $0xFFFFEC00  }
0x32d: {  	_ =	swait.ge [sflag:s12], $0x1400  }
0x32e: {  	[sflag:s12] =	ssyncset.done $0x0  }
0x32f: {  	[sflag:s12] =	ssyncadd.s32 $0xFFFFEC00  }
0x330: {  	_ =	swait.ge [sflag:s12], $0x1400  }
0x331: {  	[sflag:s12] =	ssyncset.done $0x0  }
0x332: {  	[sflag:s12] =	ssyncadd.s32 $0xFFFFEC00  }
0x333: {  	_ =	swait.ge [sflag:s12], $0x1400  }
0x334: {  	[sflag:s12] =	ssyncset.done $0x0  }
0x335: {  	[sflag:s12] =	ssyncadd.s32 $0xFFFFEC00  }
0x336: {  	_ =	swait.ge [sflag:s12], $0x1400  }
0x337: {  	[sflag:s12] =	ssyncset.done $0x0  }
0x338: {  	[sflag:s12] =	ssyncadd.s32 $0xFFFFEC00  }
0x339: {  	_ =	swait.ge [sflag:s12], $0x1400  }
0x33a: {  	[sflag:s12] =	ssyncset.done $0x0  }
0x33b: {  	[sflag:s12] =	ssyncadd.s32 $0xFFFFEC00  }
0x33c: {  	_ =	swait.ge [sflag:s12], $0x1400  }
0x33d: {  	[sflag:s12] =	ssyncset.done $0x0  }
0x33e: {  	[sflag:s12] =	ssyncadd.s32 $0xFFFFEC00  }
0x33f: {  	_ =	swait.ge [sflag:s12], $0x1400  }
0x340: {  	[sflag:s12] =	ssyncset.done $0x0  }
0x341: {  	[sflag:s12] =	ssyncadd.s32 $0xFFFFEC00  }
0x342: {  	_ =	swait.ge [sflag:s12], $0x1400  }
0x343: {  	[sflag:s12] =	ssyncset.done $0x0  }
0x344: {  	[sflag:s12] =	ssyncadd.s32 $0xFFFFEC00  }
0x345: {  	_ =	swait.ge [sflag:s12], $0x1400  }
0x346: {  	[sflag:s12] =	ssyncset.done $0x0  }
0x347: {  	[sflag:s12] =	ssyncadd.s32 $0xFFFFEC00  }
0x348: {  	_ =	swait.ge [sflag:s12], $0x1400  }
0x349: {  	[sflag:s12] =	ssyncset.done $0x0  }
0x34a: {  	[sflag:s12] =	ssyncadd.s32 $0xFFFFEC00  }
0x34b: {  	_ =	swait.ge [sflag:s26], $0x1400  }
0x34c: {  	[sflag:s26] =	ssyncset.done $0x0  }
0x34d: {  	[sflag:s26] =	ssyncadd.s32 $0xFFFFEC00  }
0x34e: {  	_ =	swait.ge [sflag:s13], $0x1400  }
0x34f: {  	[sflag:s13] =	ssyncset.done $0x0  }
0x350: {  	[sflag:s13] =	ssyncadd.s32 $0xFFFFEC00  }
0x351: {  	_ =	swait.ge [sflag:s13], $0x1400  }
0x352: {  	[sflag:s13] =	ssyncset.done $0x0  }
0x353: {  	[sflag:s13] =	ssyncadd.s32 $0xFFFFEC00  }
0x354: {  	_ =	swait.ge [sflag:s13], $0x1400  }
0x355: {  	[sflag:s13] =	ssyncset.done $0x0  }
0x356: {  	[sflag:s13] =	ssyncadd.s32 $0xFFFFEC00  }
0x357: {  	_ =	swait.ge [sflag:s13], $0x1400  }
0x358: {  	[sflag:s13] =	ssyncset.done $0x0  }
0x359: {  	[sflag:s13] =	ssyncadd.s32 $0xFFFFEC00  }
0x35a: {  	_ =	swait.ge [sflag:s13], $0x1400  }
0x35b: {  	[sflag:s13] =	ssyncset.done $0x0  }
0x35c: {  	[sflag:s13] =	ssyncadd.s32 $0xFFFFEC00  }
0x35d: {  	_ =	swait.ge [sflag:s13], $0x1400  }
0x35e: {  	[sflag:s13] =	ssyncset.done $0x0  }
0x35f: {  	[sflag:s13] =	ssyncadd.s32 $0xFFFFEC00  }
0x360: {  	_ =	swait.ge [sflag:s13], $0x1400  }
0x361: {  	[sflag:s13] =	ssyncset.done $0x0  }
0x362: {  	[sflag:s13] =	ssyncadd.s32 $0xFFFFEC00  }
0x363: {  	_ =	swait.ge [sflag:s13], $0x1400  }
0x364: {  	[sflag:s13] =	ssyncset.done $0x0  }
0x365: {  	[sflag:s13] =	ssyncadd.s32 $0xFFFFEC00  }
0x366: {  	_ =	swait.ge [sflag:s13], $0x1400  }
0x367: {  	[sflag:s13] =	ssyncset.done $0x0  }
0x368: {  	[sflag:s13] =	ssyncadd.s32 $0xFFFFEC00  }
0x369: {  	_ =	swait.ge [sflag:s13], $0x1400  }
0x36a: {  	s1 =	rddreg [dreg:$0x1f]  }
0x36b: {  	s0 =	rddreg [dreg:$0x1a];
	s1 =	sadd.s32 $0x1, s1  }
0x36c: {  	p0 =	sne.s32 s1, s0  }
.Ltmp5:
0x36d: {  	_ = 	snop;
	(pc) =	sbr.rel @p0 .LBB2_1-.Ltmp5, $3  }
0x36e: {  	_ =	sdelay $0x1  }
0x36f: {  	[sflag:s13] =	ssyncset.done $0x0  }
0x370: {  	[sflag:s13] =	ssyncadd.s32 $0xFFFFEC00  }
0x371: {  	_ =	sfence.sel $0x180000  }
0x372: {  	[bflag:$0x0] =	sbarrier.arrive $0xFFFF  }
0x373: {  	_ =	strace $0x90000047  }
0x374: {  	s0 =	stileid.u32;
	[bflag:$0x2] =	sbarrier.arrive $0xFFFF  }
0x375: {  	p0 =	sne.s32 s0, $0x0;
	s0 =	rddreg [dreg:$0x3]  }
0x376: {  	s0 =	sadd.s32 @!p0 $0x100000, s0  }
0x377: {  	[sflag:s0] =	ssyncadd.tile.s32 @!p0 $0x1;
	_ =	shalt  }
.Lfunc_end2:
_tile_overlayer_lowered:
.L_overlay_start_2:
0x378: {  	(tag) =	ssettag $0x2  }
0x379: {  	s0 =	rddreg [dreg:$0x0];
	s2 =	stileid.u32  }
0x37a: {  	s1 =	rddreg [dreg:$0x1];
	p0 =	sne.s32 s2, $0x0  }
0x37b: {  	s3 =	rddreg [dreg:$0x2];
	[bflag:$0x3] =	sbarrier.arrive $0xFFFF;
	s2 =	simm.s32 @!p0 $0x1C05  }
0x37c: {  	[timem:s3], [sflag:s2] =	dma.local @!p0 [hbm:s0], s1  }
0x37d: {  	s0 =	simm.s32 @!p0 $0x5  }
0x37e: {  	_ =	swait.ge @!p0 [sflag:s0], s1  }
0x37f: {  	s1 =	ssub.s32 @!p0 $0x0, s1;
	[sflag:s0] =	ssyncset.done @!p0 $0x0  }
0x380: {  	[sflag:s0] =	ssyncadd.s32 @!p0 s1  }
0x381: {  	[bflag:$0x3] =	sbarrier.arrive $0xFFFF  }
0x382: {  	_ =	shalt  }

</sc_bundles>
